<compile_context>
chip_gen: v7x
topology: tpu7x:2x2x1
jax: 0.10.2.dev20260603
libtpu: 0.0.44.dev20260713+nightly
codegen_flags: <defaults>
</compile_context>

<pallas_src>
import functools

import jax
import jax.numpy as jnp
from jax import lax
from jax.experimental import pallas as pl
from jax.experimental.pallas import tpu as pltpu
from jax.experimental.pallas import tpu_sc as plsc

N = 10000
D = 128
E = 160000

NC = 2
NS = 16
NW = NC * NS
CH = 128
EPW = 5120
E_PAD = NW * EPW
N_PAD = 10112
RPT = N_PAD // NS
TRASH = N


CA = 64
CB = 16
ROWS_A = 2 * CA
ROWS_B = 2 * CB
SPLIT_ROW = NS * ROWS_A


def _agg_body(x_hbm, zeros_hbm, garr_hbm, darr_hbm, out_hbm,
              gidx_all, didx_all, rows0, rows1, agg_sh, sem0, sem1):
    cid = lax.axis_index("c")
    sid = lax.axis_index("s")
    r0 = sid * RPT
    is0 = cid == 0
    base = jnp.where(is0, sid * ROWS_A, SPLIT_ROW + sid * ROWS_B)
    n_chunks = jnp.where(is0, CA, CB)

    pltpu.sync_copy(zeros_hbm.at[pl.ds(r0, RPT)], agg_sh.at[pl.ds(r0, RPT)])
    plsc.subcore_barrier()

    def start(j, buf, sem):
        pltpu.async_copy(x_hbm.at[gidx_all.at[j]], buf, sem)

    def wait(buf, sem):
        pltpu.make_async_copy(x_hbm.at[pl.ds(0, CH)], buf, sem).wait()

    def scatter(j, buf):
        pltpu.sync_copy(buf, agg_sh.at[didx_all.at[j]], add=True)

    for p in range(2):
        poff = base + p * n_chunks

        @pl.when(is0)
        def _():
            pltpu.sync_copy(garr_hbm.at[pl.ds(poff, CA)],
                            gidx_all.at[pl.ds(0, CA)])
            pltpu.sync_copy(darr_hbm.at[pl.ds(poff, CA)],
                            didx_all.at[pl.ds(0, CA)])

        @pl.when(jnp.logical_not(is0))
        def _():
            pltpu.sync_copy(garr_hbm.at[pl.ds(poff, CB)],
                            gidx_all.at[pl.ds(0, CB)])
            pltpu.sync_copy(darr_hbm.at[pl.ds(poff, CB)],
                            didx_all.at[pl.ds(0, CB)])

        start(0, rows0, sem0)
        n_pairs = n_chunks // 2

        def body(k, carry):
            j0 = 2 * k
            j1 = j0 + 1
            wait(rows0, sem0)
            start(j1, rows1, sem1)
            scatter(j0, rows0)
            wait(rows1, sem1)

            @pl.when(k < n_pairs - 1)
            def _():
                start(j1 + 1, rows0, sem0)

            scatter(j1, rows1)
            return carry

        lax.fori_loop(0, n_pairs, body, 0)
    plsc.subcore_barrier()
    pltpu.sync_copy(agg_sh.at[pl.ds(r0, RPT)], out_hbm.at[cid, pl.ds(r0, RPT)])


@functools.cache
def _get_agg_call():
    return functools.partial(
        pl.kernel,
        out_type=jax.ShapeDtypeStruct((NC, N_PAD, D), jnp.float32),
        mesh=plsc.VectorSubcoreMesh(core_axis_name="c", subcore_axis_name="s"),
        scratch_types=[
            pltpu.VMEM((CA, CH), jnp.int32),
            pltpu.VMEM((CA, CH), jnp.int32),
            pltpu.VMEM((CH, D), jnp.float32),
            pltpu.VMEM((CH, D), jnp.float32),
            pltpu.VMEM_SHARED((N_PAD, D), jnp.float32),
            pltpu.SemaphoreType.DMA,
            pltpu.SemaphoreType.DMA,
        ],
    )(_agg_body)


def _agg(x, zeros_rows, garr, darr):
    return _get_agg_call()(x, zeros_rows, garr, darr)


_B = 1000
_G = N // _B


def _mm(a, w):
    return jnp.dot(a.astype(jnp.bfloat16), w.astype(jnp.bfloat16),
                   preferred_element_type=jnp.float32)


def _layer0_body(x_ref, ag_ref, w1, b1, w2, b2, bns, bnb, wih, bih, bhh,
                 o_ref):
    t = x_ref[...] + ag_ref[0] + ag_ref[1]
    h = jnp.maximum(_mm(t, w1[...]) + b1[...], 0.0)
    xc = _mm(h, w2[...]) + b2[...]
    xc = xc * bns[...] + bnb[...]
    gi = _mm(xc, wih[...]) + bih[...]
    gh = bhh[...]
    r = jax.nn.sigmoid(gi[:, :D] + gh[:, :D])
    z = jax.nn.sigmoid(gi[:, D:2 * D] + gh[:, D:2 * D])
    n = jnp.tanh(gi[:, 2 * D:] + r * gh[:, 2 * D:])
    o_ref[...] = (1.0 - z) * n


def _layer1_body(x_ref, ag_ref, w1, b1, w2, b2, bns, bnb, wih, whh, bih, bhh,
                 lw1, lb1, lw2, lb2, o_ref):
    xb = x_ref[...]
    t = xb + ag_ref[0] + ag_ref[1]
    h = jnp.maximum(_mm(t, w1[...]) + b1[...], 0.0)
    xc = _mm(h, w2[...]) + b2[...]
    xc = xc * bns[...] + bnb[...]
    gi = _mm(xc, wih[...]) + bih[...]
    gh = _mm(xb, whh[...]) + bhh[...]
    r = jax.nn.sigmoid(gi[:, :D] + gh[:, :D])
    z = jax.nn.sigmoid(gi[:, D:2 * D] + gh[:, D:2 * D])
    n = jnp.tanh(gi[:, 2 * D:] + r * gh[:, 2 * D:])
    hn = (1.0 - z) * n + z * xb
    u = jnp.maximum(_mm(hn, lw1[...]) + lb1[...], 0.0)
    o_ref[...] = _mm(u, lw2[...]) + lb2[...]


def _w_spec(shape):
    return pl.BlockSpec(shape, lambda i: (0,) * len(shape))


_x_spec = pl.BlockSpec((_B, D), lambda i: (i, 0))
_ag_spec = pl.BlockSpec((NC, _B, D), lambda i: (0, i, 0))

_layer0_call = pl.pallas_call(
    _layer0_body,
    grid=(_G,),
    in_specs=[
        _x_spec, _ag_spec,
        _w_spec((D, D)), _w_spec((1, D)), _w_spec((D, D)), _w_spec((1, D)),
        _w_spec((1, D)), _w_spec((1, D)),
        _w_spec((D, 3 * D)), _w_spec((1, 3 * D)), _w_spec((1, 3 * D)),
    ],
    out_specs=_x_spec,
    out_shape=jax.ShapeDtypeStruct((N, D), jnp.float32),
)

_layer1_call = pl.pallas_call(
    _layer1_body,
    grid=(_G,),
    in_specs=[
        _x_spec, _ag_spec,
        _w_spec((D, D)), _w_spec((1, D)), _w_spec((D, D)), _w_spec((1, D)),
        _w_spec((1, D)), _w_spec((1, D)),
        _w_spec((D, 3 * D)), _w_spec((D, 3 * D)),
        _w_spec((1, 3 * D)), _w_spec((1, 3 * D)),
        _w_spec((D, D)), _w_spec((1, D)), _w_spec((D, D)), _w_spec((1, D)),
    ],
    out_specs=_x_spec,
    out_shape=jax.ShapeDtypeStruct((N, D), jnp.float32),
)


def kernel(x, edge_index, mlp0_W1, mlp0_b1, mlp0_W2, mlp0_b2, bn0_gamma,
           bn0_beta, mlp1_W1, mlp1_b1, mlp1_W2, mlp1_b2, bn1_gamma, bn1_beta,
           gru_W_ih, gru_W_hh, gru_b_ih, gru_b_hh, last_W1, last_b1, last_W2,
           last_b2):
    src = edge_index[0]
    dst = edge_index[1]

    a = jnp.minimum(src, dst)
    b = jnp.maximum(src, dst)
    skey = lax.sort(a * N + b, is_stable=False)
    a_s = skey // N
    b_s = skey - a_s * N
    uniq = jnp.concatenate(
        [jnp.ones((1,), jnp.bool_), skey[1:] != skey[:-1]])
    da = jnp.where(uniq, a_s, TRASH)
    db = jnp.where(uniq & (a_s != b_s), b_s, TRASH)

    pad_i = jnp.zeros((E_PAD - E,), jnp.int32)
    pad_t = jnp.full((E_PAD - E,), TRASH, jnp.int32)
    ga = jnp.concatenate([b_s.astype(jnp.int32), pad_i])
    gb = jnp.concatenate([a_s.astype(jnp.int32), pad_i])
    da = jnp.concatenate([da.astype(jnp.int32), pad_t])
    db = jnp.concatenate([db.astype(jnp.int32), pad_t])
    S = NS * CA * CH
    garr = jnp.concatenate([
        jnp.concatenate([ga[:S].reshape(NS, CA, CH),
                         gb[:S].reshape(NS, CA, CH)], axis=1).reshape(-1, CH),
        jnp.concatenate([ga[S:].reshape(NS, CB, CH),
                         gb[S:].reshape(NS, CB, CH)], axis=1).reshape(-1, CH),
    ])
    darr = jnp.concatenate([
        jnp.concatenate([da[:S].reshape(NS, CA, CH),
                         db[:S].reshape(NS, CA, CH)], axis=1).reshape(-1, CH),
        jnp.concatenate([da[S:].reshape(NS, CB, CH),
                         db[S:].reshape(NS, CB, CH)], axis=1).reshape(-1, CH),
    ])
    zeros_rows = jnp.zeros((N_PAD, D), jnp.float32)

    wihT = gru_W_ih.T
    whhT = gru_W_hh.T
    bih = gru_b_ih.reshape(1, 3 * D)
    bhh = gru_b_hh.reshape(1, 3 * D)
    inv = 1.0 / jnp.sqrt(jnp.float32(1.0 + 1e-5))
    bns0 = (bn0_gamma * inv).reshape(1, D)
    bns1 = (bn1_gamma * inv).reshape(1, D)

    x_r = lax.reduce_precision(x, exponent_bits=8, mantissa_bits=7)
    aggp0 = _agg(x_r, zeros_rows, garr, darr)
    x1 = _layer0_call(
        x, aggp0, mlp0_W1, mlp0_b1.reshape(1, D), mlp0_W2,
        mlp0_b2.reshape(1, D), bns0, bn0_beta.reshape(1, D), wihT, bih, bhh)
    x1_r = lax.reduce_precision(x1, exponent_bits=8, mantissa_bits=7)
    aggp1 = _agg(x1_r, zeros_rows, garr, darr)
    out = _layer1_call(
        x1, aggp1, mlp1_W1, mlp1_b1.reshape(1, D), mlp1_W2,
        mlp1_b2.reshape(1, D), bns1, bn1_beta.reshape(1, D), wihT, whhT, bih,
        bhh, last_W1, last_b1.reshape(1, D), last_W2, last_b2.reshape(1, D))
    return out

# --- scband reference (transcript-rebuilt; emitter-appended) ---
"""Pipeline reference for scband-custom-layer-model-15625091023069 (READ-ONLY COPY).

The authoritative reference and input builder live on the scoring server;
editing this copy changes nothing except your own understanding.
"""

import jax, jax.numpy as jnp
import numpy as np

N = 10000
E = 160000
D_IN = 128
D_H = 128
D_OUT = 128


def _p(key, shape, scale):
    return jax.random.normal(key, shape, dtype=jnp.float32) * scale


def setup_inputs(seed: int = 0):
    key = jax.random.key(seed)
    ks = jax.random.split(key, 24)
    s_in = float(1.0 / np.sqrt(D_IN))
    s_h = float(1.0 / np.sqrt(D_H))
    inp = {}
    inp["x"] = jax.random.normal(ks[0], (N, D_IN), dtype=jnp.float32)
    inp["edge_index"] = jax.random.randint(ks[1], (2, E), 0, N, dtype=jnp.int32)
    inp["mlp0_W1"] = _p(ks[2], (D_IN, D_H), s_in)
    inp["mlp0_b1"] = _p(ks[3], (D_H,), s_in)
    inp["mlp0_W2"] = _p(ks[4], (D_H, D_H), s_h)
    inp["mlp0_b2"] = _p(ks[5], (D_H,), s_h)
    inp["bn0_gamma"] = jnp.ones((D_H,), jnp.float32)
    inp["bn0_beta"] = jnp.zeros((D_H,), jnp.float32)
    inp["mlp1_W1"] = _p(ks[6], (D_H, D_H), s_h)
    inp["mlp1_b1"] = _p(ks[7], (D_H,), s_h)
    inp["mlp1_W2"] = _p(ks[8], (D_H, D_H), s_h)
    inp["mlp1_b2"] = _p(ks[9], (D_H,), s_h)
    inp["bn1_gamma"] = jnp.ones((D_H,), jnp.float32)
    inp["bn1_beta"] = jnp.zeros((D_H,), jnp.float32)
    inp["gru_W_ih"] = _p(ks[10], (3 * D_H, D_H), s_h)
    inp["gru_W_hh"] = _p(ks[11], (3 * D_H, D_H), s_h)
    inp["gru_b_ih"] = _p(ks[12], (3 * D_H,), s_h)
    inp["gru_b_hh"] = _p(ks[13], (3 * D_H,), s_h)
    inp["last_W1"] = _p(ks[14], (D_H, D_H), s_h)
    inp["last_b1"] = _p(ks[15], (D_H,), s_h)
    inp["last_W2"] = _p(ks[16], (D_H, D_OUT), s_h)
    inp["last_b2"] = _p(ks[17], (D_OUT,), s_h)
    return inp


def _mlp(x, W1, b1, W2, b2):
    h = jnp.maximum(x @ W1 + b1, 0.0)
    return h @ W2 + b2


def _bn_eval(x, gamma, beta, eps=1e-5):
    # BatchNorm1d in eval mode with default running stats (mean=0, var=1)
    return (x - 0.0) / jnp.sqrt(1.0 + eps) * gamma + beta


def _gru(x, h, W_ih, W_hh, b_ih, b_hh):
    gi = x @ W_ih.T + b_ih
    gh = h @ W_hh.T + b_hh
    i_r, i_z, i_n = jnp.split(gi, 3, axis=1)
    h_r, h_z, h_n = jnp.split(gh, 3, axis=1)
    r = jax.nn.sigmoid(i_r + h_r)
    z = jax.nn.sigmoid(i_z + h_z)
    n = jnp.tanh(i_n + r * h_n)
    return (1.0 - z) * n + z * h


def _forward(x, edge_index, mlp0_W1, mlp0_b1, mlp0_W2, mlp0_b2, bn0_gamma, bn0_beta,
             mlp1_W1, mlp1_b1, mlp1_W2, mlp1_b2, bn1_gamma, bn1_beta,
             gru_W_ih, gru_W_hh, gru_b_ih, gru_b_hh,
             last_W1, last_b1, last_W2, last_b2):
    n = x.shape[0]
    src = edge_index[0]
    dst = edge_index[1]
    # get_adjacency: dense binary symmetric adjacency (scatter-overwrite, dedups duplicate edges)
    adj = jnp.zeros((n, n), dtype=jnp.float32)
    adj = adj.at[src, dst].set(1.0)
    adj = adj.at[dst, src].set(1.0)
    h = jnp.zeros((n, D_H), dtype=x.dtype)
    # layer 0: sum aggregation over neighbors; nodes with no neighbors stay zero (adj row is zero)
    agg = adj @ x
    xc = _mlp(x + agg, mlp0_W1, mlp0_b1, mlp0_W2, mlp0_b2)
    xc = _bn_eval(xc, bn0_gamma, bn0_beta)
    # dropout is identity in eval mode
    h = _gru(xc, h, gru_W_ih, gru_W_hh, gru_b_ih, gru_b_hh)
    x = h
    # layer 1
    agg = adj @ x
    xc = _mlp(x + agg, mlp1_W1, mlp1_b1, mlp1_W2, mlp1_b2)
    xc = _bn_eval(xc, bn1_gamma, bn1_beta)
    h = _gru(xc, h, gru_W_ih, gru_W_hh, gru_b_ih, gru_b_hh)
    x = h
    # output_type == 'node'
    return _mlp(x, last_W1, last_b1, last_W2, last_b2)


def reference(x, edge_index, mlp0_W1, mlp0_b1, mlp0_W2, mlp0_b2, bn0_gamma, bn0_beta,
              mlp1_W1, mlp1_b1, mlp1_W2, mlp1_b2, bn1_gamma, bn1_beta,
              gru_W_ih, gru_W_hh, gru_b_ih, gru_b_hh,
              last_W1, last_b1, last_W2, last_b2):
    return _forward(x, edge_index, mlp0_W1, mlp0_b1, mlp0_W2, mlp0_b2, bn0_gamma, bn0_beta,
                    mlp1_W1, mlp1_b1, mlp1_W2, mlp1_b2, bn1_gamma, bn1_beta,
                    gru_W_ih, gru_W_hh, gru_b_ih, gru_b_hh,
                    last_W1, last_b1, last_W2, last_b2)

if __name__ == "__main__":
    import jax
    _d = setup_inputs()
    print(jax.jit(kernel)(*tuple(_d.values())))

</pallas_src>

<mosaic_0001>
#map = affine_map<(d0, d1) -> (0, 0)>
#map1 = affine_map<(d0, d1) -> (0, 0, 0)>
module attributes {stable_mosaic.version = 14 : i64} {
  func.func @_agg_body(%arg0: i32, %arg1: i32, %arg2: memref<10000x128xf32, #tpu.memory_space<hbm>>, %arg3: memref<10112x128xf32, #tpu.memory_space<hbm>>, %arg4: memref<2560x128xi32, #tpu.memory_space<hbm>>, %arg5: memref<2560x128xi32, #tpu.memory_space<hbm>>, %arg6: memref<2x10112x128xf32, #tpu.memory_space<hbm>>, %arg7: memref<64x128xi32, #tpu.memory_space<vmem>>, %arg8: memref<64x128xi32, #tpu.memory_space<vmem>>, %arg9: memref<128x128xf32, #tpu.memory_space<vmem>>, %arg10: memref<128x128xf32, #tpu.memory_space<vmem>>, %arg11: memref<10112x128xf32, #tpu.memory_space<vmem_shared>>, %arg12: memref<!tpu.dma_semaphore, #tpu.memory_space<semaphore_mem>>, %arg13: memref<!tpu.dma_semaphore, #tpu.memory_space<semaphore_mem>>) attributes {dimension_semantics = [#tpu.dimension_semantics<core_parallel>, #tpu.dimension_semantics<subcore_parallel>], iteration_bounds = array<i64: 2, 16>, scalar_prefetch = 0 : i64, scratch_operands = 7 : i64, tpu.core_type = #tpu.core_type<sc_vector_subcore>, window_params = [{transform_indices = #map}, {transform_indices = #map}, {transform_indices = #map}, {transform_indices = #map}, {transform_indices = #map1}]} {
    %mul3A = arith.constant 632 : i32
    %mul3A_0 = arith.muli %arg1, %mul3A : i32
    %eq3A = arith.constant 0 : i32
    %eq3A_1 = arith.cmpi eq, %arg0, %eq3A : i32
    %mul3A_2 = arith.constant 128 : i32
    %mul3A_3 = arith.muli %arg1, %mul3A_2 : i32
    %mul3A_4 = arith.constant 32 : i32
    %mul3A_5 = arith.muli %arg1, %mul3A_4 : i32
    %add3A = arith.constant 2048 : i32
    %add3A_6 = arith.addi %add3A, %mul3A_5 : i32
    %select_n3A = arith.select %eq3A_1, %mul3A_3, %add3A_6 : i32
    %jit3A = arith.constant 64 : i32
    %jit3A_7 = arith.constant 16 : i32
    %select_n3A_8 = arith.select %eq3A_1, %jit3A, %jit3A_7 : i32
    "tpu.region"() ({
      %run_scoped3A = tpu.sem_alloc : memref<!tpu.dma_semaphore, #tpu.memory_space<semaphore_mem>>
      %dma_start3A_103 = arith.constant 0 : i32
      %dma_start3A_104 = tpu.memref_slice %arg11[%mul3A_0, %dma_start3A_103] : memref<10112x128xf32, #tpu.memory_space<vmem_shared>> -> memref<632x128xf32, #tpu.memory_space<vmem_shared>>
      %dma_start3A_105 = arith.constant 0 : i32
      %dma_start3A_106 = tpu.memref_slice %arg3[%mul3A_0, %dma_start3A_105] : memref<10112x128xf32, #tpu.memory_space<hbm>> -> memref<632x128xf32, #tpu.memory_space<hbm>>
      tpu.enqueue_dma source(%dma_start3A_106 : memref<632x128xf32, #tpu.memory_space<hbm>>) target(%dma_start3A_104 : memref<632x128xf32, #tpu.memory_space<vmem_shared>>) target_semaphore(%run_scoped3A : memref<!tpu.dma_semaphore, #tpu.memory_space<semaphore_mem>>)
      %dma_wait3A = arith.constant 0 : i32
      %dma_wait3A_107 = tpu.memref_slice %arg11[%mul3A_0, %dma_wait3A] : memref<10112x128xf32, #tpu.memory_space<vmem_shared>> -> memref<632x128xf32, #tpu.memory_space<vmem_shared>>
      %dma_wait3A_108 = arith.constant 0 : i32
      %dma_wait3A_109 = tpu.memref_slice %arg3[%mul3A_0, %dma_wait3A_108] : memref<10112x128xf32, #tpu.memory_space<hbm>> -> memref<632x128xf32, #tpu.memory_space<hbm>>
      tpu.wait_dma2 semaphore(%run_scoped3A : memref<!tpu.dma_semaphore, #tpu.memory_space<semaphore_mem>>) src(%dma_wait3A_109 : memref<632x128xf32, #tpu.memory_space<hbm>>) dst(%dma_wait3A_107 : memref<632x128xf32, #tpu.memory_space<vmem_shared>>)
      tpu.yield
    }) : () -> ()
    %barrier3A = arith.constant 0 : index
    tpu.barrier barrier_id(%barrier3A)
    %mul3A_9 = arith.constant 0 : i32
    %mul3A_10 = arith.muli %mul3A_9, %select_n3A_8 : i32
    %add3A_11 = arith.addi %select_n3A, %mul3A_10 : i32
    %convert_element_type3A = arith.extui %eq3A_1 : i1 to i32
    %cond3A = arith.constant 0 : i32
    %cond3A_12 = arith.cmpi ne, %convert_element_type3A, %cond3A : i32
    scf.if %cond3A_12 {
      "tpu.region"() ({
        %run_scoped3A = tpu.sem_alloc : memref<!tpu.dma_semaphore, #tpu.memory_space<semaphore_mem>>
        %dma_start3A_103 = arith.constant 0 : i32
        %dma_start3A_104 = arith.constant 0 : i32
        %dma_start3A_105 = tpu.memref_slice %arg7[%dma_start3A_103, %dma_start3A_104] : memref<64x128xi32, #tpu.memory_space<vmem>> -> memref<64x128xi32, #tpu.memory_space<vmem>>
        %dma_start3A_106 = arith.constant 0 : i32
        %dma_start3A_107 = tpu.memref_slice %arg4[%add3A_11, %dma_start3A_106] : memref<2560x128xi32, #tpu.memory_space<hbm>> -> memref<64x128xi32, #tpu.memory_space<hbm>>
        %dma_start3A_108 = arith.constant 0 : i32
        %dma_start3A_109 = arith.constant 0 : i32
        %dma_start3A_110 = tpu.memref_slice %arg7[%dma_start3A_108, %dma_start3A_109] : memref<64x128xi32, #tpu.memory_space<vmem>> -> memref<64x128xi32, #tpu.memory_space<vmem>>
        %dma_start3A_111 = arith.constant 0 : i32
        %dma_start3A_112 = tpu.memref_slice %arg4[%add3A_11, %dma_start3A_111] : memref<2560x128xi32, #tpu.memory_space<hbm>> -> memref<64x128xi32, #tpu.memory_space<hbm>>
        tpu.enqueue_dma source(%dma_start3A_112 : memref<64x128xi32, #tpu.memory_space<hbm>>) target(%dma_start3A_110 : memref<64x128xi32, #tpu.memory_space<vmem>>) target_semaphore(%run_scoped3A : memref<!tpu.dma_semaphore, #tpu.memory_space<semaphore_mem>>)
        %dma_wait3A = arith.constant 0 : i32
        %dma_wait3A_113 = arith.constant 0 : i32
        %dma_wait3A_114 = tpu.memref_slice %arg7[%dma_wait3A, %dma_wait3A_113] : memref<64x128xi32, #tpu.memory_space<vmem>> -> memref<64x128xi32, #tpu.memory_space<vmem>>
        %dma_wait3A_115 = arith.constant 0 : i32
        %dma_wait3A_116 = tpu.memref_slice %arg4[%add3A_11, %dma_wait3A_115] : memref<2560x128xi32, #tpu.memory_space<hbm>> -> memref<64x128xi32, #tpu.memory_space<hbm>>
        %dma_wait3A_117 = arith.constant 0 : i32
        %dma_wait3A_118 = arith.constant 0 : i32
        %dma_wait3A_119 = tpu.memref_slice %arg7[%dma_wait3A_117, %dma_wait3A_118] : memref<64x128xi32, #tpu.memory_space<vmem>> -> memref<64x128xi32, #tpu.memory_space<vmem>>
        %dma_wait3A_120 = arith.constant 0 : i32
        %dma_wait3A_121 = tpu.memref_slice %arg4[%add3A_11, %dma_wait3A_120] : memref<2560x128xi32, #tpu.memory_space<hbm>> -> memref<64x128xi32, #tpu.memory_space<hbm>>
        tpu.wait_dma2 semaphore(%run_scoped3A : memref<!tpu.dma_semaphore, #tpu.memory_space<semaphore_mem>>) src(%dma_wait3A_121 : memref<64x128xi32, #tpu.memory_space<hbm>>) dst(%dma_wait3A_119 : memref<64x128xi32, #tpu.memory_space<vmem>>)
        tpu.yield
      }) : () -> ()
      "tpu.region"() ({
        %run_scoped3A = tpu.sem_alloc : memref<!tpu.dma_semaphore, #tpu.memory_space<semaphore_mem>>
        %dma_start3A_103 = arith.constant 0 : i32
        %dma_start3A_104 = arith.constant 0 : i32
        %dma_start3A_105 = tpu.memref_slice %arg8[%dma_start3A_103, %dma_start3A_104] : memref<64x128xi32, #tpu.memory_space<vmem>> -> memref<64x128xi32, #tpu.memory_space<vmem>>
        %dma_start3A_106 = arith.constant 0 : i32
        %dma_start3A_107 = tpu.memref_slice %arg5[%add3A_11, %dma_start3A_106] : memref<2560x128xi32, #tpu.memory_space<hbm>> -> memref<64x128xi32, #tpu.memory_space<hbm>>
        %dma_start3A_108 = arith.constant 0 : i32
        %dma_start3A_109 = arith.constant 0 : i32
        %dma_start3A_110 = tpu.memref_slice %arg8[%dma_start3A_108, %dma_start3A_109] : memref<64x128xi32, #tpu.memory_space<vmem>> -> memref<64x128xi32, #tpu.memory_space<vmem>>
        %dma_start3A_111 = arith.constant 0 : i32
        %dma_start3A_112 = tpu.memref_slice %arg5[%add3A_11, %dma_start3A_111] : memref<2560x128xi32, #tpu.memory_space<hbm>> -> memref<64x128xi32, #tpu.memory_space<hbm>>
        tpu.enqueue_dma source(%dma_start3A_112 : memref<64x128xi32, #tpu.memory_space<hbm>>) target(%dma_start3A_110 : memref<64x128xi32, #tpu.memory_space<vmem>>) target_semaphore(%run_scoped3A : memref<!tpu.dma_semaphore, #tpu.memory_space<semaphore_mem>>)
        %dma_wait3A = arith.constant 0 : i32
        %dma_wait3A_113 = arith.constant 0 : i32
        %dma_wait3A_114 = tpu.memref_slice %arg8[%dma_wait3A, %dma_wait3A_113] : memref<64x128xi32, #tpu.memory_space<vmem>> -> memref<64x128xi32, #tpu.memory_space<vmem>>
        %dma_wait3A_115 = arith.constant 0 : i32
        %dma_wait3A_116 = tpu.memref_slice %arg5[%add3A_11, %dma_wait3A_115] : memref<2560x128xi32, #tpu.memory_space<hbm>> -> memref<64x128xi32, #tpu.memory_space<hbm>>
        %dma_wait3A_117 = arith.constant 0 : i32
        %dma_wait3A_118 = arith.constant 0 : i32
        %dma_wait3A_119 = tpu.memref_slice %arg8[%dma_wait3A_117, %dma_wait3A_118] : memref<64x128xi32, #tpu.memory_space<vmem>> -> memref<64x128xi32, #tpu.memory_space<vmem>>
        %dma_wait3A_120 = arith.constant 0 : i32
        %dma_wait3A_121 = tpu.memref_slice %arg5[%add3A_11, %dma_wait3A_120] : memref<2560x128xi32, #tpu.memory_space<hbm>> -> memref<64x128xi32, #tpu.memory_space<hbm>>
        tpu.wait_dma2 semaphore(%run_scoped3A : memref<!tpu.dma_semaphore, #tpu.memory_space<semaphore_mem>>) src(%dma_wait3A_121 : memref<64x128xi32, #tpu.memory_space<hbm>>) dst(%dma_wait3A_119 : memref<64x128xi32, #tpu.memory_space<vmem>>)
        tpu.yield
      }) : () -> ()
    } else {
    }
    %not3A = arith.constant true
    %not3A_13 = arith.xori %eq3A_1, %not3A : i1
    %convert_element_type3A_14 = arith.extui %not3A_13 : i1 to i32
    %cond3A_15 = arith.constant 0 : i32
    %cond3A_16 = arith.cmpi ne, %convert_element_type3A_14, %cond3A_15 : i32
    scf.if %cond3A_16 {
      "tpu.region"() ({
        %run_scoped3A = tpu.sem_alloc : memref<!tpu.dma_semaphore, #tpu.memory_space<semaphore_mem>>
        %dma_start3A_103 = arith.constant 0 : i32
        %dma_start3A_104 = arith.constant 0 : i32
        %dma_start3A_105 = tpu.memref_slice %arg7[%dma_start3A_103, %dma_start3A_104] : memref<64x128xi32, #tpu.memory_space<vmem>> -> memref<16x128xi32, #tpu.memory_space<vmem>>
        %dma_start3A_106 = arith.constant 0 : i32
        %dma_start3A_107 = tpu.memref_slice %arg4[%add3A_11, %dma_start3A_106] : memref<2560x128xi32, #tpu.memory_space<hbm>> -> memref<16x128xi32, #tpu.memory_space<hbm>>
        %dma_start3A_108 = arith.constant 0 : i32
        %dma_start3A_109 = arith.constant 0 : i32
        %dma_start3A_110 = tpu.memref_slice %arg7[%dma_start3A_108, %dma_start3A_109] : memref<64x128xi32, #tpu.memory_space<vmem>> -> memref<16x128xi32, #tpu.memory_space<vmem>>
        %dma_start3A_111 = arith.constant 0 : i32
        %dma_start3A_112 = tpu.memref_slice %arg4[%add3A_11, %dma_start3A_111] : memref<2560x128xi32, #tpu.memory_space<hbm>> -> memref<16x128xi32, #tpu.memory_space<hbm>>
        tpu.enqueue_dma source(%dma_start3A_112 : memref<16x128xi32, #tpu.memory_space<hbm>>) target(%dma_start3A_110 : memref<16x128xi32, #tpu.memory_space<vmem>>) target_semaphore(%run_scoped3A : memref<!tpu.dma_semaphore, #tpu.memory_space<semaphore_mem>>)
        %dma_wait3A = arith.constant 0 : i32
        %dma_wait3A_113 = arith.constant 0 : i32
        %dma_wait3A_114 = tpu.memref_slice %arg7[%dma_wait3A, %dma_wait3A_113] : memref<64x128xi32, #tpu.memory_space<vmem>> -> memref<16x128xi32, #tpu.memory_space<vmem>>
        %dma_wait3A_115 = arith.constant 0 : i32
        %dma_wait3A_116 = tpu.memref_slice %arg4[%add3A_11, %dma_wait3A_115] : memref<2560x128xi32, #tpu.memory_space<hbm>> -> memref<16x128xi32, #tpu.memory_space<hbm>>
        %dma_wait3A_117 = arith.constant 0 : i32
        %dma_wait3A_118 = arith.constant 0 : i32
        %dma_wait3A_119 = tpu.memref_slice %arg7[%dma_wait3A_117, %dma_wait3A_118] : memref<64x128xi32, #tpu.memory_space<vmem>> -> memref<16x128xi32, #tpu.memory_space<vmem>>
        %dma_wait3A_120 = arith.constant 0 : i32
        %dma_wait3A_121 = tpu.memref_slice %arg4[%add3A_11, %dma_wait3A_120] : memref<2560x128xi32, #tpu.memory_space<hbm>> -> memref<16x128xi32, #tpu.memory_space<hbm>>
        tpu.wait_dma2 semaphore(%run_scoped3A : memref<!tpu.dma_semaphore, #tpu.memory_space<semaphore_mem>>) src(%dma_wait3A_121 : memref<16x128xi32, #tpu.memory_space<hbm>>) dst(%dma_wait3A_119 : memref<16x128xi32, #tpu.memory_space<vmem>>)
        tpu.yield
      }) : () -> ()
      "tpu.region"() ({
        %run_scoped3A = tpu.sem_alloc : memref<!tpu.dma_semaphore, #tpu.memory_space<semaphore_mem>>
        %dma_start3A_103 = arith.constant 0 : i32
        %dma_start3A_104 = arith.constant 0 : i32
        %dma_start3A_105 = tpu.memref_slice %arg8[%dma_start3A_103, %dma_start3A_104] : memref<64x128xi32, #tpu.memory_space<vmem>> -> memref<16x128xi32, #tpu.memory_space<vmem>>
        %dma_start3A_106 = arith.constant 0 : i32
        %dma_start3A_107 = tpu.memref_slice %arg5[%add3A_11, %dma_start3A_106] : memref<2560x128xi32, #tpu.memory_space<hbm>> -> memref<16x128xi32, #tpu.memory_space<hbm>>
        %dma_start3A_108 = arith.constant 0 : i32
        %dma_start3A_109 = arith.constant 0 : i32
        %dma_start3A_110 = tpu.memref_slice %arg8[%dma_start3A_108, %dma_start3A_109] : memref<64x128xi32, #tpu.memory_space<vmem>> -> memref<16x128xi32, #tpu.memory_space<vmem>>
        %dma_start3A_111 = arith.constant 0 : i32
        %dma_start3A_112 = tpu.memref_slice %arg5[%add3A_11, %dma_start3A_111] : memref<2560x128xi32, #tpu.memory_space<hbm>> -> memref<16x128xi32, #tpu.memory_space<hbm>>
        tpu.enqueue_dma source(%dma_start3A_112 : memref<16x128xi32, #tpu.memory_space<hbm>>) target(%dma_start3A_110 : memref<16x128xi32, #tpu.memory_space<vmem>>) target_semaphore(%run_scoped3A : memref<!tpu.dma_semaphore, #tpu.memory_space<semaphore_mem>>)
        %dma_wait3A = arith.constant 0 : i32
        %dma_wait3A_113 = arith.constant 0 : i32
        %dma_wait3A_114 = tpu.memref_slice %arg8[%dma_wait3A, %dma_wait3A_113] : memref<64x128xi32, #tpu.memory_space<vmem>> -> memref<16x128xi32, #tpu.memory_space<vmem>>
        %dma_wait3A_115 = arith.constant 0 : i32
        %dma_wait3A_116 = tpu.memref_slice %arg5[%add3A_11, %dma_wait3A_115] : memref<2560x128xi32, #tpu.memory_space<hbm>> -> memref<16x128xi32, #tpu.memory_space<hbm>>
        %dma_wait3A_117 = arith.constant 0 : i32
        %dma_wait3A_118 = arith.constant 0 : i32
        %dma_wait3A_119 = tpu.memref_slice %arg8[%dma_wait3A_117, %dma_wait3A_118] : memref<64x128xi32, #tpu.memory_space<vmem>> -> memref<16x128xi32, #tpu.memory_space<vmem>>
        %dma_wait3A_120 = arith.constant 0 : i32
        %dma_wait3A_121 = tpu.memref_slice %arg5[%add3A_11, %dma_wait3A_120] : memref<2560x128xi32, #tpu.memory_space<hbm>> -> memref<16x128xi32, #tpu.memory_space<hbm>>
        tpu.wait_dma2 semaphore(%run_scoped3A : memref<!tpu.dma_semaphore, #tpu.memory_space<semaphore_mem>>) src(%dma_wait3A_121 : memref<16x128xi32, #tpu.memory_space<hbm>>) dst(%dma_wait3A_119 : memref<16x128xi32, #tpu.memory_space<vmem>>)
        tpu.yield
      }) : () -> ()
    } else {
    }
    %dma_start3A = arith.constant 0 : i32
    %dma_start3A_17 = arith.constant 0 : i32
    %dma_start3A_18 = tpu.memref_slice %arg7[%dma_start3A, %dma_start3A_17] : memref<64x128xi32, #tpu.memory_space<vmem>> -> memref<1x128xi32, #tpu.memory_space<vmem>>
    %dma_start3A_19 = tpu.memref_squeeze %dma_start3A_18 : memref<1x128xi32, #tpu.memory_space<vmem>> -> memref<128xi32, #tpu.memory_space<vmem>>
    %dma_start3A_20 = arith.constant 0 : i32
    %dma_start3A_21 = arith.constant 0 : i32
    %dma_start3A_22 = tpu.memref_slice %arg2[%dma_start3A_20, %dma_start3A_21] : memref<10000x128xf32, #tpu.memory_space<hbm>> -> memref<10000x128xf32, #tpu.memory_space<hbm>>
    tpu.enqueue_indirect_dma source(%dma_start3A_22 : memref<10000x128xf32, #tpu.memory_space<hbm>>) target(%arg9 : memref<128x128xf32, #tpu.memory_space<vmem>>) offsets(%dma_start3A_19 : memref<128xi32, #tpu.memory_space<vmem>>) semaphore(%arg12 : memref<!tpu.dma_semaphore, #tpu.memory_space<semaphore_mem>>)
    %jit3A_23 = arith.constant 2 : i32
    %div3A = arith.divsi %select_n3A_8, %jit3A_23 : i32
    %sign3A = arith.constant 0 : i32
    %sign3A_24 = arith.cmpi sgt, %select_n3A_8, %sign3A : i32
    %sign3A_25 = arith.extui %sign3A_24 : i1 to i32
    %sign3A_26 = arith.constant 0 : i32
    %sign3A_27 = arith.cmpi slt, %select_n3A_8, %sign3A_26 : i32
    %sign3A_28 = arith.extui %sign3A_27 : i1 to i32
    %sign3A_29 = arith.subi %sign3A_25, %sign3A_28 : i32
    %sign3A_30 = arith.constant 0 : i32
    %sign3A_31 = arith.cmpi sgt, %jit3A_23, %sign3A_30 : i32
    %sign3A_32 = arith.extui %sign3A_31 : i1 to i32
    %sign3A_33 = arith.constant 0 : i32
    %sign3A_34 = arith.cmpi slt, %jit3A_23, %sign3A_33 : i32
    %sign3A_35 = arith.extui %sign3A_34 : i1 to i32
    %sign3A_36 = arith.subi %sign3A_32, %sign3A_35 : i32
    %ne3A = arith.cmpi ne, %sign3A_29, %sign3A_36 : i32
    %rem3A = arith.remsi %select_n3A_8, %jit3A_23 : i32
    %ne3A_37 = arith.constant 0 : i32
    %ne3A_38 = arith.cmpi ne, %rem3A, %ne3A_37 : i32
    %and3A = arith.andi %ne3A, %ne3A_38 : i1
    %sub3A = arith.constant 1 : i32
    %sub3A_39 = arith.subi %div3A, %sub3A : i32
    %select_n3A_40 = arith.select %and3A, %sub3A_39, %div3A : i32
    %while3A = arith.constant 0 : i32
    %while3A_41 = arith.constant 0 : i32
    %while3A_42 = arith.subi %select_n3A_40, %while3A_41 : i32
    %while3A_43 = arith.addi %while3A_41, %while3A_42 : i32
    %while3A_44 = arith.constant 1 : i32
    %while3A_45 = arith.divsi %while3A_42, %while3A_44 : i32
    %while3A_46 = arith.muli %while3A_45, %while3A_44 : i32
    %while3A_47 = arith.addi %while3A_41, %while3A_46 : i32
    %while3A_48 = arith.constant 1 : i32
    scf.for %while3A_103 = %while3A_41 to %while3A_47 step %while3A_48  : i32 {
      %mul3A_104 = arith.constant 2 : i32
      %mul3A_105 = arith.muli %mul3A_104, %while3A_103 : i32
      %add3A_106 = arith.constant 1 : i32
      %add3A_107 = arith.addi %mul3A_105, %add3A_106 : i32
      %dma_wait3A = arith.constant 0 : i32
      %dma_wait3A_108 = arith.constant 0 : i32
      %dma_wait3A_109 = tpu.memref_slice %arg2[%dma_wait3A, %dma_wait3A_108] : memref<10000x128xf32, #tpu.memory_space<hbm>> -> memref<128x128xf32, #tpu.memory_space<hbm>>
      %dma_wait3A_110 = arith.constant 0 : i32
      %dma_wait3A_111 = arith.constant 0 : i32
      %dma_wait3A_112 = tpu.memref_slice %arg2[%dma_wait3A_110, %dma_wait3A_111] : memref<10000x128xf32, #tpu.memory_space<hbm>> -> memref<128x128xf32, #tpu.memory_space<hbm>>
      tpu.wait_dma2 semaphore(%arg12 : memref<!tpu.dma_semaphore, #tpu.memory_space<semaphore_mem>>) src(%dma_wait3A_112 : memref<128x128xf32, #tpu.memory_space<hbm>>) dst(%arg9 : memref<128x128xf32, #tpu.memory_space<vmem>>)
      %dma_start3A_113 = arith.constant 0 : i32
      %dma_start3A_114 = tpu.memref_slice %arg7[%add3A_107, %dma_start3A_113] : memref<64x128xi32, #tpu.memory_space<vmem>> -> memref<1x128xi32, #tpu.memory_space<vmem>>
      %dma_start3A_115 = tpu.memref_squeeze %dma_start3A_114 : memref<1x128xi32, #tpu.memory_space<vmem>> -> memref<128xi32, #tpu.memory_space<vmem>>
      %dma_start3A_116 = arith.constant 0 : i32
      %dma_start3A_117 = arith.constant 0 : i32
      %dma_start3A_118 = tpu.memref_slice %arg2[%dma_start3A_116, %dma_start3A_117] : memref<10000x128xf32, #tpu.memory_space<hbm>> -> memref<10000x128xf32, #tpu.memory_space<hbm>>
      tpu.enqueue_indirect_dma source(%dma_start3A_118 : memref<10000x128xf32, #tpu.memory_space<hbm>>) target(%arg10 : memref<128x128xf32, #tpu.memory_space<vmem>>) offsets(%dma_start3A_115 : memref<128xi32, #tpu.memory_space<vmem>>) semaphore(%arg13 : memref<!tpu.dma_semaphore, #tpu.memory_space<semaphore_mem>>)
      "tpu.region"() ({
        %run_scoped3A = tpu.sem_alloc : memref<!tpu.dma_semaphore, #tpu.memory_space<semaphore_mem>>
        %dma_start3A_130 = arith.constant 0 : i32
        %dma_start3A_131 = tpu.memref_slice %arg8[%mul3A_105, %dma_start3A_130] : memref<64x128xi32, #tpu.memory_space<vmem>> -> memref<1x128xi32, #tpu.memory_space<vmem>>
        %dma_start3A_132 = tpu.memref_squeeze %dma_start3A_131 : memref<1x128xi32, #tpu.memory_space<vmem>> -> memref<128xi32, #tpu.memory_space<vmem>>
        %dma_start3A_133 = arith.constant 0 : i32
        %dma_start3A_134 = arith.constant 0 : i32
        %dma_start3A_135 = tpu.memref_slice %arg11[%dma_start3A_133, %dma_start3A_134] : memref<10112x128xf32, #tpu.memory_space<vmem_shared>> -> memref<10112x128xf32, #tpu.memory_space<vmem_shared>>
        tpu.enqueue_indirect_dma source(%arg9 : memref<128x128xf32, #tpu.memory_space<vmem>>) target(%dma_start3A_135 : memref<10112x128xf32, #tpu.memory_space<vmem_shared>>) offsets(%dma_start3A_132 : memref<128xi32, #tpu.memory_space<vmem>>) semaphore(%run_scoped3A : memref<!tpu.dma_semaphore, #tpu.memory_space<semaphore_mem>>) {add = true}
        %dma_wait3A_136 = arith.constant 0 : i32
        %dma_wait3A_137 = tpu.memref_slice %arg8[%mul3A_105, %dma_wait3A_136] : memref<64x128xi32, #tpu.memory_space<vmem>> -> memref<1x128xi32, #tpu.memory_space<vmem>>
        %dma_wait3A_138 = tpu.memref_squeeze %dma_wait3A_137 : memref<1x128xi32, #tpu.memory_space<vmem>> -> memref<128xi32, #tpu.memory_space<vmem>>
        %dma_wait3A_139 = arith.constant 0 : i32
        %dma_wait3A_140 = arith.constant 0 : i32
        %dma_wait3A_141 = tpu.memref_slice %arg11[%dma_wait3A_139, %dma_wait3A_140] : memref<10112x128xf32, #tpu.memory_space<vmem_shared>> -> memref<10112x128xf32, #tpu.memory_space<vmem_shared>>
        tpu.wait_indirect_dma semaphore(%run_scoped3A : memref<!tpu.dma_semaphore, #tpu.memory_space<semaphore_mem>>) src(%arg9 : memref<128x128xf32, #tpu.memory_space<vmem>>) dst(%dma_wait3A_141 : memref<10112x128xf32, #tpu.memory_space<vmem_shared>>)
        tpu.yield
      }) : () -> ()
      %dma_wait3A_119 = arith.constant 0 : i32
      %dma_wait3A_120 = arith.constant 0 : i32
      %dma_wait3A_121 = tpu.memref_slice %arg2[%dma_wait3A_119, %dma_wait3A_120] : memref<10000x128xf32, #tpu.memory_space<hbm>> -> memref<128x128xf32, #tpu.memory_space<hbm>>
      %dma_wait3A_122 = arith.constant 0 : i32
      %dma_wait3A_123 = arith.constant 0 : i32
      %dma_wait3A_124 = tpu.memref_slice %arg2[%dma_wait3A_122, %dma_wait3A_123] : memref<10000x128xf32, #tpu.memory_space<hbm>> -> memref<128x128xf32, #tpu.memory_space<hbm>>
      tpu.wait_dma2 semaphore(%arg13 : memref<!tpu.dma_semaphore, #tpu.memory_space<semaphore_mem>>) src(%dma_wait3A_124 : memref<128x128xf32, #tpu.memory_space<hbm>>) dst(%arg10 : memref<128x128xf32, #tpu.memory_space<vmem>>)
      %sub3A_125 = arith.constant 1 : i32
      %sub3A_126 = arith.subi %select_n3A_40, %sub3A_125 : i32
      %lt3A = arith.cmpi slt, %while3A_103, %sub3A_126 : i32
      %convert_element_type3A_127 = arith.extui %lt3A : i1 to i32
      %cond3A_128 = arith.constant 0 : i32
      %cond3A_129 = arith.cmpi ne, %convert_element_type3A_127, %cond3A_128 : i32
      scf.if %cond3A_129 {
        %add3A_130 = arith.constant 1 : i32
        %add3A_131 = arith.addi %add3A_107, %add3A_130 : i32
        %dma_start3A_132 = arith.constant 0 : i32
        %dma_start3A_133 = tpu.memref_slice %arg7[%add3A_131, %dma_start3A_132] : memref<64x128xi32, #tpu.memory_space<vmem>> -> memref<1x128xi32, #tpu.memory_space<vmem>>
        %dma_start3A_134 = tpu.memref_squeeze %dma_start3A_133 : memref<1x128xi32, #tpu.memory_space<vmem>> -> memref<128xi32, #tpu.memory_space<vmem>>
        %dma_start3A_135 = arith.constant 0 : i32
        %dma_start3A_136 = arith.constant 0 : i32
        %dma_start3A_137 = tpu.memref_slice %arg2[%dma_start3A_135, %dma_start3A_136] : memref<10000x128xf32, #tpu.memory_space<hbm>> -> memref<10000x128xf32, #tpu.memory_space<hbm>>
        tpu.enqueue_indirect_dma source(%dma_start3A_137 : memref<10000x128xf32, #tpu.memory_space<hbm>>) target(%arg9 : memref<128x128xf32, #tpu.memory_space<vmem>>) offsets(%dma_start3A_134 : memref<128xi32, #tpu.memory_space<vmem>>) semaphore(%arg12 : memref<!tpu.dma_semaphore, #tpu.memory_space<semaphore_mem>>)
      } else {
      }
      "tpu.region"() ({
        %run_scoped3A = tpu.sem_alloc : memref<!tpu.dma_semaphore, #tpu.memory_space<semaphore_mem>>
        %dma_start3A_130 = arith.constant 0 : i32
        %dma_start3A_131 = tpu.memref_slice %arg8[%add3A_107, %dma_start3A_130] : memref<64x128xi32, #tpu.memory_space<vmem>> -> memref<1x128xi32, #tpu.memory_space<vmem>>
        %dma_start3A_132 = tpu.memref_squeeze %dma_start3A_131 : memref<1x128xi32, #tpu.memory_space<vmem>> -> memref<128xi32, #tpu.memory_space<vmem>>
        %dma_start3A_133 = arith.constant 0 : i32
        %dma_start3A_134 = arith.constant 0 : i32
        %dma_start3A_135 = tpu.memref_slice %arg11[%dma_start3A_133, %dma_start3A_134] : memref<10112x128xf32, #tpu.memory_space<vmem_shared>> -> memref<10112x128xf32, #tpu.memory_space<vmem_shared>>
        tpu.enqueue_indirect_dma source(%arg10 : memref<128x128xf32, #tpu.memory_space<vmem>>) target(%dma_start3A_135 : memref<10112x128xf32, #tpu.memory_space<vmem_shared>>) offsets(%dma_start3A_132 : memref<128xi32, #tpu.memory_space<vmem>>) semaphore(%run_scoped3A : memref<!tpu.dma_semaphore, #tpu.memory_space<semaphore_mem>>) {add = true}
        %dma_wait3A_136 = arith.constant 0 : i32
        %dma_wait3A_137 = tpu.memref_slice %arg8[%add3A_107, %dma_wait3A_136] : memref<64x128xi32, #tpu.memory_space<vmem>> -> memref<1x128xi32, #tpu.memory_space<vmem>>
        %dma_wait3A_138 = tpu.memref_squeeze %dma_wait3A_137 : memref<1x128xi32, #tpu.memory_space<vmem>> -> memref<128xi32, #tpu.memory_space<vmem>>
        %dma_wait3A_139 = arith.constant 0 : i32
        %dma_wait3A_140 = arith.constant 0 : i32
        %dma_wait3A_141 = tpu.memref_slice %arg11[%dma_wait3A_139, %dma_wait3A_140] : memref<10112x128xf32, #tpu.memory_space<vmem_shared>> -> memref<10112x128xf32, #tpu.memory_space<vmem_shared>>
        tpu.wait_indirect_dma semaphore(%run_scoped3A : memref<!tpu.dma_semaphore, #tpu.memory_space<semaphore_mem>>) src(%arg10 : memref<128x128xf32, #tpu.memory_space<vmem>>) dst(%dma_wait3A_141 : memref<10112x128xf32, #tpu.memory_space<vmem_shared>>)
        tpu.yield
      }) : () -> ()
    }
    %while3A_49 = arith.constant 1 : i32
    scf.for %while3A_103 = %while3A_47 to %while3A_43 step %while3A_49  : i32 {
      %mul3A_104 = arith.constant 2 : i32
      %mul3A_105 = arith.muli %mul3A_104, %while3A_103 : i32
      %add3A_106 = arith.constant 1 : i32
      %add3A_107 = arith.addi %mul3A_105, %add3A_106 : i32
      %dma_wait3A = arith.constant 0 : i32
      %dma_wait3A_108 = arith.constant 0 : i32
      %dma_wait3A_109 = tpu.memref_slice %arg2[%dma_wait3A, %dma_wait3A_108] : memref<10000x128xf32, #tpu.memory_space<hbm>> -> memref<128x128xf32, #tpu.memory_space<hbm>>
      %dma_wait3A_110 = arith.constant 0 : i32
      %dma_wait3A_111 = arith.constant 0 : i32
      %dma_wait3A_112 = tpu.memref_slice %arg2[%dma_wait3A_110, %dma_wait3A_111] : memref<10000x128xf32, #tpu.memory_space<hbm>> -> memref<128x128xf32, #tpu.memory_space<hbm>>
      tpu.wait_dma2 semaphore(%arg12 : memref<!tpu.dma_semaphore, #tpu.memory_space<semaphore_mem>>) src(%dma_wait3A_112 : memref<128x128xf32, #tpu.memory_space<hbm>>) dst(%arg9 : memref<128x128xf32, #tpu.memory_space<vmem>>)
      %dma_start3A_113 = arith.constant 0 : i32
      %dma_start3A_114 = tpu.memref_slice %arg7[%add3A_107, %dma_start3A_113] : memref<64x128xi32, #tpu.memory_space<vmem>> -> memref<1x128xi32, #tpu.memory_space<vmem>>
      %dma_start3A_115 = tpu.memref_squeeze %dma_start3A_114 : memref<1x128xi32, #tpu.memory_space<vmem>> -> memref<128xi32, #tpu.memory_space<vmem>>
      %dma_start3A_116 = arith.constant 0 : i32
      %dma_start3A_117 = arith.constant 0 : i32
      %dma_start3A_118 = tpu.memref_slice %arg2[%dma_start3A_116, %dma_start3A_117] : memref<10000x128xf32, #tpu.memory_space<hbm>> -> memref<10000x128xf32, #tpu.memory_space<hbm>>
      tpu.enqueue_indirect_dma source(%dma_start3A_118 : memref<10000x128xf32, #tpu.memory_space<hbm>>) target(%arg10 : memref<128x128xf32, #tpu.memory_space<vmem>>) offsets(%dma_start3A_115 : memref<128xi32, #tpu.memory_space<vmem>>) semaphore(%arg13 : memref<!tpu.dma_semaphore, #tpu.memory_space<semaphore_mem>>)
      "tpu.region"() ({
        %run_scoped3A = tpu.sem_alloc : memref<!tpu.dma_semaphore, #tpu.memory_space<semaphore_mem>>
        %dma_start3A_130 = arith.constant 0 : i32
        %dma_start3A_131 = tpu.memref_slice %arg8[%mul3A_105, %dma_start3A_130] : memref<64x128xi32, #tpu.memory_space<vmem>> -> memref<1x128xi32, #tpu.memory_space<vmem>>
        %dma_start3A_132 = tpu.memref_squeeze %dma_start3A_131 : memref<1x128xi32, #tpu.memory_space<vmem>> -> memref<128xi32, #tpu.memory_space<vmem>>
        %dma_start3A_133 = arith.constant 0 : i32
        %dma_start3A_134 = arith.constant 0 : i32
        %dma_start3A_135 = tpu.memref_slice %arg11[%dma_start3A_133, %dma_start3A_134] : memref<10112x128xf32, #tpu.memory_space<vmem_shared>> -> memref<10112x128xf32, #tpu.memory_space<vmem_shared>>
        tpu.enqueue_indirect_dma source(%arg9 : memref<128x128xf32, #tpu.memory_space<vmem>>) target(%dma_start3A_135 : memref<10112x128xf32, #tpu.memory_space<vmem_shared>>) offsets(%dma_start3A_132 : memref<128xi32, #tpu.memory_space<vmem>>) semaphore(%run_scoped3A : memref<!tpu.dma_semaphore, #tpu.memory_space<semaphore_mem>>) {add = true}
        %dma_wait3A_136 = arith.constant 0 : i32
        %dma_wait3A_137 = tpu.memref_slice %arg8[%mul3A_105, %dma_wait3A_136] : memref<64x128xi32, #tpu.memory_space<vmem>> -> memref<1x128xi32, #tpu.memory_space<vmem>>
        %dma_wait3A_138 = tpu.memref_squeeze %dma_wait3A_137 : memref<1x128xi32, #tpu.memory_space<vmem>> -> memref<128xi32, #tpu.memory_space<vmem>>
        %dma_wait3A_139 = arith.constant 0 : i32
        %dma_wait3A_140 = arith.constant 0 : i32
        %dma_wait3A_141 = tpu.memref_slice %arg11[%dma_wait3A_139, %dma_wait3A_140] : memref<10112x128xf32, #tpu.memory_space<vmem_shared>> -> memref<10112x128xf32, #tpu.memory_space<vmem_shared>>
        tpu.wait_indirect_dma semaphore(%run_scoped3A : memref<!tpu.dma_semaphore, #tpu.memory_space<semaphore_mem>>) src(%arg9 : memref<128x128xf32, #tpu.memory_space<vmem>>) dst(%dma_wait3A_141 : memref<10112x128xf32, #tpu.memory_space<vmem_shared>>)
        tpu.yield
      }) : () -> ()
      %dma_wait3A_119 = arith.constant 0 : i32
      %dma_wait3A_120 = arith.constant 0 : i32
      %dma_wait3A_121 = tpu.memref_slice %arg2[%dma_wait3A_119, %dma_wait3A_120] : memref<10000x128xf32, #tpu.memory_space<hbm>> -> memref<128x128xf32, #tpu.memory_space<hbm>>
      %dma_wait3A_122 = arith.constant 0 : i32
      %dma_wait3A_123 = arith.constant 0 : i32
      %dma_wait3A_124 = tpu.memref_slice %arg2[%dma_wait3A_122, %dma_wait3A_123] : memref<10000x128xf32, #tpu.memory_space<hbm>> -> memref<128x128xf32, #tpu.memory_space<hbm>>
      tpu.wait_dma2 semaphore(%arg13 : memref<!tpu.dma_semaphore, #tpu.memory_space<semaphore_mem>>) src(%dma_wait3A_124 : memref<128x128xf32, #tpu.memory_space<hbm>>) dst(%arg10 : memref<128x128xf32, #tpu.memory_space<vmem>>)
      %sub3A_125 = arith.constant 1 : i32
      %sub3A_126 = arith.subi %select_n3A_40, %sub3A_125 : i32
      %lt3A = arith.cmpi slt, %while3A_103, %sub3A_126 : i32
      %convert_element_type3A_127 = arith.extui %lt3A : i1 to i32
      %cond3A_128 = arith.constant 0 : i32
      %cond3A_129 = arith.cmpi ne, %convert_element_type3A_127, %cond3A_128 : i32
      scf.if %cond3A_129 {
        %add3A_130 = arith.constant 1 : i32
        %add3A_131 = arith.addi %add3A_107, %add3A_130 : i32
        %dma_start3A_132 = arith.constant 0 : i32
        %dma_start3A_133 = tpu.memref_slice %arg7[%add3A_131, %dma_start3A_132] : memref<64x128xi32, #tpu.memory_space<vmem>> -> memref<1x128xi32, #tpu.memory_space<vmem>>
        %dma_start3A_134 = tpu.memref_squeeze %dma_start3A_133 : memref<1x128xi32, #tpu.memory_space<vmem>> -> memref<128xi32, #tpu.memory_space<vmem>>
        %dma_start3A_135 = arith.constant 0 : i32
        %dma_start3A_136 = arith.constant 0 : i32
        %dma_start3A_137 = tpu.memref_slice %arg2[%dma_start3A_135, %dma_start3A_136] : memref<10000x128xf32, #tpu.memory_space<hbm>> -> memref<10000x128xf32, #tpu.memory_space<hbm>>
        tpu.enqueue_indirect_dma source(%dma_start3A_137 : memref<10000x128xf32, #tpu.memory_space<hbm>>) target(%arg9 : memref<128x128xf32, #tpu.memory_space<vmem>>) offsets(%dma_start3A_134 : memref<128xi32, #tpu.memory_space<vmem>>) semaphore(%arg12 : memref<!tpu.dma_semaphore, #tpu.memory_space<semaphore_mem>>)
      } else {
      }
      "tpu.region"() ({
        %run_scoped3A = tpu.sem_alloc : memref<!tpu.dma_semaphore, #tpu.memory_space<semaphore_mem>>
        %dma_start3A_130 = arith.constant 0 : i32
        %dma_start3A_131 = tpu.memref_slice %arg8[%add3A_107, %dma_start3A_130] : memref<64x128xi32, #tpu.memory_space<vmem>> -> memref<1x128xi32, #tpu.memory_space<vmem>>
        %dma_start3A_132 = tpu.memref_squeeze %dma_start3A_131 : memref<1x128xi32, #tpu.memory_space<vmem>> -> memref<128xi32, #tpu.memory_space<vmem>>
        %dma_start3A_133 = arith.constant 0 : i32
        %dma_start3A_134 = arith.constant 0 : i32
        %dma_start3A_135 = tpu.memref_slice %arg11[%dma_start3A_133, %dma_start3A_134] : memref<10112x128xf32, #tpu.memory_space<vmem_shared>> -> memref<10112x128xf32, #tpu.memory_space<vmem_shared>>
        tpu.enqueue_indirect_dma source(%arg10 : memref<128x128xf32, #tpu.memory_space<vmem>>) target(%dma_start3A_135 : memref<10112x128xf32, #tpu.memory_space<vmem_shared>>) offsets(%dma_start3A_132 : memref<128xi32, #tpu.memory_space<vmem>>) semaphore(%run_scoped3A : memref<!tpu.dma_semaphore, #tpu.memory_space<semaphore_mem>>) {add = true}
        %dma_wait3A_136 = arith.constant 0 : i32
        %dma_wait3A_137 = tpu.memref_slice %arg8[%add3A_107, %dma_wait3A_136] : memref<64x128xi32, #tpu.memory_space<vmem>> -> memref<1x128xi32, #tpu.memory_space<vmem>>
        %dma_wait3A_138 = tpu.memref_squeeze %dma_wait3A_137 : memref<1x128xi32, #tpu.memory_space<vmem>> -> memref<128xi32, #tpu.memory_space<vmem>>
        %dma_wait3A_139 = arith.constant 0 : i32
        %dma_wait3A_140 = arith.constant 0 : i32
        %dma_wait3A_141 = tpu.memref_slice %arg11[%dma_wait3A_139, %dma_wait3A_140] : memref<10112x128xf32, #tpu.memory_space<vmem_shared>> -> memref<10112x128xf32, #tpu.memory_space<vmem_shared>>
        tpu.wait_indirect_dma semaphore(%run_scoped3A : memref<!tpu.dma_semaphore, #tpu.memory_space<semaphore_mem>>) src(%arg10 : memref<128x128xf32, #tpu.memory_space<vmem>>) dst(%dma_wait3A_141 : memref<10112x128xf32, #tpu.memory_space<vmem_shared>>)
        tpu.yield
      }) : () -> ()
    }
    %mul3A_50 = arith.constant 1 : i32
    %mul3A_51 = arith.muli %mul3A_50, %select_n3A_8 : i32
    %add3A_52 = arith.addi %select_n3A, %mul3A_51 : i32
    %convert_element_type3A_53 = arith.extui %eq3A_1 : i1 to i32
    %cond3A_54 = arith.constant 0 : i32
    %cond3A_55 = arith.cmpi ne, %convert_element_type3A_53, %cond3A_54 : i32
    scf.if %cond3A_55 {
      "tpu.region"() ({
        %run_scoped3A = tpu.sem_alloc : memref<!tpu.dma_semaphore, #tpu.memory_space<semaphore_mem>>
        %dma_start3A_103 = arith.constant 0 : i32
        %dma_start3A_104 = arith.constant 0 : i32
        %dma_start3A_105 = tpu.memref_slice %arg7[%dma_start3A_103, %dma_start3A_104] : memref<64x128xi32, #tpu.memory_space<vmem>> -> memref<64x128xi32, #tpu.memory_space<vmem>>
        %dma_start3A_106 = arith.constant 0 : i32
        %dma_start3A_107 = tpu.memref_slice %arg4[%add3A_52, %dma_start3A_106] : memref<2560x128xi32, #tpu.memory_space<hbm>> -> memref<64x128xi32, #tpu.memory_space<hbm>>
        %dma_start3A_108 = arith.constant 0 : i32
        %dma_start3A_109 = arith.constant 0 : i32
        %dma_start3A_110 = tpu.memref_slice %arg7[%dma_start3A_108, %dma_start3A_109] : memref<64x128xi32, #tpu.memory_space<vmem>> -> memref<64x128xi32, #tpu.memory_space<vmem>>
        %dma_start3A_111 = arith.constant 0 : i32
        %dma_start3A_112 = tpu.memref_slice %arg4[%add3A_52, %dma_start3A_111] : memref<2560x128xi32, #tpu.memory_space<hbm>> -> memref<64x128xi32, #tpu.memory_space<hbm>>
        tpu.enqueue_dma source(%dma_start3A_112 : memref<64x128xi32, #tpu.memory_space<hbm>>) target(%dma_start3A_110 : memref<64x128xi32, #tpu.memory_space<vmem>>) target_semaphore(%run_scoped3A : memref<!tpu.dma_semaphore, #tpu.memory_space<semaphore_mem>>)
        %dma_wait3A = arith.constant 0 : i32
        %dma_wait3A_113 = arith.constant 0 : i32
        %dma_wait3A_114 = tpu.memref_slice %arg7[%dma_wait3A, %dma_wait3A_113] : memref<64x128xi32, #tpu.memory_space<vmem>> -> memref<64x128xi32, #tpu.memory_space<vmem>>
        %dma_wait3A_115 = arith.constant 0 : i32
        %dma_wait3A_116 = tpu.memref_slice %arg4[%add3A_52, %dma_wait3A_115] : memref<2560x128xi32, #tpu.memory_space<hbm>> -> memref<64x128xi32, #tpu.memory_space<hbm>>
        %dma_wait3A_117 = arith.constant 0 : i32
        %dma_wait3A_118 = arith.constant 0 : i32
        %dma_wait3A_119 = tpu.memref_slice %arg7[%dma_wait3A_117, %dma_wait3A_118] : memref<64x128xi32, #tpu.memory_space<vmem>> -> memref<64x128xi32, #tpu.memory_space<vmem>>
        %dma_wait3A_120 = arith.constant 0 : i32
        %dma_wait3A_121 = tpu.memref_slice %arg4[%add3A_52, %dma_wait3A_120] : memref<2560x128xi32, #tpu.memory_space<hbm>> -> memref<64x128xi32, #tpu.memory_space<hbm>>
        tpu.wait_dma2 semaphore(%run_scoped3A : memref<!tpu.dma_semaphore, #tpu.memory_space<semaphore_mem>>) src(%dma_wait3A_121 : memref<64x128xi32, #tpu.memory_space<hbm>>) dst(%dma_wait3A_119 : memref<64x128xi32, #tpu.memory_space<vmem>>)
        tpu.yield
      }) : () -> ()
      "tpu.region"() ({
        %run_scoped3A = tpu.sem_alloc : memref<!tpu.dma_semaphore, #tpu.memory_space<semaphore_mem>>
        %dma_start3A_103 = arith.constant 0 : i32
        %dma_start3A_104 = arith.constant 0 : i32
        %dma_start3A_105 = tpu.memref_slice %arg8[%dma_start3A_103, %dma_start3A_104] : memref<64x128xi32, #tpu.memory_space<vmem>> -> memref<64x128xi32, #tpu.memory_space<vmem>>
        %dma_start3A_106 = arith.constant 0 : i32
        %dma_start3A_107 = tpu.memref_slice %arg5[%add3A_52, %dma_start3A_106] : memref<2560x128xi32, #tpu.memory_space<hbm>> -> memref<64x128xi32, #tpu.memory_space<hbm>>
        %dma_start3A_108 = arith.constant 0 : i32
        %dma_start3A_109 = arith.constant 0 : i32
        %dma_start3A_110 = tpu.memref_slice %arg8[%dma_start3A_108, %dma_start3A_109] : memref<64x128xi32, #tpu.memory_space<vmem>> -> memref<64x128xi32, #tpu.memory_space<vmem>>
        %dma_start3A_111 = arith.constant 0 : i32
        %dma_start3A_112 = tpu.memref_slice %arg5[%add3A_52, %dma_start3A_111] : memref<2560x128xi32, #tpu.memory_space<hbm>> -> memref<64x128xi32, #tpu.memory_space<hbm>>
        tpu.enqueue_dma source(%dma_start3A_112 : memref<64x128xi32, #tpu.memory_space<hbm>>) target(%dma_start3A_110 : memref<64x128xi32, #tpu.memory_space<vmem>>) target_semaphore(%run_scoped3A : memref<!tpu.dma_semaphore, #tpu.memory_space<semaphore_mem>>)
        %dma_wait3A = arith.constant 0 : i32
        %dma_wait3A_113 = arith.constant 0 : i32
        %dma_wait3A_114 = tpu.memref_slice %arg8[%dma_wait3A, %dma_wait3A_113] : memref<64x128xi32, #tpu.memory_space<vmem>> -> memref<64x128xi32, #tpu.memory_space<vmem>>
        %dma_wait3A_115 = arith.constant 0 : i32
        %dma_wait3A_116 = tpu.memref_slice %arg5[%add3A_52, %dma_wait3A_115] : memref<2560x128xi32, #tpu.memory_space<hbm>> -> memref<64x128xi32, #tpu.memory_space<hbm>>
        %dma_wait3A_117 = arith.constant 0 : i32
        %dma_wait3A_118 = arith.constant 0 : i32
        %dma_wait3A_119 = tpu.memref_slice %arg8[%dma_wait3A_117, %dma_wait3A_118] : memref<64x128xi32, #tpu.memory_space<vmem>> -> memref<64x128xi32, #tpu.memory_space<vmem>>
        %dma_wait3A_120 = arith.constant 0 : i32
        %dma_wait3A_121 = tpu.memref_slice %arg5[%add3A_52, %dma_wait3A_120] : memref<2560x128xi32, #tpu.memory_space<hbm>> -> memref<64x128xi32, #tpu.memory_space<hbm>>
        tpu.wait_dma2 semaphore(%run_scoped3A : memref<!tpu.dma_semaphore, #tpu.memory_space<semaphore_mem>>) src(%dma_wait3A_121 : memref<64x128xi32, #tpu.memory_space<hbm>>) dst(%dma_wait3A_119 : memref<64x128xi32, #tpu.memory_space<vmem>>)
        tpu.yield
      }) : () -> ()
    } else {
    }
    %not3A_56 = arith.constant true
    %not3A_57 = arith.xori %eq3A_1, %not3A_56 : i1
    %convert_element_type3A_58 = arith.extui %not3A_57 : i1 to i32
    %cond3A_59 = arith.constant 0 : i32
    %cond3A_60 = arith.cmpi ne, %convert_element_type3A_58, %cond3A_59 : i32
    scf.if %cond3A_60 {
      "tpu.region"() ({
        %run_scoped3A = tpu.sem_alloc : memref<!tpu.dma_semaphore, #tpu.memory_space<semaphore_mem>>
        %dma_start3A_103 = arith.constant 0 : i32
        %dma_start3A_104 = arith.constant 0 : i32
        %dma_start3A_105 = tpu.memref_slice %arg7[%dma_start3A_103, %dma_start3A_104] : memref<64x128xi32, #tpu.memory_space<vmem>> -> memref<16x128xi32, #tpu.memory_space<vmem>>
        %dma_start3A_106 = arith.constant 0 : i32
        %dma_start3A_107 = tpu.memref_slice %arg4[%add3A_52, %dma_start3A_106] : memref<2560x128xi32, #tpu.memory_space<hbm>> -> memref<16x128xi32, #tpu.memory_space<hbm>>
        %dma_start3A_108 = arith.constant 0 : i32
        %dma_start3A_109 = arith.constant 0 : i32
        %dma_start3A_110 = tpu.memref_slice %arg7[%dma_start3A_108, %dma_start3A_109] : memref<64x128xi32, #tpu.memory_space<vmem>> -> memref<16x128xi32, #tpu.memory_space<vmem>>
        %dma_start3A_111 = arith.constant 0 : i32
        %dma_start3A_112 = tpu.memref_slice %arg4[%add3A_52, %dma_start3A_111] : memref<2560x128xi32, #tpu.memory_space<hbm>> -> memref<16x128xi32, #tpu.memory_space<hbm>>
        tpu.enqueue_dma source(%dma_start3A_112 : memref<16x128xi32, #tpu.memory_space<hbm>>) target(%dma_start3A_110 : memref<16x128xi32, #tpu.memory_space<vmem>>) target_semaphore(%run_scoped3A : memref<!tpu.dma_semaphore, #tpu.memory_space<semaphore_mem>>)
        %dma_wait3A = arith.constant 0 : i32
        %dma_wait3A_113 = arith.constant 0 : i32
        %dma_wait3A_114 = tpu.memref_slice %arg7[%dma_wait3A, %dma_wait3A_113] : memref<64x128xi32, #tpu.memory_space<vmem>> -> memref<16x128xi32, #tpu.memory_space<vmem>>
        %dma_wait3A_115 = arith.constant 0 : i32
        %dma_wait3A_116 = tpu.memref_slice %arg4[%add3A_52, %dma_wait3A_115] : memref<2560x128xi32, #tpu.memory_space<hbm>> -> memref<16x128xi32, #tpu.memory_space<hbm>>
        %dma_wait3A_117 = arith.constant 0 : i32
        %dma_wait3A_118 = arith.constant 0 : i32
        %dma_wait3A_119 = tpu.memref_slice %arg7[%dma_wait3A_117, %dma_wait3A_118] : memref<64x128xi32, #tpu.memory_space<vmem>> -> memref<16x128xi32, #tpu.memory_space<vmem>>
        %dma_wait3A_120 = arith.constant 0 : i32
        %dma_wait3A_121 = tpu.memref_slice %arg4[%add3A_52, %dma_wait3A_120] : memref<2560x128xi32, #tpu.memory_space<hbm>> -> memref<16x128xi32, #tpu.memory_space<hbm>>
        tpu.wait_dma2 semaphore(%run_scoped3A : memref<!tpu.dma_semaphore, #tpu.memory_space<semaphore_mem>>) src(%dma_wait3A_121 : memref<16x128xi32, #tpu.memory_space<hbm>>) dst(%dma_wait3A_119 : memref<16x128xi32, #tpu.memory_space<vmem>>)
        tpu.yield
      }) : () -> ()
      "tpu.region"() ({
        %run_scoped3A = tpu.sem_alloc : memref<!tpu.dma_semaphore, #tpu.memory_space<semaphore_mem>>
        %dma_start3A_103 = arith.constant 0 : i32
        %dma_start3A_104 = arith.constant 0 : i32
        %dma_start3A_105 = tpu.memref_slice %arg8[%dma_start3A_103, %dma_start3A_104] : memref<64x128xi32, #tpu.memory_space<vmem>> -> memref<16x128xi32, #tpu.memory_space<vmem>>
        %dma_start3A_106 = arith.constant 0 : i32
        %dma_start3A_107 = tpu.memref_slice %arg5[%add3A_52, %dma_start3A_106] : memref<2560x128xi32, #tpu.memory_space<hbm>> -> memref<16x128xi32, #tpu.memory_space<hbm>>
        %dma_start3A_108 = arith.constant 0 : i32
        %dma_start3A_109 = arith.constant 0 : i32
        %dma_start3A_110 = tpu.memref_slice %arg8[%dma_start3A_108, %dma_start3A_109] : memref<64x128xi32, #tpu.memory_space<vmem>> -> memref<16x128xi32, #tpu.memory_space<vmem>>
        %dma_start3A_111 = arith.constant 0 : i32
        %dma_start3A_112 = tpu.memref_slice %arg5[%add3A_52, %dma_start3A_111] : memref<2560x128xi32, #tpu.memory_space<hbm>> -> memref<16x128xi32, #tpu.memory_space<hbm>>
        tpu.enqueue_dma source(%dma_start3A_112 : memref<16x128xi32, #tpu.memory_space<hbm>>) target(%dma_start3A_110 : memref<16x128xi32, #tpu.memory_space<vmem>>) target_semaphore(%run_scoped3A : memref<!tpu.dma_semaphore, #tpu.memory_space<semaphore_mem>>)
        %dma_wait3A = arith.constant 0 : i32
        %dma_wait3A_113 = arith.constant 0 : i32
        %dma_wait3A_114 = tpu.memref_slice %arg8[%dma_wait3A, %dma_wait3A_113] : memref<64x128xi32, #tpu.memory_space<vmem>> -> memref<16x128xi32, #tpu.memory_space<vmem>>
        %dma_wait3A_115 = arith.constant 0 : i32
        %dma_wait3A_116 = tpu.memref_slice %arg5[%add3A_52, %dma_wait3A_115] : memref<2560x128xi32, #tpu.memory_space<hbm>> -> memref<16x128xi32, #tpu.memory_space<hbm>>
        %dma_wait3A_117 = arith.constant 0 : i32
        %dma_wait3A_118 = arith.constant 0 : i32
        %dma_wait3A_119 = tpu.memref_slice %arg8[%dma_wait3A_117, %dma_wait3A_118] : memref<64x128xi32, #tpu.memory_space<vmem>> -> memref<16x128xi32, #tpu.memory_space<vmem>>
        %dma_wait3A_120 = arith.constant 0 : i32
        %dma_wait3A_121 = tpu.memref_slice %arg5[%add3A_52, %dma_wait3A_120] : memref<2560x128xi32, #tpu.memory_space<hbm>> -> memref<16x128xi32, #tpu.memory_space<hbm>>
        tpu.wait_dma2 semaphore(%run_scoped3A : memref<!tpu.dma_semaphore, #tpu.memory_space<semaphore_mem>>) src(%dma_wait3A_121 : memref<16x128xi32, #tpu.memory_space<hbm>>) dst(%dma_wait3A_119 : memref<16x128xi32, #tpu.memory_space<vmem>>)
        tpu.yield
      }) : () -> ()
    } else {
    }
    %dma_start3A_61 = arith.constant 0 : i32
    %dma_start3A_62 = arith.constant 0 : i32
    %dma_start3A_63 = tpu.memref_slice %arg7[%dma_start3A_61, %dma_start3A_62] : memref<64x128xi32, #tpu.memory_space<vmem>> -> memref<1x128xi32, #tpu.memory_space<vmem>>
    %dma_start3A_64 = tpu.memref_squeeze %dma_start3A_63 : memref<1x128xi32, #tpu.memory_space<vmem>> -> memref<128xi32, #tpu.memory_space<vmem>>
    %dma_start3A_65 = arith.constant 0 : i32
    %dma_start3A_66 = arith.constant 0 : i32
    %dma_start3A_67 = tpu.memref_slice %arg2[%dma_start3A_65, %dma_start3A_66] : memref<10000x128xf32, #tpu.memory_space<hbm>> -> memref<10000x128xf32, #tpu.memory_space<hbm>>
    tpu.enqueue_indirect_dma source(%dma_start3A_67 : memref<10000x128xf32, #tpu.memory_space<hbm>>) target(%arg9 : memref<128x128xf32, #tpu.memory_space<vmem>>) offsets(%dma_start3A_64 : memref<128xi32, #tpu.memory_space<vmem>>) semaphore(%arg12 : memref<!tpu.dma_semaphore, #tpu.memory_space<semaphore_mem>>)
    %jit3A_68 = arith.constant 2 : i32
    %div3A_69 = arith.divsi %select_n3A_8, %jit3A_68 : i32
    %sign3A_70 = arith.constant 0 : i32
    %sign3A_71 = arith.cmpi sgt, %select_n3A_8, %sign3A_70 : i32
    %sign3A_72 = arith.extui %sign3A_71 : i1 to i32
    %sign3A_73 = arith.constant 0 : i32
    %sign3A_74 = arith.cmpi slt, %select_n3A_8, %sign3A_73 : i32
    %sign3A_75 = arith.extui %sign3A_74 : i1 to i32
    %sign3A_76 = arith.subi %sign3A_72, %sign3A_75 : i32
    %sign3A_77 = arith.constant 0 : i32
    %sign3A_78 = arith.cmpi sgt, %jit3A_68, %sign3A_77 : i32
    %sign3A_79 = arith.extui %sign3A_78 : i1 to i32
    %sign3A_80 = arith.constant 0 : i32
    %sign3A_81 = arith.cmpi slt, %jit3A_68, %sign3A_80 : i32
    %sign3A_82 = arith.extui %sign3A_81 : i1 to i32
    %sign3A_83 = arith.subi %sign3A_79, %sign3A_82 : i32
    %ne3A_84 = arith.cmpi ne, %sign3A_76, %sign3A_83 : i32
    %rem3A_85 = arith.remsi %select_n3A_8, %jit3A_68 : i32
    %ne3A_86 = arith.constant 0 : i32
    %ne3A_87 = arith.cmpi ne, %rem3A_85, %ne3A_86 : i32
    %and3A_88 = arith.andi %ne3A_84, %ne3A_87 : i1
    %sub3A_89 = arith.constant 1 : i32
    %sub3A_90 = arith.subi %div3A_69, %sub3A_89 : i32
    %select_n3A_91 = arith.select %and3A_88, %sub3A_90, %div3A_69 : i32
    %while3A_92 = arith.constant 0 : i32
    %while3A_93 = arith.constant 0 : i32
    %while3A_94 = arith.subi %select_n3A_91, %while3A_93 : i32
    %while3A_95 = arith.addi %while3A_93, %while3A_94 : i32
    %while3A_96 = arith.constant 1 : i32
    %while3A_97 = arith.divsi %while3A_94, %while3A_96 : i32
    %while3A_98 = arith.muli %while3A_97, %while3A_96 : i32
    %while3A_99 = arith.addi %while3A_93, %while3A_98 : i32
    %while3A_100 = arith.constant 1 : i32
    scf.for %while3A_103 = %while3A_93 to %while3A_99 step %while3A_100  : i32 {
      %mul3A_104 = arith.constant 2 : i32
      %mul3A_105 = arith.muli %mul3A_104, %while3A_103 : i32
      %add3A_106 = arith.constant 1 : i32
      %add3A_107 = arith.addi %mul3A_105, %add3A_106 : i32
      %dma_wait3A = arith.constant 0 : i32
      %dma_wait3A_108 = arith.constant 0 : i32
      %dma_wait3A_109 = tpu.memref_slice %arg2[%dma_wait3A, %dma_wait3A_108] : memref<10000x128xf32, #tpu.memory_space<hbm>> -> memref<128x128xf32, #tpu.memory_space<hbm>>
      %dma_wait3A_110 = arith.constant 0 : i32
      %dma_wait3A_111 = arith.constant 0 : i32
      %dma_wait3A_112 = tpu.memref_slice %arg2[%dma_wait3A_110, %dma_wait3A_111] : memref<10000x128xf32, #tpu.memory_space<hbm>> -> memref<128x128xf32, #tpu.memory_space<hbm>>
      tpu.wait_dma2 semaphore(%arg12 : memref<!tpu.dma_semaphore, #tpu.memory_space<semaphore_mem>>) src(%dma_wait3A_112 : memref<128x128xf32, #tpu.memory_space<hbm>>) dst(%arg9 : memref<128x128xf32, #tpu.memory_space<vmem>>)
      %dma_start3A_113 = arith.constant 0 : i32
      %dma_start3A_114 = tpu.memref_slice %arg7[%add3A_107, %dma_start3A_113] : memref<64x128xi32, #tpu.memory_space<vmem>> -> memref<1x128xi32, #tpu.memory_space<vmem>>
      %dma_start3A_115 = tpu.memref_squeeze %dma_start3A_114 : memref<1x128xi32, #tpu.memory_space<vmem>> -> memref<128xi32, #tpu.memory_space<vmem>>
      %dma_start3A_116 = arith.constant 0 : i32
      %dma_start3A_117 = arith.constant 0 : i32
      %dma_start3A_118 = tpu.memref_slice %arg2[%dma_start3A_116, %dma_start3A_117] : memref<10000x128xf32, #tpu.memory_space<hbm>> -> memref<10000x128xf32, #tpu.memory_space<hbm>>
      tpu.enqueue_indirect_dma source(%dma_start3A_118 : memref<10000x128xf32, #tpu.memory_space<hbm>>) target(%arg10 : memref<128x128xf32, #tpu.memory_space<vmem>>) offsets(%dma_start3A_115 : memref<128xi32, #tpu.memory_space<vmem>>) semaphore(%arg13 : memref<!tpu.dma_semaphore, #tpu.memory_space<semaphore_mem>>)
      "tpu.region"() ({
        %run_scoped3A = tpu.sem_alloc : memref<!tpu.dma_semaphore, #tpu.memory_space<semaphore_mem>>
        %dma_start3A_130 = arith.constant 0 : i32
        %dma_start3A_131 = tpu.memref_slice %arg8[%mul3A_105, %dma_start3A_130] : memref<64x128xi32, #tpu.memory_space<vmem>> -> memref<1x128xi32, #tpu.memory_space<vmem>>
        %dma_start3A_132 = tpu.memref_squeeze %dma_start3A_131 : memref<1x128xi32, #tpu.memory_space<vmem>> -> memref<128xi32, #tpu.memory_space<vmem>>
        %dma_start3A_133 = arith.constant 0 : i32
        %dma_start3A_134 = arith.constant 0 : i32
        %dma_start3A_135 = tpu.memref_slice %arg11[%dma_start3A_133, %dma_start3A_134] : memref<10112x128xf32, #tpu.memory_space<vmem_shared>> -> memref<10112x128xf32, #tpu.memory_space<vmem_shared>>
        tpu.enqueue_indirect_dma source(%arg9 : memref<128x128xf32, #tpu.memory_space<vmem>>) target(%dma_start3A_135 : memref<10112x128xf32, #tpu.memory_space<vmem_shared>>) offsets(%dma_start3A_132 : memref<128xi32, #tpu.memory_space<vmem>>) semaphore(%run_scoped3A : memref<!tpu.dma_semaphore, #tpu.memory_space<semaphore_mem>>) {add = true}
        %dma_wait3A_136 = arith.constant 0 : i32
        %dma_wait3A_137 = tpu.memref_slice %arg8[%mul3A_105, %dma_wait3A_136] : memref<64x128xi32, #tpu.memory_space<vmem>> -> memref<1x128xi32, #tpu.memory_space<vmem>>
        %dma_wait3A_138 = tpu.memref_squeeze %dma_wait3A_137 : memref<1x128xi32, #tpu.memory_space<vmem>> -> memref<128xi32, #tpu.memory_space<vmem>>
        %dma_wait3A_139 = arith.constant 0 : i32
        %dma_wait3A_140 = arith.constant 0 : i32
        %dma_wait3A_141 = tpu.memref_slice %arg11[%dma_wait3A_139, %dma_wait3A_140] : memref<10112x128xf32, #tpu.memory_space<vmem_shared>> -> memref<10112x128xf32, #tpu.memory_space<vmem_shared>>
        tpu.wait_indirect_dma semaphore(%run_scoped3A : memref<!tpu.dma_semaphore, #tpu.memory_space<semaphore_mem>>) src(%arg9 : memref<128x128xf32, #tpu.memory_space<vmem>>) dst(%dma_wait3A_141 : memref<10112x128xf32, #tpu.memory_space<vmem_shared>>)
        tpu.yield
      }) : () -> ()
      %dma_wait3A_119 = arith.constant 0 : i32
      %dma_wait3A_120 = arith.constant 0 : i32
      %dma_wait3A_121 = tpu.memref_slice %arg2[%dma_wait3A_119, %dma_wait3A_120] : memref<10000x128xf32, #tpu.memory_space<hbm>> -> memref<128x128xf32, #tpu.memory_space<hbm>>
      %dma_wait3A_122 = arith.constant 0 : i32
      %dma_wait3A_123 = arith.constant 0 : i32
      %dma_wait3A_124 = tpu.memref_slice %arg2[%dma_wait3A_122, %dma_wait3A_123] : memref<10000x128xf32, #tpu.memory_space<hbm>> -> memref<128x128xf32, #tpu.memory_space<hbm>>
      tpu.wait_dma2 semaphore(%arg13 : memref<!tpu.dma_semaphore, #tpu.memory_space<semaphore_mem>>) src(%dma_wait3A_124 : memref<128x128xf32, #tpu.memory_space<hbm>>) dst(%arg10 : memref<128x128xf32, #tpu.memory_space<vmem>>)
      %sub3A_125 = arith.constant 1 : i32
      %sub3A_126 = arith.subi %select_n3A_91, %sub3A_125 : i32
      %lt3A = arith.cmpi slt, %while3A_103, %sub3A_126 : i32
      %convert_element_type3A_127 = arith.extui %lt3A : i1 to i32
      %cond3A_128 = arith.constant 0 : i32
      %cond3A_129 = arith.cmpi ne, %convert_element_type3A_127, %cond3A_128 : i32
      scf.if %cond3A_129 {
        %add3A_130 = arith.constant 1 : i32
        %add3A_131 = arith.addi %add3A_107, %add3A_130 : i32
        %dma_start3A_132 = arith.constant 0 : i32
        %dma_start3A_133 = tpu.memref_slice %arg7[%add3A_131, %dma_start3A_132] : memref<64x128xi32, #tpu.memory_space<vmem>> -> memref<1x128xi32, #tpu.memory_space<vmem>>
        %dma_start3A_134 = tpu.memref_squeeze %dma_start3A_133 : memref<1x128xi32, #tpu.memory_space<vmem>> -> memref<128xi32, #tpu.memory_space<vmem>>
        %dma_start3A_135 = arith.constant 0 : i32
        %dma_start3A_136 = arith.constant 0 : i32
        %dma_start3A_137 = tpu.memref_slice %arg2[%dma_start3A_135, %dma_start3A_136] : memref<10000x128xf32, #tpu.memory_space<hbm>> -> memref<10000x128xf32, #tpu.memory_space<hbm>>
        tpu.enqueue_indirect_dma source(%dma_start3A_137 : memref<10000x128xf32, #tpu.memory_space<hbm>>) target(%arg9 : memref<128x128xf32, #tpu.memory_space<vmem>>) offsets(%dma_start3A_134 : memref<128xi32, #tpu.memory_space<vmem>>) semaphore(%arg12 : memref<!tpu.dma_semaphore, #tpu.memory_space<semaphore_mem>>)
      } else {
      }
      "tpu.region"() ({
        %run_scoped3A = tpu.sem_alloc : memref<!tpu.dma_semaphore, #tpu.memory_space<semaphore_mem>>
        %dma_start3A_130 = arith.constant 0 : i32
        %dma_start3A_131 = tpu.memref_slice %arg8[%add3A_107, %dma_start3A_130] : memref<64x128xi32, #tpu.memory_space<vmem>> -> memref<1x128xi32, #tpu.memory_space<vmem>>
        %dma_start3A_132 = tpu.memref_squeeze %dma_start3A_131 : memref<1x128xi32, #tpu.memory_space<vmem>> -> memref<128xi32, #tpu.memory_space<vmem>>
        %dma_start3A_133 = arith.constant 0 : i32
        %dma_start3A_134 = arith.constant 0 : i32
        %dma_start3A_135 = tpu.memref_slice %arg11[%dma_start3A_133, %dma_start3A_134] : memref<10112x128xf32, #tpu.memory_space<vmem_shared>> -> memref<10112x128xf32, #tpu.memory_space<vmem_shared>>
        tpu.enqueue_indirect_dma source(%arg10 : memref<128x128xf32, #tpu.memory_space<vmem>>) target(%dma_start3A_135 : memref<10112x128xf32, #tpu.memory_space<vmem_shared>>) offsets(%dma_start3A_132 : memref<128xi32, #tpu.memory_space<vmem>>) semaphore(%run_scoped3A : memref<!tpu.dma_semaphore, #tpu.memory_space<semaphore_mem>>) {add = true}
        %dma_wait3A_136 = arith.constant 0 : i32
        %dma_wait3A_137 = tpu.memref_slice %arg8[%add3A_107, %dma_wait3A_136] : memref<64x128xi32, #tpu.memory_space<vmem>> -> memref<1x128xi32, #tpu.memory_space<vmem>>
        %dma_wait3A_138 = tpu.memref_squeeze %dma_wait3A_137 : memref<1x128xi32, #tpu.memory_space<vmem>> -> memref<128xi32, #tpu.memory_space<vmem>>
        %dma_wait3A_139 = arith.constant 0 : i32
        %dma_wait3A_140 = arith.constant 0 : i32
        %dma_wait3A_141 = tpu.memref_slice %arg11[%dma_wait3A_139, %dma_wait3A_140] : memref<10112x128xf32, #tpu.memory_space<vmem_shared>> -> memref<10112x128xf32, #tpu.memory_space<vmem_shared>>
        tpu.wait_indirect_dma semaphore(%run_scoped3A : memref<!tpu.dma_semaphore, #tpu.memory_space<semaphore_mem>>) src(%arg10 : memref<128x128xf32, #tpu.memory_space<vmem>>) dst(%dma_wait3A_141 : memref<10112x128xf32, #tpu.memory_space<vmem_shared>>)
        tpu.yield
      }) : () -> ()
    }
    %while3A_101 = arith.constant 1 : i32
    scf.for %while3A_103 = %while3A_99 to %while3A_95 step %while3A_101  : i32 {
      %mul3A_104 = arith.constant 2 : i32
      %mul3A_105 = arith.muli %mul3A_104, %while3A_103 : i32
      %add3A_106 = arith.constant 1 : i32
      %add3A_107 = arith.addi %mul3A_105, %add3A_106 : i32
      %dma_wait3A = arith.constant 0 : i32
      %dma_wait3A_108 = arith.constant 0 : i32
      %dma_wait3A_109 = tpu.memref_slice %arg2[%dma_wait3A, %dma_wait3A_108] : memref<10000x128xf32, #tpu.memory_space<hbm>> -> memref<128x128xf32, #tpu.memory_space<hbm>>
      %dma_wait3A_110 = arith.constant 0 : i32
      %dma_wait3A_111 = arith.constant 0 : i32
      %dma_wait3A_112 = tpu.memref_slice %arg2[%dma_wait3A_110, %dma_wait3A_111] : memref<10000x128xf32, #tpu.memory_space<hbm>> -> memref<128x128xf32, #tpu.memory_space<hbm>>
      tpu.wait_dma2 semaphore(%arg12 : memref<!tpu.dma_semaphore, #tpu.memory_space<semaphore_mem>>) src(%dma_wait3A_112 : memref<128x128xf32, #tpu.memory_space<hbm>>) dst(%arg9 : memref<128x128xf32, #tpu.memory_space<vmem>>)
      %dma_start3A_113 = arith.constant 0 : i32
      %dma_start3A_114 = tpu.memref_slice %arg7[%add3A_107, %dma_start3A_113] : memref<64x128xi32, #tpu.memory_space<vmem>> -> memref<1x128xi32, #tpu.memory_space<vmem>>
      %dma_start3A_115 = tpu.memref_squeeze %dma_start3A_114 : memref<1x128xi32, #tpu.memory_space<vmem>> -> memref<128xi32, #tpu.memory_space<vmem>>
      %dma_start3A_116 = arith.constant 0 : i32
      %dma_start3A_117 = arith.constant 0 : i32
      %dma_start3A_118 = tpu.memref_slice %arg2[%dma_start3A_116, %dma_start3A_117] : memref<10000x128xf32, #tpu.memory_space<hbm>> -> memref<10000x128xf32, #tpu.memory_space<hbm>>
      tpu.enqueue_indirect_dma source(%dma_start3A_118 : memref<10000x128xf32, #tpu.memory_space<hbm>>) target(%arg10 : memref<128x128xf32, #tpu.memory_space<vmem>>) offsets(%dma_start3A_115 : memref<128xi32, #tpu.memory_space<vmem>>) semaphore(%arg13 : memref<!tpu.dma_semaphore, #tpu.memory_space<semaphore_mem>>)
      "tpu.region"() ({
        %run_scoped3A = tpu.sem_alloc : memref<!tpu.dma_semaphore, #tpu.memory_space<semaphore_mem>>
        %dma_start3A_130 = arith.constant 0 : i32
        %dma_start3A_131 = tpu.memref_slice %arg8[%mul3A_105, %dma_start3A_130] : memref<64x128xi32, #tpu.memory_space<vmem>> -> memref<1x128xi32, #tpu.memory_space<vmem>>
        %dma_start3A_132 = tpu.memref_squeeze %dma_start3A_131 : memref<1x128xi32, #tpu.memory_space<vmem>> -> memref<128xi32, #tpu.memory_space<vmem>>
        %dma_start3A_133 = arith.constant 0 : i32
        %dma_start3A_134 = arith.constant 0 : i32
        %dma_start3A_135 = tpu.memref_slice %arg11[%dma_start3A_133, %dma_start3A_134] : memref<10112x128xf32, #tpu.memory_space<vmem_shared>> -> memref<10112x128xf32, #tpu.memory_space<vmem_shared>>
        tpu.enqueue_indirect_dma source(%arg9 : memref<128x128xf32, #tpu.memory_space<vmem>>) target(%dma_start3A_135 : memref<10112x128xf32, #tpu.memory_space<vmem_shared>>) offsets(%dma_start3A_132 : memref<128xi32, #tpu.memory_space<vmem>>) semaphore(%run_scoped3A : memref<!tpu.dma_semaphore, #tpu.memory_space<semaphore_mem>>) {add = true}
        %dma_wait3A_136 = arith.constant 0 : i32
        %dma_wait3A_137 = tpu.memref_slice %arg8[%mul3A_105, %dma_wait3A_136] : memref<64x128xi32, #tpu.memory_space<vmem>> -> memref<1x128xi32, #tpu.memory_space<vmem>>
        %dma_wait3A_138 = tpu.memref_squeeze %dma_wait3A_137 : memref<1x128xi32, #tpu.memory_space<vmem>> -> memref<128xi32, #tpu.memory_space<vmem>>
        %dma_wait3A_139 = arith.constant 0 : i32
        %dma_wait3A_140 = arith.constant 0 : i32
        %dma_wait3A_141 = tpu.memref_slice %arg11[%dma_wait3A_139, %dma_wait3A_140] : memref<10112x128xf32, #tpu.memory_space<vmem_shared>> -> memref<10112x128xf32, #tpu.memory_space<vmem_shared>>
        tpu.wait_indirect_dma semaphore(%run_scoped3A : memref<!tpu.dma_semaphore, #tpu.memory_space<semaphore_mem>>) src(%arg9 : memref<128x128xf32, #tpu.memory_space<vmem>>) dst(%dma_wait3A_141 : memref<10112x128xf32, #tpu.memory_space<vmem_shared>>)
        tpu.yield
      }) : () -> ()
      %dma_wait3A_119 = arith.constant 0 : i32
      %dma_wait3A_120 = arith.constant 0 : i32
      %dma_wait3A_121 = tpu.memref_slice %arg2[%dma_wait3A_119, %dma_wait3A_120] : memref<10000x128xf32, #tpu.memory_space<hbm>> -> memref<128x128xf32, #tpu.memory_space<hbm>>
      %dma_wait3A_122 = arith.constant 0 : i32
      %dma_wait3A_123 = arith.constant 0 : i32
      %dma_wait3A_124 = tpu.memref_slice %arg2[%dma_wait3A_122, %dma_wait3A_123] : memref<10000x128xf32, #tpu.memory_space<hbm>> -> memref<128x128xf32, #tpu.memory_space<hbm>>
      tpu.wait_dma2 semaphore(%arg13 : memref<!tpu.dma_semaphore, #tpu.memory_space<semaphore_mem>>) src(%dma_wait3A_124 : memref<128x128xf32, #tpu.memory_space<hbm>>) dst(%arg10 : memref<128x128xf32, #tpu.memory_space<vmem>>)
      %sub3A_125 = arith.constant 1 : i32
      %sub3A_126 = arith.subi %select_n3A_91, %sub3A_125 : i32
      %lt3A = arith.cmpi slt, %while3A_103, %sub3A_126 : i32
      %convert_element_type3A_127 = arith.extui %lt3A : i1 to i32
      %cond3A_128 = arith.constant 0 : i32
      %cond3A_129 = arith.cmpi ne, %convert_element_type3A_127, %cond3A_128 : i32
      scf.if %cond3A_129 {
        %add3A_130 = arith.constant 1 : i32
        %add3A_131 = arith.addi %add3A_107, %add3A_130 : i32
        %dma_start3A_132 = arith.constant 0 : i32
        %dma_start3A_133 = tpu.memref_slice %arg7[%add3A_131, %dma_start3A_132] : memref<64x128xi32, #tpu.memory_space<vmem>> -> memref<1x128xi32, #tpu.memory_space<vmem>>
        %dma_start3A_134 = tpu.memref_squeeze %dma_start3A_133 : memref<1x128xi32, #tpu.memory_space<vmem>> -> memref<128xi32, #tpu.memory_space<vmem>>
        %dma_start3A_135 = arith.constant 0 : i32
        %dma_start3A_136 = arith.constant 0 : i32
        %dma_start3A_137 = tpu.memref_slice %arg2[%dma_start3A_135, %dma_start3A_136] : memref<10000x128xf32, #tpu.memory_space<hbm>> -> memref<10000x128xf32, #tpu.memory_space<hbm>>
        tpu.enqueue_indirect_dma source(%dma_start3A_137 : memref<10000x128xf32, #tpu.memory_space<hbm>>) target(%arg9 : memref<128x128xf32, #tpu.memory_space<vmem>>) offsets(%dma_start3A_134 : memref<128xi32, #tpu.memory_space<vmem>>) semaphore(%arg12 : memref<!tpu.dma_semaphore, #tpu.memory_space<semaphore_mem>>)
      } else {
      }
      "tpu.region"() ({
        %run_scoped3A = tpu.sem_alloc : memref<!tpu.dma_semaphore, #tpu.memory_space<semaphore_mem>>
        %dma_start3A_130 = arith.constant 0 : i32
        %dma_start3A_131 = tpu.memref_slice %arg8[%add3A_107, %dma_start3A_130] : memref<64x128xi32, #tpu.memory_space<vmem>> -> memref<1x128xi32, #tpu.memory_space<vmem>>
        %dma_start3A_132 = tpu.memref_squeeze %dma_start3A_131 : memref<1x128xi32, #tpu.memory_space<vmem>> -> memref<128xi32, #tpu.memory_space<vmem>>
        %dma_start3A_133 = arith.constant 0 : i32
        %dma_start3A_134 = arith.constant 0 : i32
        %dma_start3A_135 = tpu.memref_slice %arg11[%dma_start3A_133, %dma_start3A_134] : memref<10112x128xf32, #tpu.memory_space<vmem_shared>> -> memref<10112x128xf32, #tpu.memory_space<vmem_shared>>
        tpu.enqueue_indirect_dma source(%arg10 : memref<128x128xf32, #tpu.memory_space<vmem>>) target(%dma_start3A_135 : memref<10112x128xf32, #tpu.memory_space<vmem_shared>>) offsets(%dma_start3A_132 : memref<128xi32, #tpu.memory_space<vmem>>) semaphore(%run_scoped3A : memref<!tpu.dma_semaphore, #tpu.memory_space<semaphore_mem>>) {add = true}
        %dma_wait3A_136 = arith.constant 0 : i32
        %dma_wait3A_137 = tpu.memref_slice %arg8[%add3A_107, %dma_wait3A_136] : memref<64x128xi32, #tpu.memory_space<vmem>> -> memref<1x128xi32, #tpu.memory_space<vmem>>
        %dma_wait3A_138 = tpu.memref_squeeze %dma_wait3A_137 : memref<1x128xi32, #tpu.memory_space<vmem>> -> memref<128xi32, #tpu.memory_space<vmem>>
        %dma_wait3A_139 = arith.constant 0 : i32
        %dma_wait3A_140 = arith.constant 0 : i32
        %dma_wait3A_141 = tpu.memref_slice %arg11[%dma_wait3A_139, %dma_wait3A_140] : memref<10112x128xf32, #tpu.memory_space<vmem_shared>> -> memref<10112x128xf32, #tpu.memory_space<vmem_shared>>
        tpu.wait_indirect_dma semaphore(%run_scoped3A : memref<!tpu.dma_semaphore, #tpu.memory_space<semaphore_mem>>) src(%arg10 : memref<128x128xf32, #tpu.memory_space<vmem>>) dst(%dma_wait3A_141 : memref<10112x128xf32, #tpu.memory_space<vmem_shared>>)
        tpu.yield
      }) : () -> ()
    }
    %barrier3A_102 = arith.constant 0 : index
    tpu.barrier barrier_id(%barrier3A_102)
    "tpu.region"() ({
      %run_scoped3A = tpu.sem_alloc : memref<!tpu.dma_semaphore, #tpu.memory_space<semaphore_mem>>
      %dma_start3A_103 = arith.constant 0 : i32
      %dma_start3A_104 = tpu.memref_slice %arg6[%arg0, %mul3A_0, %dma_start3A_103] : memref<2x10112x128xf32, #tpu.memory_space<hbm>> -> memref<1x632x128xf32, #tpu.memory_space<hbm>>
      %dma_start3A_105 = tpu.memref_squeeze %dma_start3A_104 : memref<1x632x128xf32, #tpu.memory_space<hbm>> -> memref<632x128xf32, #tpu.memory_space<hbm>>
      %dma_start3A_106 = arith.constant 0 : i32
      %dma_start3A_107 = tpu.memref_slice %arg11[%mul3A_0, %dma_start3A_106] : memref<10112x128xf32, #tpu.memory_space<vmem_shared>> -> memref<632x128xf32, #tpu.memory_space<vmem_shared>>
      tpu.enqueue_dma source(%dma_start3A_107 : memref<632x128xf32, #tpu.memory_space<vmem_shared>>) target(%dma_start3A_105 : memref<632x128xf32, #tpu.memory_space<hbm>>) target_semaphore(%run_scoped3A : memref<!tpu.dma_semaphore, #tpu.memory_space<semaphore_mem>>)
      %dma_wait3A = arith.constant 0 : i32
      %dma_wait3A_108 = tpu.memref_slice %arg6[%arg0, %mul3A_0, %dma_wait3A] : memref<2x10112x128xf32, #tpu.memory_space<hbm>> -> memref<1x632x128xf32, #tpu.memory_space<hbm>>
      %dma_wait3A_109 = tpu.memref_squeeze %dma_wait3A_108 : memref<1x632x128xf32, #tpu.memory_space<hbm>> -> memref<632x128xf32, #tpu.memory_space<hbm>>
      %dma_wait3A_110 = arith.constant 0 : i32
      %dma_wait3A_111 = tpu.memref_slice %arg11[%mul3A_0, %dma_wait3A_110] : memref<10112x128xf32, #tpu.memory_space<vmem_shared>> -> memref<632x128xf32, #tpu.memory_space<vmem_shared>>
      tpu.wait_dma2 semaphore(%run_scoped3A : memref<!tpu.dma_semaphore, #tpu.memory_space<semaphore_mem>>) src(%dma_wait3A_111 : memref<632x128xf32, #tpu.memory_space<vmem_shared>>) dst(%dma_wait3A_109 : memref<632x128xf32, #tpu.memory_space<hbm>>)
      tpu.yield
    }) : () -> ()
    return
  }
}

#map = affine_map<(d0, d1) -> (0, 0)>
#map1 = affine_map<(d0, d1) -> (0, 0, 0)>
module attributes {stable_mosaic.version = 14 : i64} {
  func.func @_agg_body(%arg0: i32, %arg1: i32, %arg2: memref<10000x128xf32, #tpu.memory_space<hbm>>, %arg3: memref<10112x128xf32, #tpu.memory_space<hbm>>, %arg4: memref<2560x128xi32, #tpu.memory_space<hbm>>, %arg5: memref<2560x128xi32, #tpu.memory_space<hbm>>, %arg6: memref<2x10112x128xf32, #tpu.memory_space<hbm>>, %arg7: memref<64x128xi32, #tpu.memory_space<vmem>>, %arg8: memref<64x128xi32, #tpu.memory_space<vmem>>, %arg9: memref<128x128xf32, #tpu.memory_space<vmem>>, %arg10: memref<128x128xf32, #tpu.memory_space<vmem>>, %arg11: memref<10112x128xf32, #tpu.memory_space<vmem_shared>>, %arg12: memref<!tpu.dma_semaphore, #tpu.memory_space<semaphore_mem>>, %arg13: memref<!tpu.dma_semaphore, #tpu.memory_space<semaphore_mem>>) attributes {dimension_semantics = [#tpu.dimension_semantics<core_parallel>, #tpu.dimension_semantics<subcore_parallel>], iteration_bounds = array<i64: 2, 16>, scalar_prefetch = 0 : i64, scratch_operands = 7 : i64, tpu.core_type = #tpu.core_type<sc_vector_subcore>, window_params = [{transform_indices = #map}, {transform_indices = #map}, {transform_indices = #map}, {transform_indices = #map}, {transform_indices = #map1}]} {
    %mul3A = arith.constant 632 : i32
    %mul3A_0 = arith.muli %arg1, %mul3A : i32
    %eq3A = arith.constant 0 : i32
    %eq3A_1 = arith.cmpi eq, %arg0, %eq3A : i32
    %mul3A_2 = arith.constant 128 : i32
    %mul3A_3 = arith.muli %arg1, %mul3A_2 : i32
    %mul3A_4 = arith.constant 32 : i32
    %mul3A_5 = arith.muli %arg1, %mul3A_4 : i32
    %add3A = arith.constant 2048 : i32
    %add3A_6 = arith.addi %add3A, %mul3A_5 : i32
    %select_n3A = arith.select %eq3A_1, %mul3A_3, %add3A_6 : i32
    %jit3A = arith.constant 64 : i32
    %jit3A_7 = arith.constant 16 : i32
    %select_n3A_8 = arith.select %eq3A_1, %jit3A, %jit3A_7 : i32
    "tpu.region"() ({
      %run_scoped3A = tpu.sem_alloc : memref<!tpu.dma_semaphore, #tpu.memory_space<semaphore_mem>>
      %dma_start3A_103 = arith.constant 0 : i32
      %dma_start3A_104 = tpu.memref_slice %arg11[%mul3A_0, %dma_start3A_103] : memref<10112x128xf32, #tpu.memory_space<vmem_shared>> -> memref<632x128xf32, #tpu.memory_space<vmem_shared>>
      %dma_start3A_105 = arith.constant 0 : i32
      %dma_start3A_106 = tpu.memref_slice %arg3[%mul3A_0, %dma_start3A_105] : memref<10112x128xf32, #tpu.memory_space<hbm>> -> memref<632x128xf32, #tpu.memory_space<hbm>>
      tpu.enqueue_dma source(%dma_start3A_106 : memref<632x128xf32, #tpu.memory_space<hbm>>) target(%dma_start3A_104 : memref<632x128xf32, #tpu.memory_space<vmem_shared>>) target_semaphore(%run_scoped3A : memref<!tpu.dma_semaphore, #tpu.memory_space<semaphore_mem>>)
      %dma_wait3A = arith.constant 0 : i32
      %dma_wait3A_107 = tpu.memref_slice %arg11[%mul3A_0, %dma_wait3A] : memref<10112x128xf32, #tpu.memory_space<vmem_shared>> -> memref<632x128xf32, #tpu.memory_space<vmem_shared>>
      %dma_wait3A_108 = arith.constant 0 : i32
      %dma_wait3A_109 = tpu.memref_slice %arg3[%mul3A_0, %dma_wait3A_108] : memref<10112x128xf32, #tpu.memory_space<hbm>> -> memref<632x128xf32, #tpu.memory_space<hbm>>
      tpu.wait_dma2 semaphore(%run_scoped3A : memref<!tpu.dma_semaphore, #tpu.memory_space<semaphore_mem>>) src(%dma_wait3A_109 : memref<632x128xf32, #tpu.memory_space<hbm>>) dst(%dma_wait3A_107 : memref<632x128xf32, #tpu.memory_space<vmem_shared>>)
      tpu.yield
    }) : () -> ()
    %barrier3A = arith.constant 0 : index
    tpu.barrier barrier_id(%barrier3A)
    %mul3A_9 = arith.constant 0 : i32
    %mul3A_10 = arith.muli %mul3A_9, %select_n3A_8 : i32
    %add3A_11 = arith.addi %select_n3A, %mul3A_10 : i32
    %convert_element_type3A = arith.extui %eq3A_1 : i1 to i32
    %cond3A = arith.constant 0 : i32
    %cond3A_12 = arith.cmpi ne, %convert_element_type3A, %cond3A : i32
    scf.if %cond3A_12 {
      "tpu.region"() ({
        %run_scoped3A = tpu.sem_alloc : memref<!tpu.dma_semaphore, #tpu.memory_space<semaphore_mem>>
        %dma_start3A_103 = arith.constant 0 : i32
        %dma_start3A_104 = arith.constant 0 : i32
        %dma_start3A_105 = tpu.memref_slice %arg7[%dma_start3A_103, %dma_start3A_104] : memref<64x128xi32, #tpu.memory_space<vmem>> -> memref<64x128xi32, #tpu.memory_space<vmem>>
        %dma_start3A_106 = arith.constant 0 : i32
        %dma_start3A_107 = tpu.memref_slice %arg4[%add3A_11, %dma_start3A_106] : memref<2560x128xi32, #tpu.memory_space<hbm>> -> memref<64x128xi32, #tpu.memory_space<hbm>>
        %dma_start3A_108 = arith.constant 0 : i32
        %dma_start3A_109 = arith.constant 0 : i32
        %dma_start3A_110 = tpu.memref_slice %arg7[%dma_start3A_108, %dma_start3A_109] : memref<64x128xi32, #tpu.memory_space<vmem>> -> memref<64x128xi32, #tpu.memory_space<vmem>>
        %dma_start3A_111 = arith.constant 0 : i32
        %dma_start3A_112 = tpu.memref_slice %arg4[%add3A_11, %dma_start3A_111] : memref<2560x128xi32, #tpu.memory_space<hbm>> -> memref<64x128xi32, #tpu.memory_space<hbm>>
        tpu.enqueue_dma source(%dma_start3A_112 : memref<64x128xi32, #tpu.memory_space<hbm>>) target(%dma_start3A_110 : memref<64x128xi32, #tpu.memory_space<vmem>>) target_semaphore(%run_scoped3A : memref<!tpu.dma_semaphore, #tpu.memory_space<semaphore_mem>>)
        %dma_wait3A = arith.constant 0 : i32
        %dma_wait3A_113 = arith.constant 0 : i32
        %dma_wait3A_114 = tpu.memref_slice %arg7[%dma_wait3A, %dma_wait3A_113] : memref<64x128xi32, #tpu.memory_space<vmem>> -> memref<64x128xi32, #tpu.memory_space<vmem>>
        %dma_wait3A_115 = arith.constant 0 : i32
        %dma_wait3A_116 = tpu.memref_slice %arg4[%add3A_11, %dma_wait3A_115] : memref<2560x128xi32, #tpu.memory_space<hbm>> -> memref<64x128xi32, #tpu.memory_space<hbm>>
        %dma_wait3A_117 = arith.constant 0 : i32
        %dma_wait3A_118 = arith.constant 0 : i32
        %dma_wait3A_119 = tpu.memref_slice %arg7[%dma_wait3A_117, %dma_wait3A_118] : memref<64x128xi32, #tpu.memory_space<vmem>> -> memref<64x128xi32, #tpu.memory_space<vmem>>
        %dma_wait3A_120 = arith.constant 0 : i32
        %dma_wait3A_121 = tpu.memref_slice %arg4[%add3A_11, %dma_wait3A_120] : memref<2560x128xi32, #tpu.memory_space<hbm>> -> memref<64x128xi32, #tpu.memory_space<hbm>>
        tpu.wait_dma2 semaphore(%run_scoped3A : memref<!tpu.dma_semaphore, #tpu.memory_space<semaphore_mem>>) src(%dma_wait3A_121 : memref<64x128xi32, #tpu.memory_space<hbm>>) dst(%dma_wait3A_119 : memref<64x128xi32, #tpu.memory_space<vmem>>)
        tpu.yield
      }) : () -> ()
      "tpu.region"() ({
        %run_scoped3A = tpu.sem_alloc : memref<!tpu.dma_semaphore, #tpu.memory_space<semaphore_mem>>
        %dma_start3A_103 = arith.constant 0 : i32
        %dma_start3A_104 = arith.constant 0 : i32
        %dma_start3A_105 = tpu.memref_slice %arg8[%dma_start3A_103, %dma_start3A_104] : memref<64x128xi32, #tpu.memory_space<vmem>> -> memref<64x128xi32, #tpu.memory_space<vmem>>
        %dma_start3A_106 = arith.constant 0 : i32
        %dma_start3A_107 = tpu.memref_slice %arg5[%add3A_11, %dma_start3A_106] : memref<2560x128xi32, #tpu.memory_space<hbm>> -> memref<64x128xi32, #tpu.memory_space<hbm>>
        %dma_start3A_108 = arith.constant 0 : i32
        %dma_start3A_109 = arith.constant 0 : i32
        %dma_start3A_110 = tpu.memref_slice %arg8[%dma_start3A_108, %dma_start3A_109] : memref<64x128xi32, #tpu.memory_space<vmem>> -> memref<64x128xi32, #tpu.memory_space<vmem>>
        %dma_start3A_111 = arith.constant 0 : i32
        %dma_start3A_112 = tpu.memref_slice %arg5[%add3A_11, %dma_start3A_111] : memref<2560x128xi32, #tpu.memory_space<hbm>> -> memref<64x128xi32, #tpu.memory_space<hbm>>
        tpu.enqueue_dma source(%dma_start3A_112 : memref<64x128xi32, #tpu.memory_space<hbm>>) target(%dma_start3A_110 : memref<64x128xi32, #tpu.memory_space<vmem>>) target_semaphore(%run_scoped3A : memref<!tpu.dma_semaphore, #tpu.memory_space<semaphore_mem>>)
        %dma_wait3A = arith.constant 0 : i32
        %dma_wait3A_113 = arith.constant 0 : i32
        %dma_wait3A_114 = tpu.memref_slice %arg8[%dma_wait3A, %dma_wait3A_113] : memref<64x128xi32, #tpu.memory_space<vmem>> -> memref<64x128xi32, #tpu.memory_space<vmem>>
        %dma_wait3A_115 = arith.constant 0 : i32
        %dma_wait3A_116 = tpu.memref_slice %arg5[%add3A_11, %dma_wait3A_115] : memref<2560x128xi32, #tpu.memory_space<hbm>> -> memref<64x128xi32, #tpu.memory_space<hbm>>
        %dma_wait3A_117 = arith.constant 0 : i32
        %dma_wait3A_118 = arith.constant 0 : i32
        %dma_wait3A_119 = tpu.memref_slice %arg8[%dma_wait3A_117, %dma_wait3A_118] : memref<64x128xi32, #tpu.memory_space<vmem>> -> memref<64x128xi32, #tpu.memory_space<vmem>>
        %dma_wait3A_120 = arith.constant 0 : i32
        %dma_wait3A_121 = tpu.memref_slice %arg5[%add3A_11, %dma_wait3A_120] : memref<2560x128xi32, #tpu.memory_space<hbm>> -> memref<64x128xi32, #tpu.memory_space<hbm>>
        tpu.wait_dma2 semaphore(%run_scoped3A : memref<!tpu.dma_semaphore, #tpu.memory_space<semaphore_mem>>) src(%dma_wait3A_121 : memref<64x128xi32, #tpu.memory_space<hbm>>) dst(%dma_wait3A_119 : memref<64x128xi32, #tpu.memory_space<vmem>>)
        tpu.yield
      }) : () -> ()
    } else {
    }
    %not3A = arith.constant true
    %not3A_13 = arith.xori %eq3A_1, %not3A : i1
    %convert_element_type3A_14 = arith.extui %not3A_13 : i1 to i32
    %cond3A_15 = arith.constant 0 : i32
    %cond3A_16 = arith.cmpi ne, %convert_element_type3A_14, %cond3A_15 : i32
    scf.if %cond3A_16 {
      "tpu.region"() ({
        %run_scoped3A = tpu.sem_alloc : memref<!tpu.dma_semaphore, #tpu.memory_space<semaphore_mem>>
        %dma_start3A_103 = arith.constant 0 : i32
        %dma_start3A_104 = arith.constant 0 : i32
        %dma_start3A_105 = tpu.memref_slice %arg7[%dma_start3A_103, %dma_start3A_104] : memref<64x128xi32, #tpu.memory_space<vmem>> -> memref<16x128xi32, #tpu.memory_space<vmem>>
        %dma_start3A_106 = arith.constant 0 : i32
        %dma_start3A_107 = tpu.memref_slice %arg4[%add3A_11, %dma_start3A_106] : memref<2560x128xi32, #tpu.memory_space<hbm>> -> memref<16x128xi32, #tpu.memory_space<hbm>>
        %dma_start3A_108 = arith.constant 0 : i32
        %dma_start3A_109 = arith.constant 0 : i32
        %dma_start3A_110 = tpu.memref_slice %arg7[%dma_start3A_108, %dma_start3A_109] : memref<64x128xi32, #tpu.memory_space<vmem>> -> memref<16x128xi32, #tpu.memory_space<vmem>>
        %dma_start3A_111 = arith.constant 0 : i32
        %dma_start3A_112 = tpu.memref_slice %arg4[%add3A_11, %dma_start3A_111] : memref<2560x128xi32, #tpu.memory_space<hbm>> -> memref<16x128xi32, #tpu.memory_space<hbm>>
        tpu.enqueue_dma source(%dma_start3A_112 : memref<16x128xi32, #tpu.memory_space<hbm>>) target(%dma_start3A_110 : memref<16x128xi32, #tpu.memory_space<vmem>>) target_semaphore(%run_scoped3A : memref<!tpu.dma_semaphore, #tpu.memory_space<semaphore_mem>>)
        %dma_wait3A = arith.constant 0 : i32
        %dma_wait3A_113 = arith.constant 0 : i32
        %dma_wait3A_114 = tpu.memref_slice %arg7[%dma_wait3A, %dma_wait3A_113] : memref<64x128xi32, #tpu.memory_space<vmem>> -> memref<16x128xi32, #tpu.memory_space<vmem>>
        %dma_wait3A_115 = arith.constant 0 : i32
        %dma_wait3A_116 = tpu.memref_slice %arg4[%add3A_11, %dma_wait3A_115] : memref<2560x128xi32, #tpu.memory_space<hbm>> -> memref<16x128xi32, #tpu.memory_space<hbm>>
        %dma_wait3A_117 = arith.constant 0 : i32
        %dma_wait3A_118 = arith.constant 0 : i32
        %dma_wait3A_119 = tpu.memref_slice %arg7[%dma_wait3A_117, %dma_wait3A_118] : memref<64x128xi32, #tpu.memory_space<vmem>> -> memref<16x128xi32, #tpu.memory_space<vmem>>
        %dma_wait3A_120 = arith.constant 0 : i32
        %dma_wait3A_121 = tpu.memref_slice %arg4[%add3A_11, %dma_wait3A_120] : memref<2560x128xi32, #tpu.memory_space<hbm>> -> memref<16x128xi32, #tpu.memory_space<hbm>>
        tpu.wait_dma2 semaphore(%run_scoped3A : memref<!tpu.dma_semaphore, #tpu.memory_space<semaphore_mem>>) src(%dma_wait3A_121 : memref<16x128xi32, #tpu.memory_space<hbm>>) dst(%dma_wait3A_119 : memref<16x128xi32, #tpu.memory_space<vmem>>)
        tpu.yield
      }) : () -> ()
      "tpu.region"() ({
        %run_scoped3A = tpu.sem_alloc : memref<!tpu.dma_semaphore, #tpu.memory_space<semaphore_mem>>
        %dma_start3A_103 = arith.constant 0 : i32
        %dma_start3A_104 = arith.constant 0 : i32
        %dma_start3A_105 = tpu.memref_slice %arg8[%dma_start3A_103, %dma_start3A_104] : memref<64x128xi32, #tpu.memory_space<vmem>> -> memref<16x128xi32, #tpu.memory_space<vmem>>
        %dma_start3A_106 = arith.constant 0 : i32
        %dma_start3A_107 = tpu.memref_slice %arg5[%add3A_11, %dma_start3A_106] : memref<2560x128xi32, #tpu.memory_space<hbm>> -> memref<16x128xi32, #tpu.memory_space<hbm>>
        %dma_start3A_108 = arith.constant 0 : i32
        %dma_start3A_109 = arith.constant 0 : i32
        %dma_start3A_110 = tpu.memref_slice %arg8[%dma_start3A_108, %dma_start3A_109] : memref<64x128xi32, #tpu.memory_space<vmem>> -> memref<16x128xi32, #tpu.memory_space<vmem>>
        %dma_start3A_111 = arith.constant 0 : i32
        %dma_start3A_112 = tpu.memref_slice %arg5[%add3A_11, %dma_start3A_111] : memref<2560x128xi32, #tpu.memory_space<hbm>> -> memref<16x128xi32, #tpu.memory_space<hbm>>
        tpu.enqueue_dma source(%dma_start3A_112 : memref<16x128xi32, #tpu.memory_space<hbm>>) target(%dma_start3A_110 : memref<16x128xi32, #tpu.memory_space<vmem>>) target_semaphore(%run_scoped3A : memref<!tpu.dma_semaphore, #tpu.memory_space<semaphore_mem>>)
        %dma_wait3A = arith.constant 0 : i32
        %dma_wait3A_113 = arith.constant 0 : i32
        %dma_wait3A_114 = tpu.memref_slice %arg8[%dma_wait3A, %dma_wait3A_113] : memref<64x128xi32, #tpu.memory_space<vmem>> -> memref<16x128xi32, #tpu.memory_space<vmem>>
        %dma_wait3A_115 = arith.constant 0 : i32
        %dma_wait3A_116 = tpu.memref_slice %arg5[%add3A_11, %dma_wait3A_115] : memref<2560x128xi32, #tpu.memory_space<hbm>> -> memref<16x128xi32, #tpu.memory_space<hbm>>
        %dma_wait3A_117 = arith.constant 0 : i32
        %dma_wait3A_118 = arith.constant 0 : i32
        %dma_wait3A_119 = tpu.memref_slice %arg8[%dma_wait3A_117, %dma_wait3A_118] : memref<64x128xi32, #tpu.memory_space<vmem>> -> memref<16x128xi32, #tpu.memory_space<vmem>>
        %dma_wait3A_120 = arith.constant 0 : i32
        %dma_wait3A_121 = tpu.memref_slice %arg5[%add3A_11, %dma_wait3A_120] : memref<2560x128xi32, #tpu.memory_space<hbm>> -> memref<16x128xi32, #tpu.memory_space<hbm>>
        tpu.wait_dma2 semaphore(%run_scoped3A : memref<!tpu.dma_semaphore, #tpu.memory_space<semaphore_mem>>) src(%dma_wait3A_121 : memref<16x128xi32, #tpu.memory_space<hbm>>) dst(%dma_wait3A_119 : memref<16x128xi32, #tpu.memory_space<vmem>>)
        tpu.yield
      }) : () -> ()
    } else {
    }
    %dma_start3A = arith.constant 0 : i32
    %dma_start3A_17 = arith.constant 0 : i32
    %dma_start3A_18 = tpu.memref_slice %arg7[%dma_start3A, %dma_start3A_17] : memref<64x128xi32, #tpu.memory_space<vmem>> -> memref<1x128xi32, #tpu.memory_space<vmem>>
    %dma_start3A_19 = tpu.memref_squeeze %dma_start3A_18 : memref<1x128xi32, #tpu.memory_space<vmem>> -> memref<128xi32, #tpu.memory_space<vmem>>
    %dma_start3A_20 = arith.constant 0 : i32
    %dma_start3A_21 = arith.constant 0 : i32
    %dma_start3A_22 = tpu.memref_slice %arg2[%dma_start3A_20, %dma_start3A_21] : memref<10000x128xf32, #tpu.memory_space<hbm>> -> memref<10000x128xf32, #tpu.memory_space<hbm>>
    tpu.enqueue_indirect_dma source(%dma_start3A_22 : memref<10000x128xf32, #tpu.memory_space<hbm>>) target(%arg9 : memref<128x128xf32, #tpu.memory_space<vmem>>) offsets(%dma_start3A_19 : memref<128xi32, #tpu.memory_space<vmem>>) semaphore(%arg12 : memref<!tpu.dma_semaphore, #tpu.memory_space<semaphore_mem>>)
    %jit3A_23 = arith.constant 2 : i32
    %div3A = arith.divsi %select_n3A_8, %jit3A_23 : i32
    %sign3A = arith.constant 0 : i32
    %sign3A_24 = arith.cmpi sgt, %select_n3A_8, %sign3A : i32
    %sign3A_25 = arith.extui %sign3A_24 : i1 to i32
    %sign3A_26 = arith.constant 0 : i32
    %sign3A_27 = arith.cmpi slt, %select_n3A_8, %sign3A_26 : i32
    %sign3A_28 = arith.extui %sign3A_27 : i1 to i32
    %sign3A_29 = arith.subi %sign3A_25, %sign3A_28 : i32
    %sign3A_30 = arith.constant 0 : i32
    %sign3A_31 = arith.cmpi sgt, %jit3A_23, %sign3A_30 : i32
    %sign3A_32 = arith.extui %sign3A_31 : i1 to i32
    %sign3A_33 = arith.constant 0 : i32
    %sign3A_34 = arith.cmpi slt, %jit3A_23, %sign3A_33 : i32
    %sign3A_35 = arith.extui %sign3A_34 : i1 to i32
    %sign3A_36 = arith.subi %sign3A_32, %sign3A_35 : i32
    %ne3A = arith.cmpi ne, %sign3A_29, %sign3A_36 : i32
    %rem3A = arith.remsi %select_n3A_8, %jit3A_23 : i32
    %ne3A_37 = arith.constant 0 : i32
    %ne3A_38 = arith.cmpi ne, %rem3A, %ne3A_37 : i32
    %and3A = arith.andi %ne3A, %ne3A_38 : i1
    %sub3A = arith.constant 1 : i32
    %sub3A_39 = arith.subi %div3A, %sub3A : i32
    %select_n3A_40 = arith.select %and3A, %sub3A_39, %div3A : i32
    %while3A = arith.constant 0 : i32
    %while3A_41 = arith.constant 0 : i32
    %while3A_42 = arith.subi %select_n3A_40, %while3A_41 : i32
    %while3A_43 = arith.addi %while3A_41, %while3A_42 : i32
    %while3A_44 = arith.constant 1 : i32
    %while3A_45 = arith.divsi %while3A_42, %while3A_44 : i32
    %while3A_46 = arith.muli %while3A_45, %while3A_44 : i32
    %while3A_47 = arith.addi %while3A_41, %while3A_46 : i32
    %while3A_48 = arith.constant 1 : i32
    scf.for %while3A_103 = %while3A_41 to %while3A_47 step %while3A_48  : i32 {
      %mul3A_104 = arith.constant 2 : i32
      %mul3A_105 = arith.muli %mul3A_104, %while3A_103 : i32
      %add3A_106 = arith.constant 1 : i32
      %add3A_107 = arith.addi %mul3A_105, %add3A_106 : i32
      %dma_wait3A = arith.constant 0 : i32
      %dma_wait3A_108 = arith.constant 0 : i32
      %dma_wait3A_109 = tpu.memref_slice %arg2[%dma_wait3A, %dma_wait3A_108] : memref<10000x128xf32, #tpu.memory_space<hbm>> -> memref<128x128xf32, #tpu.memory_space<hbm>>
      %dma_wait3A_110 = arith.constant 0 : i32
      %dma_wait3A_111 = arith.constant 0 : i32
      %dma_wait3A_112 = tpu.memref_slice %arg2[%dma_wait3A_110, %dma_wait3A_111] : memref<10000x128xf32, #tpu.memory_space<hbm>> -> memref<128x128xf32, #tpu.memory_space<hbm>>
      tpu.wait_dma2 semaphore(%arg12 : memref<!tpu.dma_semaphore, #tpu.memory_space<semaphore_mem>>) src(%dma_wait3A_112 : memref<128x128xf32, #tpu.memory_space<hbm>>) dst(%arg9 : memref<128x128xf32, #tpu.memory_space<vmem>>)
      %dma_start3A_113 = arith.constant 0 : i32
      %dma_start3A_114 = tpu.memref_slice %arg7[%add3A_107, %dma_start3A_113] : memref<64x128xi32, #tpu.memory_space<vmem>> -> memref<1x128xi32, #tpu.memory_space<vmem>>
      %dma_start3A_115 = tpu.memref_squeeze %dma_start3A_114 : memref<1x128xi32, #tpu.memory_space<vmem>> -> memref<128xi32, #tpu.memory_space<vmem>>
      %dma_start3A_116 = arith.constant 0 : i32
      %dma_start3A_117 = arith.constant 0 : i32
      %dma_start3A_118 = tpu.memref_slice %arg2[%dma_start3A_116, %dma_start3A_117] : memref<10000x128xf32, #tpu.memory_space<hbm>> -> memref<10000x128xf32, #tpu.memory_space<hbm>>
      tpu.enqueue_indirect_dma source(%dma_start3A_118 : memref<10000x128xf32, #tpu.memory_space<hbm>>) target(%arg10 : memref<128x128xf32, #tpu.memory_space<vmem>>) offsets(%dma_start3A_115 : memref<128xi32, #tpu.memory_space<vmem>>) semaphore(%arg13 : memref<!tpu.dma_semaphore, #tpu.memory_space<semaphore_mem>>)
      "tpu.region"() ({
        %run_scoped3A = tpu.sem_alloc : memref<!tpu.dma_semaphore, #tpu.memory_space<semaphore_mem>>
        %dma_start3A_130 = arith.constant 0 : i32
        %dma_start3A_131 = tpu.memref_slice %arg8[%mul3A_105, %dma_start3A_130] : memref<64x128xi32, #tpu.memory_space<vmem>> -> memref<1x128xi32, #tpu.memory_space<vmem>>
        %dma_start3A_132 = tpu.memref_squeeze %dma_start3A_131 : memref<1x128xi32, #tpu.memory_space<vmem>> -> memref<128xi32, #tpu.memory_space<vmem>>
        %dma_start3A_133 = arith.constant 0 : i32
        %dma_start3A_134 = arith.constant 0 : i32
        %dma_start3A_135 = tpu.memref_slice %arg11[%dma_start3A_133, %dma_start3A_134] : memref<10112x128xf32, #tpu.memory_space<vmem_shared>> -> memref<10112x128xf32, #tpu.memory_space<vmem_shared>>
        tpu.enqueue_indirect_dma source(%arg9 : memref<128x128xf32, #tpu.memory_space<vmem>>) target(%dma_start3A_135 : memref<10112x128xf32, #tpu.memory_space<vmem_shared>>) offsets(%dma_start3A_132 : memref<128xi32, #tpu.memory_space<vmem>>) semaphore(%run_scoped3A : memref<!tpu.dma_semaphore, #tpu.memory_space<semaphore_mem>>) {add = true}
        %dma_wait3A_136 = arith.constant 0 : i32
        %dma_wait3A_137 = tpu.memref_slice %arg8[%mul3A_105, %dma_wait3A_136] : memref<64x128xi32, #tpu.memory_space<vmem>> -> memref<1x128xi32, #tpu.memory_space<vmem>>
        %dma_wait3A_138 = tpu.memref_squeeze %dma_wait3A_137 : memref<1x128xi32, #tpu.memory_space<vmem>> -> memref<128xi32, #tpu.memory_space<vmem>>
        %dma_wait3A_139 = arith.constant 0 : i32
        %dma_wait3A_140 = arith.constant 0 : i32
        %dma_wait3A_141 = tpu.memref_slice %arg11[%dma_wait3A_139, %dma_wait3A_140] : memref<10112x128xf32, #tpu.memory_space<vmem_shared>> -> memref<10112x128xf32, #tpu.memory_space<vmem_shared>>
        tpu.wait_indirect_dma semaphore(%run_scoped3A : memref<!tpu.dma_semaphore, #tpu.memory_space<semaphore_mem>>) src(%arg9 : memref<128x128xf32, #tpu.memory_space<vmem>>) dst(%dma_wait3A_141 : memref<10112x128xf32, #tpu.memory_space<vmem_shared>>)
        tpu.yield
      }) : () -> ()
      %dma_wait3A_119 = arith.constant 0 : i32
      %dma_wait3A_120 = arith.constant 0 : i32
      %dma_wait3A_121 = tpu.memref_slice %arg2[%dma_wait3A_119, %dma_wait3A_120] : memref<10000x128xf32, #tpu.memory_space<hbm>> -> memref<128x128xf32, #tpu.memory_space<hbm>>
      %dma_wait3A_122 = arith.constant 0 : i32
      %dma_wait3A_123 = arith.constant 0 : i32
      %dma_wait3A_124 = tpu.memref_slice %arg2[%dma_wait3A_122, %dma_wait3A_123] : memref<10000x128xf32, #tpu.memory_space<hbm>> -> memref<128x128xf32, #tpu.memory_space<hbm>>
      tpu.wait_dma2 semaphore(%arg13 : memref<!tpu.dma_semaphore, #tpu.memory_space<semaphore_mem>>) src(%dma_wait3A_124 : memref<128x128xf32, #tpu.memory_space<hbm>>) dst(%arg10 : memref<128x128xf32, #tpu.memory_space<vmem>>)
      %sub3A_125 = arith.constant 1 : i32
      %sub3A_126 = arith.subi %select_n3A_40, %sub3A_125 : i32
      %lt3A = arith.cmpi slt, %while3A_103, %sub3A_126 : i32
      %convert_element_type3A_127 = arith.extui %lt3A : i1 to i32
      %cond3A_128 = arith.constant 0 : i32
      %cond3A_129 = arith.cmpi ne, %convert_element_type3A_127, %cond3A_128 : i32
      scf.if %cond3A_129 {
        %add3A_130 = arith.constant 1 : i32
        %add3A_131 = arith.addi %add3A_107, %add3A_130 : i32
        %dma_start3A_132 = arith.constant 0 : i32
        %dma_start3A_133 = tpu.memref_slice %arg7[%add3A_131, %dma_start3A_132] : memref<64x128xi32, #tpu.memory_space<vmem>> -> memref<1x128xi32, #tpu.memory_space<vmem>>
        %dma_start3A_134 = tpu.memref_squeeze %dma_start3A_133 : memref<1x128xi32, #tpu.memory_space<vmem>> -> memref<128xi32, #tpu.memory_space<vmem>>
        %dma_start3A_135 = arith.constant 0 : i32
        %dma_start3A_136 = arith.constant 0 : i32
        %dma_start3A_137 = tpu.memref_slice %arg2[%dma_start3A_135, %dma_start3A_136] : memref<10000x128xf32, #tpu.memory_space<hbm>> -> memref<10000x128xf32, #tpu.memory_space<hbm>>
        tpu.enqueue_indirect_dma source(%dma_start3A_137 : memref<10000x128xf32, #tpu.memory_space<hbm>>) target(%arg9 : memref<128x128xf32, #tpu.memory_space<vmem>>) offsets(%dma_start3A_134 : memref<128xi32, #tpu.memory_space<vmem>>) semaphore(%arg12 : memref<!tpu.dma_semaphore, #tpu.memory_space<semaphore_mem>>)
      } else {
      }
      "tpu.region"() ({
        %run_scoped3A = tpu.sem_alloc : memref<!tpu.dma_semaphore, #tpu.memory_space<semaphore_mem>>
        %dma_start3A_130 = arith.constant 0 : i32
        %dma_start3A_131 = tpu.memref_slice %arg8[%add3A_107, %dma_start3A_130] : memref<64x128xi32, #tpu.memory_space<vmem>> -> memref<1x128xi32, #tpu.memory_space<vmem>>
        %dma_start3A_132 = tpu.memref_squeeze %dma_start3A_131 : memref<1x128xi32, #tpu.memory_space<vmem>> -> memref<128xi32, #tpu.memory_space<vmem>>
        %dma_start3A_133 = arith.constant 0 : i32
        %dma_start3A_134 = arith.constant 0 : i32
        %dma_start3A_135 = tpu.memref_slice %arg11[%dma_start3A_133, %dma_start3A_134] : memref<10112x128xf32, #tpu.memory_space<vmem_shared>> -> memref<10112x128xf32, #tpu.memory_space<vmem_shared>>
        tpu.enqueue_indirect_dma source(%arg10 : memref<128x128xf32, #tpu.memory_space<vmem>>) target(%dma_start3A_135 : memref<10112x128xf32, #tpu.memory_space<vmem_shared>>) offsets(%dma_start3A_132 : memref<128xi32, #tpu.memory_space<vmem>>) semaphore(%run_scoped3A : memref<!tpu.dma_semaphore, #tpu.memory_space<semaphore_mem>>) {add = true}
        %dma_wait3A_136 = arith.constant 0 : i32
        %dma_wait3A_137 = tpu.memref_slice %arg8[%add3A_107, %dma_wait3A_136] : memref<64x128xi32, #tpu.memory_space<vmem>> -> memref<1x128xi32, #tpu.memory_space<vmem>>
        %dma_wait3A_138 = tpu.memref_squeeze %dma_wait3A_137 : memref<1x128xi32, #tpu.memory_space<vmem>> -> memref<128xi32, #tpu.memory_space<vmem>>
        %dma_wait3A_139 = arith.constant 0 : i32
        %dma_wait3A_140 = arith.constant 0 : i32
        %dma_wait3A_141 = tpu.memref_slice %arg11[%dma_wait3A_139, %dma_wait3A_140] : memref<10112x128xf32, #tpu.memory_space<vmem_shared>> -> memref<10112x128xf32, #tpu.memory_space<vmem_shared>>
        tpu.wait_indirect_dma semaphore(%run_scoped3A : memref<!tpu.dma_semaphore, #tpu.memory_space<semaphore_mem>>) src(%arg10 : memref<128x128xf32, #tpu.memory_space<vmem>>) dst(%dma_wait3A_141 : memref<10112x128xf32, #tpu.memory_space<vmem_shared>>)
        tpu.yield
      }) : () -> ()
    }
    %while3A_49 = arith.constant 1 : i32
    scf.for %while3A_103 = %while3A_47 to %while3A_43 step %while3A_49  : i32 {
      %mul3A_104 = arith.constant 2 : i32
      %mul3A_105 = arith.muli %mul3A_104, %while3A_103 : i32
      %add3A_106 = arith.constant 1 : i32
      %add3A_107 = arith.addi %mul3A_105, %add3A_106 : i32
      %dma_wait3A = arith.constant 0 : i32
      %dma_wait3A_108 = arith.constant 0 : i32
      %dma_wait3A_109 = tpu.memref_slice %arg2[%dma_wait3A, %dma_wait3A_108] : memref<10000x128xf32, #tpu.memory_space<hbm>> -> memref<128x128xf32, #tpu.memory_space<hbm>>
      %dma_wait3A_110 = arith.constant 0 : i32
      %dma_wait3A_111 = arith.constant 0 : i32
      %dma_wait3A_112 = tpu.memref_slice %arg2[%dma_wait3A_110, %dma_wait3A_111] : memref<10000x128xf32, #tpu.memory_space<hbm>> -> memref<128x128xf32, #tpu.memory_space<hbm>>
      tpu.wait_dma2 semaphore(%arg12 : memref<!tpu.dma_semaphore, #tpu.memory_space<semaphore_mem>>) src(%dma_wait3A_112 : memref<128x128xf32, #tpu.memory_space<hbm>>) dst(%arg9 : memref<128x128xf32, #tpu.memory_space<vmem>>)
      %dma_start3A_113 = arith.constant 0 : i32
      %dma_start3A_114 = tpu.memref_slice %arg7[%add3A_107, %dma_start3A_113] : memref<64x128xi32, #tpu.memory_space<vmem>> -> memref<1x128xi32, #tpu.memory_space<vmem>>
      %dma_start3A_115 = tpu.memref_squeeze %dma_start3A_114 : memref<1x128xi32, #tpu.memory_space<vmem>> -> memref<128xi32, #tpu.memory_space<vmem>>
      %dma_start3A_116 = arith.constant 0 : i32
      %dma_start3A_117 = arith.constant 0 : i32
      %dma_start3A_118 = tpu.memref_slice %arg2[%dma_start3A_116, %dma_start3A_117] : memref<10000x128xf32, #tpu.memory_space<hbm>> -> memref<10000x128xf32, #tpu.memory_space<hbm>>
      tpu.enqueue_indirect_dma source(%dma_start3A_118 : memref<10000x128xf32, #tpu.memory_space<hbm>>) target(%arg10 : memref<128x128xf32, #tpu.memory_space<vmem>>) offsets(%dma_start3A_115 : memref<128xi32, #tpu.memory_space<vmem>>) semaphore(%arg13 : memref<!tpu.dma_semaphore, #tpu.memory_space<semaphore_mem>>)
      "tpu.region"() ({
        %run_scoped3A = tpu.sem_alloc : memref<!tpu.dma_semaphore, #tpu.memory_space<semaphore_mem>>
        %dma_start3A_130 = arith.constant 0 : i32
        %dma_start3A_131 = tpu.memref_slice %arg8[%mul3A_105, %dma_start3A_130] : memref<64x128xi32, #tpu.memory_space<vmem>> -> memref<1x128xi32, #tpu.memory_space<vmem>>
        %dma_start3A_132 = tpu.memref_squeeze %dma_start3A_131 : memref<1x128xi32, #tpu.memory_space<vmem>> -> memref<128xi32, #tpu.memory_space<vmem>>
        %dma_start3A_133 = arith.constant 0 : i32
        %dma_start3A_134 = arith.constant 0 : i32
        %dma_start3A_135 = tpu.memref_slice %arg11[%dma_start3A_133, %dma_start3A_134] : memref<10112x128xf32, #tpu.memory_space<vmem_shared>> -> memref<10112x128xf32, #tpu.memory_space<vmem_shared>>
        tpu.enqueue_indirect_dma source(%arg9 : memref<128x128xf32, #tpu.memory_space<vmem>>) target(%dma_start3A_135 : memref<10112x128xf32, #tpu.memory_space<vmem_shared>>) offsets(%dma_start3A_132 : memref<128xi32, #tpu.memory_space<vmem>>) semaphore(%run_scoped3A : memref<!tpu.dma_semaphore, #tpu.memory_space<semaphore_mem>>) {add = true}
        %dma_wait3A_136 = arith.constant 0 : i32
        %dma_wait3A_137 = tpu.memref_slice %arg8[%mul3A_105, %dma_wait3A_136] : memref<64x128xi32, #tpu.memory_space<vmem>> -> memref<1x128xi32, #tpu.memory_space<vmem>>
        %dma_wait3A_138 = tpu.memref_squeeze %dma_wait3A_137 : memref<1x128xi32, #tpu.memory_space<vmem>> -> memref<128xi32, #tpu.memory_space<vmem>>
        %dma_wait3A_139 = arith.constant 0 : i32
        %dma_wait3A_140 = arith.constant 0 : i32
        %dma_wait3A_141 = tpu.memref_slice %arg11[%dma_wait3A_139, %dma_wait3A_140] : memref<10112x128xf32, #tpu.memory_space<vmem_shared>> -> memref<10112x128xf32, #tpu.memory_space<vmem_shared>>
        tpu.wait_indirect_dma semaphore(%run_scoped3A : memref<!tpu.dma_semaphore, #tpu.memory_space<semaphore_mem>>) src(%arg9 : memref<128x128xf32, #tpu.memory_space<vmem>>) dst(%dma_wait3A_141 : memref<10112x128xf32, #tpu.memory_space<vmem_shared>>)
        tpu.yield
      }) : () -> ()
      %dma_wait3A_119 = arith.constant 0 : i32
      %dma_wait3A_120 = arith.constant 0 : i32
      %dma_wait3A_121 = tpu.memref_slice %arg2[%dma_wait3A_119, %dma_wait3A_120] : memref<10000x128xf32, #tpu.memory_space<hbm>> -> memref<128x128xf32, #tpu.memory_space<hbm>>
      %dma_wait3A_122 = arith.constant 0 : i32
      %dma_wait3A_123 = arith.constant 0 : i32
      %dma_wait3A_124 = tpu.memref_slice %arg2[%dma_wait3A_122, %dma_wait3A_123] : memref<10000x128xf32, #tpu.memory_space<hbm>> -> memref<128x128xf32, #tpu.memory_space<hbm>>
      tpu.wait_dma2 semaphore(%arg13 : memref<!tpu.dma_semaphore, #tpu.memory_space<semaphore_mem>>) src(%dma_wait3A_124 : memref<128x128xf32, #tpu.memory_space<hbm>>) dst(%arg10 : memref<128x128xf32, #tpu.memory_space<vmem>>)
      %sub3A_125 = arith.constant 1 : i32
      %sub3A_126 = arith.subi %select_n3A_40, %sub3A_125 : i32
      %lt3A = arith.cmpi slt, %while3A_103, %sub3A_126 : i32
      %convert_element_type3A_127 = arith.extui %lt3A : i1 to i32
      %cond3A_128 = arith.constant 0 : i32
      %cond3A_129 = arith.cmpi ne, %convert_element_type3A_127, %cond3A_128 : i32
      scf.if %cond3A_129 {
        %add3A_130 = arith.constant 1 : i32
        %add3A_131 = arith.addi %add3A_107, %add3A_130 : i32
        %dma_start3A_132 = arith.constant 0 : i32
        %dma_start3A_133 = tpu.memref_slice %arg7[%add3A_131, %dma_start3A_132] : memref<64x128xi32, #tpu.memory_space<vmem>> -> memref<1x128xi32, #tpu.memory_space<vmem>>
        %dma_start3A_134 = tpu.memref_squeeze %dma_start3A_133 : memref<1x128xi32, #tpu.memory_space<vmem>> -> memref<128xi32, #tpu.memory_space<vmem>>
        %dma_start3A_135 = arith.constant 0 : i32
        %dma_start3A_136 = arith.constant 0 : i32
        %dma_start3A_137 = tpu.memref_slice %arg2[%dma_start3A_135, %dma_start3A_136] : memref<10000x128xf32, #tpu.memory_space<hbm>> -> memref<10000x128xf32, #tpu.memory_space<hbm>>
        tpu.enqueue_indirect_dma source(%dma_start3A_137 : memref<10000x128xf32, #tpu.memory_space<hbm>>) target(%arg9 : memref<128x128xf32, #tpu.memory_space<vmem>>) offsets(%dma_start3A_134 : memref<128xi32, #tpu.memory_space<vmem>>) semaphore(%arg12 : memref<!tpu.dma_semaphore, #tpu.memory_space<semaphore_mem>>)
      } else {
      }
      "tpu.region"() ({
        %run_scoped3A = tpu.sem_alloc : memref<!tpu.dma_semaphore, #tpu.memory_space<semaphore_mem>>
        %dma_start3A_130 = arith.constant 0 : i32
        %dma_start3A_131 = tpu.memref_slice %arg8[%add3A_107, %dma_start3A_130] : memref<64x128xi32, #tpu.memory_space<vmem>> -> memref<1x128xi32, #tpu.memory_space<vmem>>
        %dma_start3A_132 = tpu.memref_squeeze %dma_start3A_131 : memref<1x128xi32, #tpu.memory_space<vmem>> -> memref<128xi32, #tpu.memory_space<vmem>>
        %dma_start3A_133 = arith.constant 0 : i32
        %dma_start3A_134 = arith.constant 0 : i32
        %dma_start3A_135 = tpu.memref_slice %arg11[%dma_start3A_133, %dma_start3A_134] : memref<10112x128xf32, #tpu.memory_space<vmem_shared>> -> memref<10112x128xf32, #tpu.memory_space<vmem_shared>>
        tpu.enqueue_indirect_dma source(%arg10 : memref<128x128xf32, #tpu.memory_space<vmem>>) target(%dma_start3A_135 : memref<10112x128xf32, #tpu.memory_space<vmem_shared>>) offsets(%dma_start3A_132 : memref<128xi32, #tpu.memory_space<vmem>>) semaphore(%run_scoped3A : memref<!tpu.dma_semaphore, #tpu.memory_space<semaphore_mem>>) {add = true}
        %dma_wait3A_136 = arith.constant 0 : i32
        %dma_wait3A_137 = tpu.memref_slice %arg8[%add3A_107, %dma_wait3A_136] : memref<64x128xi32, #tpu.memory_space<vmem>> -> memref<1x128xi32, #tpu.memory_space<vmem>>
        %dma_wait3A_138 = tpu.memref_squeeze %dma_wait3A_137 : memref<1x128xi32, #tpu.memory_space<vmem>> -> memref<128xi32, #tpu.memory_space<vmem>>
        %dma_wait3A_139 = arith.constant 0 : i32
        %dma_wait3A_140 = arith.constant 0 : i32
        %dma_wait3A_141 = tpu.memref_slice %arg11[%dma_wait3A_139, %dma_wait3A_140] : memref<10112x128xf32, #tpu.memory_space<vmem_shared>> -> memref<10112x128xf32, #tpu.memory_space<vmem_shared>>
        tpu.wait_indirect_dma semaphore(%run_scoped3A : memref<!tpu.dma_semaphore, #tpu.memory_space<semaphore_mem>>) src(%arg10 : memref<128x128xf32, #tpu.memory_space<vmem>>) dst(%dma_wait3A_141 : memref<10112x128xf32, #tpu.memory_space<vmem_shared>>)
        tpu.yield
      }) : () -> ()
    }
    %mul3A_50 = arith.constant 1 : i32
    %mul3A_51 = arith.muli %mul3A_50, %select_n3A_8 : i32
    %add3A_52 = arith.addi %select_n3A, %mul3A_51 : i32
    %convert_element_type3A_53 = arith.extui %eq3A_1 : i1 to i32
    %cond3A_54 = arith.constant 0 : i32
    %cond3A_55 = arith.cmpi ne, %convert_element_type3A_53, %cond3A_54 : i32
    scf.if %cond3A_55 {
      "tpu.region"() ({
        %run_scoped3A = tpu.sem_alloc : memref<!tpu.dma_semaphore, #tpu.memory_space<semaphore_mem>>
        %dma_start3A_103 = arith.constant 0 : i32
        %dma_start3A_104 = arith.constant 0 : i32
        %dma_start3A_105 = tpu.memref_slice %arg7[%dma_start3A_103, %dma_start3A_104] : memref<64x128xi32, #tpu.memory_space<vmem>> -> memref<64x128xi32, #tpu.memory_space<vmem>>
        %dma_start3A_106 = arith.constant 0 : i32
        %dma_start3A_107 = tpu.memref_slice %arg4[%add3A_52, %dma_start3A_106] : memref<2560x128xi32, #tpu.memory_space<hbm>> -> memref<64x128xi32, #tpu.memory_space<hbm>>
        %dma_start3A_108 = arith.constant 0 : i32
        %dma_start3A_109 = arith.constant 0 : i32
        %dma_start3A_110 = tpu.memref_slice %arg7[%dma_start3A_108, %dma_start3A_109] : memref<64x128xi32, #tpu.memory_space<vmem>> -> memref<64x128xi32, #tpu.memory_space<vmem>>
        %dma_start3A_111 = arith.constant 0 : i32
        %dma_start3A_112 = tpu.memref_slice %arg4[%add3A_52, %dma_start3A_111] : memref<2560x128xi32, #tpu.memory_space<hbm>> -> memref<64x128xi32, #tpu.memory_space<hbm>>
        tpu.enqueue_dma source(%dma_start3A_112 : memref<64x128xi32, #tpu.memory_space<hbm>>) target(%dma_start3A_110 : memref<64x128xi32, #tpu.memory_space<vmem>>) target_semaphore(%run_scoped3A : memref<!tpu.dma_semaphore, #tpu.memory_space<semaphore_mem>>)
        %dma_wait3A = arith.constant 0 : i32
        %dma_wait3A_113 = arith.constant 0 : i32
        %dma_wait3A_114 = tpu.memref_slice %arg7[%dma_wait3A, %dma_wait3A_113] : memref<64x128xi32, #tpu.memory_space<vmem>> -> memref<64x128xi32, #tpu.memory_space<vmem>>
        %dma_wait3A_115 = arith.constant 0 : i32
        %dma_wait3A_116 = tpu.memref_slice %arg4[%add3A_52, %dma_wait3A_115] : memref<2560x128xi32, #tpu.memory_space<hbm>> -> memref<64x128xi32, #tpu.memory_space<hbm>>
        %dma_wait3A_117 = arith.constant 0 : i32
        %dma_wait3A_118 = arith.constant 0 : i32
        %dma_wait3A_119 = tpu.memref_slice %arg7[%dma_wait3A_117, %dma_wait3A_118] : memref<64x128xi32, #tpu.memory_space<vmem>> -> memref<64x128xi32, #tpu.memory_space<vmem>>
        %dma_wait3A_120 = arith.constant 0 : i32
        %dma_wait3A_121 = tpu.memref_slice %arg4[%add3A_52, %dma_wait3A_120] : memref<2560x128xi32, #tpu.memory_space<hbm>> -> memref<64x128xi32, #tpu.memory_space<hbm>>
        tpu.wait_dma2 semaphore(%run_scoped3A : memref<!tpu.dma_semaphore, #tpu.memory_space<semaphore_mem>>) src(%dma_wait3A_121 : memref<64x128xi32, #tpu.memory_space<hbm>>) dst(%dma_wait3A_119 : memref<64x128xi32, #tpu.memory_space<vmem>>)
        tpu.yield
      }) : () -> ()
      "tpu.region"() ({
        %run_scoped3A = tpu.sem_alloc : memref<!tpu.dma_semaphore, #tpu.memory_space<semaphore_mem>>
        %dma_start3A_103 = arith.constant 0 : i32
        %dma_start3A_104 = arith.constant 0 : i32
        %dma_start3A_105 = tpu.memref_slice %arg8[%dma_start3A_103, %dma_start3A_104] : memref<64x128xi32, #tpu.memory_space<vmem>> -> memref<64x128xi32, #tpu.memory_space<vmem>>
        %dma_start3A_106 = arith.constant 0 : i32
        %dma_start3A_107 = tpu.memref_slice %arg5[%add3A_52, %dma_start3A_106] : memref<2560x128xi32, #tpu.memory_space<hbm>> -> memref<64x128xi32, #tpu.memory_space<hbm>>
        %dma_start3A_108 = arith.constant 0 : i32
        %dma_start3A_109 = arith.constant 0 : i32
        %dma_start3A_110 = tpu.memref_slice %arg8[%dma_start3A_108, %dma_start3A_109] : memref<64x128xi32, #tpu.memory_space<vmem>> -> memref<64x128xi32, #tpu.memory_space<vmem>>
        %dma_start3A_111 = arith.constant 0 : i32
        %dma_start3A_112 = tpu.memref_slice %arg5[%add3A_52, %dma_start3A_111] : memref<2560x128xi32, #tpu.memory_space<hbm>> -> memref<64x128xi32, #tpu.memory_space<hbm>>
        tpu.enqueue_dma source(%dma_start3A_112 : memref<64x128xi32, #tpu.memory_space<hbm>>) target(%dma_start3A_110 : memref<64x128xi32, #tpu.memory_space<vmem>>) target_semaphore(%run_scoped3A : memref<!tpu.dma_semaphore, #tpu.memory_space<semaphore_mem>>)
        %dma_wait3A = arith.constant 0 : i32
        %dma_wait3A_113 = arith.constant 0 : i32
        %dma_wait3A_114 = tpu.memref_slice %arg8[%dma_wait3A, %dma_wait3A_113] : memref<64x128xi32, #tpu.memory_space<vmem>> -> memref<64x128xi32, #tpu.memory_space<vmem>>
        %dma_wait3A_115 = arith.constant 0 : i32
        %dma_wait3A_116 = tpu.memref_slice %arg5[%add3A_52, %dma_wait3A_115] : memref<2560x128xi32, #tpu.memory_space<hbm>> -> memref<64x128xi32, #tpu.memory_space<hbm>>
        %dma_wait3A_117 = arith.constant 0 : i32
        %dma_wait3A_118 = arith.constant 0 : i32
        %dma_wait3A_119 = tpu.memref_slice %arg8[%dma_wait3A_117, %dma_wait3A_118] : memref<64x128xi32, #tpu.memory_space<vmem>> -> memref<64x128xi32, #tpu.memory_space<vmem>>
        %dma_wait3A_120 = arith.constant 0 : i32
        %dma_wait3A_121 = tpu.memref_slice %arg5[%add3A_52, %dma_wait3A_120] : memref<2560x128xi32, #tpu.memory_space<hbm>> -> memref<64x128xi32, #tpu.memory_space<hbm>>
        tpu.wait_dma2 semaphore(%run_scoped3A : memref<!tpu.dma_semaphore, #tpu.memory_space<semaphore_mem>>) src(%dma_wait3A_121 : memref<64x128xi32, #tpu.memory_space<hbm>>) dst(%dma_wait3A_119 : memref<64x128xi32, #tpu.memory_space<vmem>>)
        tpu.yield
      }) : () -> ()
    } else {
    }
    %not3A_56 = arith.constant true
    %not3A_57 = arith.xori %eq3A_1, %not3A_56 : i1
    %convert_element_type3A_58 = arith.extui %not3A_57 : i1 to i32
    %cond3A_59 = arith.constant 0 : i32
    %cond3A_60 = arith.cmpi ne, %convert_element_type3A_58, %cond3A_59 : i32
    scf.if %cond3A_60 {
      "tpu.region"() ({
        %run_scoped3A = tpu.sem_alloc : memref<!tpu.dma_semaphore, #tpu.memory_space<semaphore_mem>>
        %dma_start3A_103 = arith.constant 0 : i32
        %dma_start3A_104 = arith.constant 0 : i32
        %dma_start3A_105 = tpu.memref_slice %arg7[%dma_start3A_103, %dma_start3A_104] : memref<64x128xi32, #tpu.memory_space<vmem>> -> memref<16x128xi32, #tpu.memory_space<vmem>>
        %dma_start3A_106 = arith.constant 0 : i32
        %dma_start3A_107 = tpu.memref_slice %arg4[%add3A_52, %dma_start3A_106] : memref<2560x128xi32, #tpu.memory_space<hbm>> -> memref<16x128xi32, #tpu.memory_space<hbm>>
        %dma_start3A_108 = arith.constant 0 : i32
        %dma_start3A_109 = arith.constant 0 : i32
        %dma_start3A_110 = tpu.memref_slice %arg7[%dma_start3A_108, %dma_start3A_109] : memref<64x128xi32, #tpu.memory_space<vmem>> -> memref<16x128xi32, #tpu.memory_space<vmem>>
        %dma_start3A_111 = arith.constant 0 : i32
        %dma_start3A_112 = tpu.memref_slice %arg4[%add3A_52, %dma_start3A_111] : memref<2560x128xi32, #tpu.memory_space<hbm>> -> memref<16x128xi32, #tpu.memory_space<hbm>>
        tpu.enqueue_dma source(%dma_start3A_112 : memref<16x128xi32, #tpu.memory_space<hbm>>) target(%dma_start3A_110 : memref<16x128xi32, #tpu.memory_space<vmem>>) target_semaphore(%run_scoped3A : memref<!tpu.dma_semaphore, #tpu.memory_space<semaphore_mem>>)
        %dma_wait3A = arith.constant 0 : i32
        %dma_wait3A_113 = arith.constant 0 : i32
        %dma_wait3A_114 = tpu.memref_slice %arg7[%dma_wait3A, %dma_wait3A_113] : memref<64x128xi32, #tpu.memory_space<vmem>> -> memref<16x128xi32, #tpu.memory_space<vmem>>
        %dma_wait3A_115 = arith.constant 0 : i32
        %dma_wait3A_116 = tpu.memref_slice %arg4[%add3A_52, %dma_wait3A_115] : memref<2560x128xi32, #tpu.memory_space<hbm>> -> memref<16x128xi32, #tpu.memory_space<hbm>>
        %dma_wait3A_117 = arith.constant 0 : i32
        %dma_wait3A_118 = arith.constant 0 : i32
        %dma_wait3A_119 = tpu.memref_slice %arg7[%dma_wait3A_117, %dma_wait3A_118] : memref<64x128xi32, #tpu.memory_space<vmem>> -> memref<16x128xi32, #tpu.memory_space<vmem>>
        %dma_wait3A_120 = arith.constant 0 : i32
        %dma_wait3A_121 = tpu.memref_slice %arg4[%add3A_52, %dma_wait3A_120] : memref<2560x128xi32, #tpu.memory_space<hbm>> -> memref<16x128xi32, #tpu.memory_space<hbm>>
        tpu.wait_dma2 semaphore(%run_scoped3A : memref<!tpu.dma_semaphore, #tpu.memory_space<semaphore_mem>>) src(%dma_wait3A_121 : memref<16x128xi32, #tpu.memory_space<hbm>>) dst(%dma_wait3A_119 : memref<16x128xi32, #tpu.memory_space<vmem>>)
        tpu.yield
      }) : () -> ()
      "tpu.region"() ({
        %run_scoped3A = tpu.sem_alloc : memref<!tpu.dma_semaphore, #tpu.memory_space<semaphore_mem>>
        %dma_start3A_103 = arith.constant 0 : i32
        %dma_start3A_104 = arith.constant 0 : i32
        %dma_start3A_105 = tpu.memref_slice %arg8[%dma_start3A_103, %dma_start3A_104] : memref<64x128xi32, #tpu.memory_space<vmem>> -> memref<16x128xi32, #tpu.memory_space<vmem>>
        %dma_start3A_106 = arith.constant 0 : i32
        %dma_start3A_107 = tpu.memref_slice %arg5[%add3A_52, %dma_start3A_106] : memref<2560x128xi32, #tpu.memory_space<hbm>> -> memref<16x128xi32, #tpu.memory_space<hbm>>
        %dma_start3A_108 = arith.constant 0 : i32
        %dma_start3A_109 = arith.constant 0 : i32
        %dma_start3A_110 = tpu.memref_slice %arg8[%dma_start3A_108, %dma_start3A_109] : memref<64x128xi32, #tpu.memory_space<vmem>> -> memref<16x128xi32, #tpu.memory_space<vmem>>
        %dma_start3A_111 = arith.constant 0 : i32
        %dma_start3A_112 = tpu.memref_slice %arg5[%add3A_52, %dma_start3A_111] : memref<2560x128xi32, #tpu.memory_space<hbm>> -> memref<16x128xi32, #tpu.memory_space<hbm>>
        tpu.enqueue_dma source(%dma_start3A_112 : memref<16x128xi32, #tpu.memory_space<hbm>>) target(%dma_start3A_110 : memref<16x128xi32, #tpu.memory_space<vmem>>) target_semaphore(%run_scoped3A : memref<!tpu.dma_semaphore, #tpu.memory_space<semaphore_mem>>)
        %dma_wait3A = arith.constant 0 : i32
        %dma_wait3A_113 = arith.constant 0 : i32
        %dma_wait3A_114 = tpu.memref_slice %arg8[%dma_wait3A, %dma_wait3A_113] : memref<64x128xi32, #tpu.memory_space<vmem>> -> memref<16x128xi32, #tpu.memory_space<vmem>>
        %dma_wait3A_115 = arith.constant 0 : i32
        %dma_wait3A_116 = tpu.memref_slice %arg5[%add3A_52, %dma_wait3A_115] : memref<2560x128xi32, #tpu.memory_space<hbm>> -> memref<16x128xi32, #tpu.memory_space<hbm>>
        %dma_wait3A_117 = arith.constant 0 : i32
        %dma_wait3A_118 = arith.constant 0 : i32
        %dma_wait3A_119 = tpu.memref_slice %arg8[%dma_wait3A_117, %dma_wait3A_118] : memref<64x128xi32, #tpu.memory_space<vmem>> -> memref<16x128xi32, #tpu.memory_space<vmem>>
        %dma_wait3A_120 = arith.constant 0 : i32
        %dma_wait3A_121 = tpu.memref_slice %arg5[%add3A_52, %dma_wait3A_120] : memref<2560x128xi32, #tpu.memory_space<hbm>> -> memref<16x128xi32, #tpu.memory_space<hbm>>
        tpu.wait_dma2 semaphore(%run_scoped3A : memref<!tpu.dma_semaphore, #tpu.memory_space<semaphore_mem>>) src(%dma_wait3A_121 : memref<16x128xi32, #tpu.memory_space<hbm>>) dst(%dma_wait3A_119 : memref<16x128xi32, #tpu.memory_space<vmem>>)
        tpu.yield
      }) : () -> ()
    } else {
    }
    %dma_start3A_61 = arith.constant 0 : i32
    %dma_start3A_62 = arith.constant 0 : i32
    %dma_start3A_63 = tpu.memref_slice %arg7[%dma_start3A_61, %dma_start3A_62] : memref<64x128xi32, #tpu.memory_space<vmem>> -> memref<1x128xi32, #tpu.memory_space<vmem>>
    %dma_start3A_64 = tpu.memref_squeeze %dma_start3A_63 : memref<1x128xi32, #tpu.memory_space<vmem>> -> memref<128xi32, #tpu.memory_space<vmem>>
    %dma_start3A_65 = arith.constant 0 : i32
    %dma_start3A_66 = arith.constant 0 : i32
    %dma_start3A_67 = tpu.memref_slice %arg2[%dma_start3A_65, %dma_start3A_66] : memref<10000x128xf32, #tpu.memory_space<hbm>> -> memref<10000x128xf32, #tpu.memory_space<hbm>>
    tpu.enqueue_indirect_dma source(%dma_start3A_67 : memref<10000x128xf32, #tpu.memory_space<hbm>>) target(%arg9 : memref<128x128xf32, #tpu.memory_space<vmem>>) offsets(%dma_start3A_64 : memref<128xi32, #tpu.memory_space<vmem>>) semaphore(%arg12 : memref<!tpu.dma_semaphore, #tpu.memory_space<semaphore_mem>>)
    %jit3A_68 = arith.constant 2 : i32
    %div3A_69 = arith.divsi %select_n3A_8, %jit3A_68 : i32
    %sign3A_70 = arith.constant 0 : i32
    %sign3A_71 = arith.cmpi sgt, %select_n3A_8, %sign3A_70 : i32
    %sign3A_72 = arith.extui %sign3A_71 : i1 to i32
    %sign3A_73 = arith.constant 0 : i32
    %sign3A_74 = arith.cmpi slt, %select_n3A_8, %sign3A_73 : i32
    %sign3A_75 = arith.extui %sign3A_74 : i1 to i32
    %sign3A_76 = arith.subi %sign3A_72, %sign3A_75 : i32
    %sign3A_77 = arith.constant 0 : i32
    %sign3A_78 = arith.cmpi sgt, %jit3A_68, %sign3A_77 : i32
    %sign3A_79 = arith.extui %sign3A_78 : i1 to i32
    %sign3A_80 = arith.constant 0 : i32
    %sign3A_81 = arith.cmpi slt, %jit3A_68, %sign3A_80 : i32
    %sign3A_82 = arith.extui %sign3A_81 : i1 to i32
    %sign3A_83 = arith.subi %sign3A_79, %sign3A_82 : i32
    %ne3A_84 = arith.cmpi ne, %sign3A_76, %sign3A_83 : i32
    %rem3A_85 = arith.remsi %select_n3A_8, %jit3A_68 : i32
    %ne3A_86 = arith.constant 0 : i32
    %ne3A_87 = arith.cmpi ne, %rem3A_85, %ne3A_86 : i32
    %and3A_88 = arith.andi %ne3A_84, %ne3A_87 : i1
    %sub3A_89 = arith.constant 1 : i32
    %sub3A_90 = arith.subi %div3A_69, %sub3A_89 : i32
    %select_n3A_91 = arith.select %and3A_88, %sub3A_90, %div3A_69 : i32
    %while3A_92 = arith.constant 0 : i32
    %while3A_93 = arith.constant 0 : i32
    %while3A_94 = arith.subi %select_n3A_91, %while3A_93 : i32
    %while3A_95 = arith.addi %while3A_93, %while3A_94 : i32
    %while3A_96 = arith.constant 1 : i32
    %while3A_97 = arith.divsi %while3A_94, %while3A_96 : i32
    %while3A_98 = arith.muli %while3A_97, %while3A_96 : i32
    %while3A_99 = arith.addi %while3A_93, %while3A_98 : i32
    %while3A_100 = arith.constant 1 : i32
    scf.for %while3A_103 = %while3A_93 to %while3A_99 step %while3A_100  : i32 {
      %mul3A_104 = arith.constant 2 : i32
      %mul3A_105 = arith.muli %mul3A_104, %while3A_103 : i32
      %add3A_106 = arith.constant 1 : i32
      %add3A_107 = arith.addi %mul3A_105, %add3A_106 : i32
      %dma_wait3A = arith.constant 0 : i32
      %dma_wait3A_108 = arith.constant 0 : i32
      %dma_wait3A_109 = tpu.memref_slice %arg2[%dma_wait3A, %dma_wait3A_108] : memref<10000x128xf32, #tpu.memory_space<hbm>> -> memref<128x128xf32, #tpu.memory_space<hbm>>
      %dma_wait3A_110 = arith.constant 0 : i32
      %dma_wait3A_111 = arith.constant 0 : i32
      %dma_wait3A_112 = tpu.memref_slice %arg2[%dma_wait3A_110, %dma_wait3A_111] : memref<10000x128xf32, #tpu.memory_space<hbm>> -> memref<128x128xf32, #tpu.memory_space<hbm>>
      tpu.wait_dma2 semaphore(%arg12 : memref<!tpu.dma_semaphore, #tpu.memory_space<semaphore_mem>>) src(%dma_wait3A_112 : memref<128x128xf32, #tpu.memory_space<hbm>>) dst(%arg9 : memref<128x128xf32, #tpu.memory_space<vmem>>)
      %dma_start3A_113 = arith.constant 0 : i32
      %dma_start3A_114 = tpu.memref_slice %arg7[%add3A_107, %dma_start3A_113] : memref<64x128xi32, #tpu.memory_space<vmem>> -> memref<1x128xi32, #tpu.memory_space<vmem>>
      %dma_start3A_115 = tpu.memref_squeeze %dma_start3A_114 : memref<1x128xi32, #tpu.memory_space<vmem>> -> memref<128xi32, #tpu.memory_space<vmem>>
      %dma_start3A_116 = arith.constant 0 : i32
      %dma_start3A_117 = arith.constant 0 : i32
      %dma_start3A_118 = tpu.memref_slice %arg2[%dma_start3A_116, %dma_start3A_117] : memref<10000x128xf32, #tpu.memory_space<hbm>> -> memref<10000x128xf32, #tpu.memory_space<hbm>>
      tpu.enqueue_indirect_dma source(%dma_start3A_118 : memref<10000x128xf32, #tpu.memory_space<hbm>>) target(%arg10 : memref<128x128xf32, #tpu.memory_space<vmem>>) offsets(%dma_start3A_115 : memref<128xi32, #tpu.memory_space<vmem>>) semaphore(%arg13 : memref<!tpu.dma_semaphore, #tpu.memory_space<semaphore_mem>>)
      "tpu.region"() ({
        %run_scoped3A = tpu.sem_alloc : memref<!tpu.dma_semaphore, #tpu.memory_space<semaphore_mem>>
        %dma_start3A_130 = arith.constant 0 : i32
        %dma_start3A_131 = tpu.memref_slice %arg8[%mul3A_105, %dma_start3A_130] : memref<64x128xi32, #tpu.memory_space<vmem>> -> memref<1x128xi32, #tpu.memory_space<vmem>>
        %dma_start3A_132 = tpu.memref_squeeze %dma_start3A_131 : memref<1x128xi32, #tpu.memory_space<vmem>> -> memref<128xi32, #tpu.memory_space<vmem>>
        %dma_start3A_133 = arith.constant 0 : i32
        %dma_start3A_134 = arith.constant 0 : i32
        %dma_start3A_135 = tpu.memref_slice %arg11[%dma_start3A_133, %dma_start3A_134] : memref<10112x128xf32, #tpu.memory_space<vmem_shared>> -> memref<10112x128xf32, #tpu.memory_space<vmem_shared>>
        tpu.enqueue_indirect_dma source(%arg9 : memref<128x128xf32, #tpu.memory_space<vmem>>) target(%dma_start3A_135 : memref<10112x128xf32, #tpu.memory_space<vmem_shared>>) offsets(%dma_start3A_132 : memref<128xi32, #tpu.memory_space<vmem>>) semaphore(%run_scoped3A : memref<!tpu.dma_semaphore, #tpu.memory_space<semaphore_mem>>) {add = true}
        %dma_wait3A_136 = arith.constant 0 : i32
        %dma_wait3A_137 = tpu.memref_slice %arg8[%mul3A_105, %dma_wait3A_136] : memref<64x128xi32, #tpu.memory_space<vmem>> -> memref<1x128xi32, #tpu.memory_space<vmem>>
        %dma_wait3A_138 = tpu.memref_squeeze %dma_wait3A_137 : memref<1x128xi32, #tpu.memory_space<vmem>> -> memref<128xi32, #tpu.memory_space<vmem>>
        %dma_wait3A_139 = arith.constant 0 : i32
        %dma_wait3A_140 = arith.constant 0 : i32
        %dma_wait3A_141 = tpu.memref_slice %arg11[%dma_wait3A_139, %dma_wait3A_140] : memref<10112x128xf32, #tpu.memory_space<vmem_shared>> -> memref<10112x128xf32, #tpu.memory_space<vmem_shared>>
        tpu.wait_indirect_dma semaphore(%run_scoped3A : memref<!tpu.dma_semaphore, #tpu.memory_space<semaphore_mem>>) src(%arg9 : memref<128x128xf32, #tpu.memory_space<vmem>>) dst(%dma_wait3A_141 : memref<10112x128xf32, #tpu.memory_space<vmem_shared>>)
        tpu.yield
      }) : () -> ()
      %dma_wait3A_119 = arith.constant 0 : i32
      %dma_wait3A_120 = arith.constant 0 : i32
      %dma_wait3A_121 = tpu.memref_slice %arg2[%dma_wait3A_119, %dma_wait3A_120] : memref<10000x128xf32, #tpu.memory_space<hbm>> -> memref<128x128xf32, #tpu.memory_space<hbm>>
      %dma_wait3A_122 = arith.constant 0 : i32
      %dma_wait3A_123 = arith.constant 0 : i32
      %dma_wait3A_124 = tpu.memref_slice %arg2[%dma_wait3A_122, %dma_wait3A_123] : memref<10000x128xf32, #tpu.memory_space<hbm>> -> memref<128x128xf32, #tpu.memory_space<hbm>>
      tpu.wait_dma2 semaphore(%arg13 : memref<!tpu.dma_semaphore, #tpu.memory_space<semaphore_mem>>) src(%dma_wait3A_124 : memref<128x128xf32, #tpu.memory_space<hbm>>) dst(%arg10 : memref<128x128xf32, #tpu.memory_space<vmem>>)
      %sub3A_125 = arith.constant 1 : i32
      %sub3A_126 = arith.subi %select_n3A_91, %sub3A_125 : i32
      %lt3A = arith.cmpi slt, %while3A_103, %sub3A_126 : i32
      %convert_element_type3A_127 = arith.extui %lt3A : i1 to i32
      %cond3A_128 = arith.constant 0 : i32
      %cond3A_129 = arith.cmpi ne, %convert_element_type3A_127, %cond3A_128 : i32
      scf.if %cond3A_129 {
        %add3A_130 = arith.constant 1 : i32
        %add3A_131 = arith.addi %add3A_107, %add3A_130 : i32
        %dma_start3A_132 = arith.constant 0 : i32
        %dma_start3A_133 = tpu.memref_slice %arg7[%add3A_131, %dma_start3A_132] : memref<64x128xi32, #tpu.memory_space<vmem>> -> memref<1x128xi32, #tpu.memory_space<vmem>>
        %dma_start3A_134 = tpu.memref_squeeze %dma_start3A_133 : memref<1x128xi32, #tpu.memory_space<vmem>> -> memref<128xi32, #tpu.memory_space<vmem>>
        %dma_start3A_135 = arith.constant 0 : i32
        %dma_start3A_136 = arith.constant 0 : i32
        %dma_start3A_137 = tpu.memref_slice %arg2[%dma_start3A_135, %dma_start3A_136] : memref<10000x128xf32, #tpu.memory_space<hbm>> -> memref<10000x128xf32, #tpu.memory_space<hbm>>
        tpu.enqueue_indirect_dma source(%dma_start3A_137 : memref<10000x128xf32, #tpu.memory_space<hbm>>) target(%arg9 : memref<128x128xf32, #tpu.memory_space<vmem>>) offsets(%dma_start3A_134 : memref<128xi32, #tpu.memory_space<vmem>>) semaphore(%arg12 : memref<!tpu.dma_semaphore, #tpu.memory_space<semaphore_mem>>)
      } else {
      }
      "tpu.region"() ({
        %run_scoped3A = tpu.sem_alloc : memref<!tpu.dma_semaphore, #tpu.memory_space<semaphore_mem>>
        %dma_start3A_130 = arith.constant 0 : i32
        %dma_start3A_131 = tpu.memref_slice %arg8[%add3A_107, %dma_start3A_130] : memref<64x128xi32, #tpu.memory_space<vmem>> -> memref<1x128xi32, #tpu.memory_space<vmem>>
        %dma_start3A_132 = tpu.memref_squeeze %dma_start3A_131 : memref<1x128xi32, #tpu.memory_space<vmem>> -> memref<128xi32, #tpu.memory_space<vmem>>
        %dma_start3A_133 = arith.constant 0 : i32
        %dma_start3A_134 = arith.constant 0 : i32
        %dma_start3A_135 = tpu.memref_slice %arg11[%dma_start3A_133, %dma_start3A_134] : memref<10112x128xf32, #tpu.memory_space<vmem_shared>> -> memref<10112x128xf32, #tpu.memory_space<vmem_shared>>
        tpu.enqueue_indirect_dma source(%arg10 : memref<128x128xf32, #tpu.memory_space<vmem>>) target(%dma_start3A_135 : memref<10112x128xf32, #tpu.memory_space<vmem_shared>>) offsets(%dma_start3A_132 : memref<128xi32, #tpu.memory_space<vmem>>) semaphore(%run_scoped3A : memref<!tpu.dma_semaphore, #tpu.memory_space<semaphore_mem>>) {add = true}
        %dma_wait3A_136 = arith.constant 0 : i32
        %dma_wait3A_137 = tpu.memref_slice %arg8[%add3A_107, %dma_wait3A_136] : memref<64x128xi32, #tpu.memory_space<vmem>> -> memref<1x128xi32, #tpu.memory_space<vmem>>
        %dma_wait3A_138 = tpu.memref_squeeze %dma_wait3A_137 : memref<1x128xi32, #tpu.memory_space<vmem>> -> memref<128xi32, #tpu.memory_space<vmem>>
        %dma_wait3A_139 = arith.constant 0 : i32
        %dma_wait3A_140 = arith.constant 0 : i32
        %dma_wait3A_141 = tpu.memref_slice %arg11[%dma_wait3A_139, %dma_wait3A_140] : memref<10112x128xf32, #tpu.memory_space<vmem_shared>> -> memref<10112x128xf32, #tpu.memory_space<vmem_shared>>
        tpu.wait_indirect_dma semaphore(%run_scoped3A : memref<!tpu.dma_semaphore, #tpu.memory_space<semaphore_mem>>) src(%arg10 : memref<128x128xf32, #tpu.memory_space<vmem>>) dst(%dma_wait3A_141 : memref<10112x128xf32, #tpu.memory_space<vmem_shared>>)
        tpu.yield
      }) : () -> ()
    }
    %while3A_101 = arith.constant 1 : i32
    scf.for %while3A_103 = %while3A_99 to %while3A_95 step %while3A_101  : i32 {
      %mul3A_104 = arith.constant 2 : i32
      %mul3A_105 = arith.muli %mul3A_104, %while3A_103 : i32
      %add3A_106 = arith.constant 1 : i32
      %add3A_107 = arith.addi %mul3A_105, %add3A_106 : i32
      %dma_wait3A = arith.constant 0 : i32
      %dma_wait3A_108 = arith.constant 0 : i32
      %dma_wait3A_109 = tpu.memref_slice %arg2[%dma_wait3A, %dma_wait3A_108] : memref<10000x128xf32, #tpu.memory_space<hbm>> -> memref<128x128xf32, #tpu.memory_space<hbm>>
      %dma_wait3A_110 = arith.constant 0 : i32
      %dma_wait3A_111 = arith.constant 0 : i32
      %dma_wait3A_112 = tpu.memref_slice %arg2[%dma_wait3A_110, %dma_wait3A_111] : memref<10000x128xf32, #tpu.memory_space<hbm>> -> memref<128x128xf32, #tpu.memory_space<hbm>>
      tpu.wait_dma2 semaphore(%arg12 : memref<!tpu.dma_semaphore, #tpu.memory_space<semaphore_mem>>) src(%dma_wait3A_112 : memref<128x128xf32, #tpu.memory_space<hbm>>) dst(%arg9 : memref<128x128xf32, #tpu.memory_space<vmem>>)
      %dma_start3A_113 = arith.constant 0 : i32
      %dma_start3A_114 = tpu.memref_slice %arg7[%add3A_107, %dma_start3A_113] : memref<64x128xi32, #tpu.memory_space<vmem>> -> memref<1x128xi32, #tpu.memory_space<vmem>>
      %dma_start3A_115 = tpu.memref_squeeze %dma_start3A_114 : memref<1x128xi32, #tpu.memory_space<vmem>> -> memref<128xi32, #tpu.memory_space<vmem>>
      %dma_start3A_116 = arith.constant 0 : i32
      %dma_start3A_117 = arith.constant 0 : i32
      %dma_start3A_118 = tpu.memref_slice %arg2[%dma_start3A_116, %dma_start3A_117] : memref<10000x128xf32, #tpu.memory_space<hbm>> -> memref<10000x128xf32, #tpu.memory_space<hbm>>
      tpu.enqueue_indirect_dma source(%dma_start3A_118 : memref<10000x128xf32, #tpu.memory_space<hbm>>) target(%arg10 : memref<128x128xf32, #tpu.memory_space<vmem>>) offsets(%dma_start3A_115 : memref<128xi32, #tpu.memory_space<vmem>>) semaphore(%arg13 : memref<!tpu.dma_semaphore, #tpu.memory_space<semaphore_mem>>)
      "tpu.region"() ({
        %run_scoped3A = tpu.sem_alloc : memref<!tpu.dma_semaphore, #tpu.memory_space<semaphore_mem>>
        %dma_start3A_130 = arith.constant 0 : i32
        %dma_start3A_131 = tpu.memref_slice %arg8[%mul3A_105, %dma_start3A_130] : memref<64x128xi32, #tpu.memory_space<vmem>> -> memref<1x128xi32, #tpu.memory_space<vmem>>
        %dma_start3A_132 = tpu.memref_squeeze %dma_start3A_131 : memref<1x128xi32, #tpu.memory_space<vmem>> -> memref<128xi32, #tpu.memory_space<vmem>>
        %dma_start3A_133 = arith.constant 0 : i32
        %dma_start3A_134 = arith.constant 0 : i32
        %dma_start3A_135 = tpu.memref_slice %arg11[%dma_start3A_133, %dma_start3A_134] : memref<10112x128xf32, #tpu.memory_space<vmem_shared>> -> memref<10112x128xf32, #tpu.memory_space<vmem_shared>>
        tpu.enqueue_indirect_dma source(%arg9 : memref<128x128xf32, #tpu.memory_space<vmem>>) target(%dma_start3A_135 : memref<10112x128xf32, #tpu.memory_space<vmem_shared>>) offsets(%dma_start3A_132 : memref<128xi32, #tpu.memory_space<vmem>>) semaphore(%run_scoped3A : memref<!tpu.dma_semaphore, #tpu.memory_space<semaphore_mem>>) {add = true}
        %dma_wait3A_136 = arith.constant 0 : i32
        %dma_wait3A_137 = tpu.memref_slice %arg8[%mul3A_105, %dma_wait3A_136] : memref<64x128xi32, #tpu.memory_space<vmem>> -> memref<1x128xi32, #tpu.memory_space<vmem>>
        %dma_wait3A_138 = tpu.memref_squeeze %dma_wait3A_137 : memref<1x128xi32, #tpu.memory_space<vmem>> -> memref<128xi32, #tpu.memory_space<vmem>>
        %dma_wait3A_139 = arith.constant 0 : i32
        %dma_wait3A_140 = arith.constant 0 : i32
        %dma_wait3A_141 = tpu.memref_slice %arg11[%dma_wait3A_139, %dma_wait3A_140] : memref<10112x128xf32, #tpu.memory_space<vmem_shared>> -> memref<10112x128xf32, #tpu.memory_space<vmem_shared>>
        tpu.wait_indirect_dma semaphore(%run_scoped3A : memref<!tpu.dma_semaphore, #tpu.memory_space<semaphore_mem>>) src(%arg9 : memref<128x128xf32, #tpu.memory_space<vmem>>) dst(%dma_wait3A_141 : memref<10112x128xf32, #tpu.memory_space<vmem_shared>>)
        tpu.yield
      }) : () -> ()
      %dma_wait3A_119 = arith.constant 0 : i32
      %dma_wait3A_120 = arith.constant 0 : i32
      %dma_wait3A_121 = tpu.memref_slice %arg2[%dma_wait3A_119, %dma_wait3A_120] : memref<10000x128xf32, #tpu.memory_space<hbm>> -> memref<128x128xf32, #tpu.memory_space<hbm>>
      %dma_wait3A_122 = arith.constant 0 : i32
      %dma_wait3A_123 = arith.constant 0 : i32
      %dma_wait3A_124 = tpu.memref_slice %arg2[%dma_wait3A_122, %dma_wait3A_123] : memref<10000x128xf32, #tpu.memory_space<hbm>> -> memref<128x128xf32, #tpu.memory_space<hbm>>
      tpu.wait_dma2 semaphore(%arg13 : memref<!tpu.dma_semaphore, #tpu.memory_space<semaphore_mem>>) src(%dma_wait3A_124 : memref<128x128xf32, #tpu.memory_space<hbm>>) dst(%arg10 : memref<128x128xf32, #tpu.memory_space<vmem>>)
      %sub3A_125 = arith.constant 1 : i32
      %sub3A_126 = arith.subi %select_n3A_91, %sub3A_125 : i32
      %lt3A = arith.cmpi slt, %while3A_103, %sub3A_126 : i32
      %convert_element_type3A_127 = arith.extui %lt3A : i1 to i32
      %cond3A_128 = arith.constant 0 : i32
      %cond3A_129 = arith.cmpi ne, %convert_element_type3A_127, %cond3A_128 : i32
      scf.if %cond3A_129 {
        %add3A_130 = arith.constant 1 : i32
        %add3A_131 = arith.addi %add3A_107, %add3A_130 : i32
        %dma_start3A_132 = arith.constant 0 : i32
        %dma_start3A_133 = tpu.memref_slice %arg7[%add3A_131, %dma_start3A_132] : memref<64x128xi32, #tpu.memory_space<vmem>> -> memref<1x128xi32, #tpu.memory_space<vmem>>
        %dma_start3A_134 = tpu.memref_squeeze %dma_start3A_133 : memref<1x128xi32, #tpu.memory_space<vmem>> -> memref<128xi32, #tpu.memory_space<vmem>>
        %dma_start3A_135 = arith.constant 0 : i32
        %dma_start3A_136 = arith.constant 0 : i32
        %dma_start3A_137 = tpu.memref_slice %arg2[%dma_start3A_135, %dma_start3A_136] : memref<10000x128xf32, #tpu.memory_space<hbm>> -> memref<10000x128xf32, #tpu.memory_space<hbm>>
        tpu.enqueue_indirect_dma source(%dma_start3A_137 : memref<10000x128xf32, #tpu.memory_space<hbm>>) target(%arg9 : memref<128x128xf32, #tpu.memory_space<vmem>>) offsets(%dma_start3A_134 : memref<128xi32, #tpu.memory_space<vmem>>) semaphore(%arg12 : memref<!tpu.dma_semaphore, #tpu.memory_space<semaphore_mem>>)
      } else {
      }
      "tpu.region"() ({
        %run_scoped3A = tpu.sem_alloc : memref<!tpu.dma_semaphore, #tpu.memory_space<semaphore_mem>>
        %dma_start3A_130 = arith.constant 0 : i32
        %dma_start3A_131 = tpu.memref_slice %arg8[%add3A_107, %dma_start3A_130] : memref<64x128xi32, #tpu.memory_space<vmem>> -> memref<1x128xi32, #tpu.memory_space<vmem>>
        %dma_start3A_132 = tpu.memref_squeeze %dma_start3A_131 : memref<1x128xi32, #tpu.memory_space<vmem>> -> memref<128xi32, #tpu.memory_space<vmem>>
        %dma_start3A_133 = arith.constant 0 : i32
        %dma_start3A_134 = arith.constant 0 : i32
        %dma_start3A_135 = tpu.memref_slice %arg11[%dma_start3A_133, %dma_start3A_134] : memref<10112x128xf32, #tpu.memory_space<vmem_shared>> -> memref<10112x128xf32, #tpu.memory_space<vmem_shared>>
        tpu.enqueue_indirect_dma source(%arg10 : memref<128x128xf32, #tpu.memory_space<vmem>>) target(%dma_start3A_135 : memref<10112x128xf32, #tpu.memory_space<vmem_shared>>) offsets(%dma_start3A_132 : memref<128xi32, #tpu.memory_space<vmem>>) semaphore(%run_scoped3A : memref<!tpu.dma_semaphore, #tpu.memory_space<semaphore_mem>>) {add = true}
        %dma_wait3A_136 = arith.constant 0 : i32
        %dma_wait3A_137 = tpu.memref_slice %arg8[%add3A_107, %dma_wait3A_136] : memref<64x128xi32, #tpu.memory_space<vmem>> -> memref<1x128xi32, #tpu.memory_space<vmem>>
        %dma_wait3A_138 = tpu.memref_squeeze %dma_wait3A_137 : memref<1x128xi32, #tpu.memory_space<vmem>> -> memref<128xi32, #tpu.memory_space<vmem>>
        %dma_wait3A_139 = arith.constant 0 : i32
        %dma_wait3A_140 = arith.constant 0 : i32
        %dma_wait3A_141 = tpu.memref_slice %arg11[%dma_wait3A_139, %dma_wait3A_140] : memref<10112x128xf32, #tpu.memory_space<vmem_shared>> -> memref<10112x128xf32, #tpu.memory_space<vmem_shared>>
        tpu.wait_indirect_dma semaphore(%run_scoped3A : memref<!tpu.dma_semaphore, #tpu.memory_space<semaphore_mem>>) src(%arg10 : memref<128x128xf32, #tpu.memory_space<vmem>>) dst(%dma_wait3A_141 : memref<10112x128xf32, #tpu.memory_space<vmem_shared>>)
        tpu.yield
      }) : () -> ()
    }
    %barrier3A_102 = arith.constant 0 : index
    tpu.barrier barrier_id(%barrier3A_102)
    "tpu.region"() ({
      %run_scoped3A = tpu.sem_alloc : memref<!tpu.dma_semaphore, #tpu.memory_space<semaphore_mem>>
      %dma_start3A_103 = arith.constant 0 : i32
      %dma_start3A_104 = tpu.memref_slice %arg6[%arg0, %mul3A_0, %dma_start3A_103] : memref<2x10112x128xf32, #tpu.memory_space<hbm>> -> memref<1x632x128xf32, #tpu.memory_space<hbm>>
      %dma_start3A_105 = tpu.memref_squeeze %dma_start3A_104 : memref<1x632x128xf32, #tpu.memory_space<hbm>> -> memref<632x128xf32, #tpu.memory_space<hbm>>
      %dma_start3A_106 = arith.constant 0 : i32
      %dma_start3A_107 = tpu.memref_slice %arg11[%mul3A_0, %dma_start3A_106] : memref<10112x128xf32, #tpu.memory_space<vmem_shared>> -> memref<632x128xf32, #tpu.memory_space<vmem_shared>>
      tpu.enqueue_dma source(%dma_start3A_107 : memref<632x128xf32, #tpu.memory_space<vmem_shared>>) target(%dma_start3A_105 : memref<632x128xf32, #tpu.memory_space<hbm>>) target_semaphore(%run_scoped3A : memref<!tpu.dma_semaphore, #tpu.memory_space<semaphore_mem>>)
      %dma_wait3A = arith.constant 0 : i32
      %dma_wait3A_108 = tpu.memref_slice %arg6[%arg0, %mul3A_0, %dma_wait3A] : memref<2x10112x128xf32, #tpu.memory_space<hbm>> -> memref<1x632x128xf32, #tpu.memory_space<hbm>>
      %dma_wait3A_109 = tpu.memref_squeeze %dma_wait3A_108 : memref<1x632x128xf32, #tpu.memory_space<hbm>> -> memref<632x128xf32, #tpu.memory_space<hbm>>
      %dma_wait3A_110 = arith.constant 0 : i32
      %dma_wait3A_111 = tpu.memref_slice %arg11[%mul3A_0, %dma_wait3A_110] : memref<10112x128xf32, #tpu.memory_space<vmem_shared>> -> memref<632x128xf32, #tpu.memory_space<vmem_shared>>
      tpu.wait_dma2 semaphore(%run_scoped3A : memref<!tpu.dma_semaphore, #tpu.memory_space<semaphore_mem>>) src(%dma_wait3A_111 : memref<632x128xf32, #tpu.memory_space<vmem_shared>>) dst(%dma_wait3A_109 : memref<632x128xf32, #tpu.memory_space<hbm>>)
      tpu.yield
    }) : () -> ()
    return
  }
}

module attributes {stable_mosaic.version = 14 : i64} {
  func.func @_layer0_body(%arg0: i32, %arg1: memref<1000x128xf32, #tpu.memory_space<vmem>>, %arg2: memref<2x1000x128xf32, #tpu.memory_space<vmem>>, %arg3: memref<128x128xf32, #tpu.memory_space<vmem>>, %arg4: memref<1x128xf32, #tpu.memory_space<vmem>>, %arg5: memref<128x128xf32, #tpu.memory_space<vmem>>, %arg6: memref<1x128xf32, #tpu.memory_space<vmem>>, %arg7: memref<1x128xf32, #tpu.memory_space<vmem>>, %arg8: memref<1x128xf32, #tpu.memory_space<vmem>>, %arg9: memref<128x384xf32, #tpu.memory_space<vmem>>, %arg10: memref<1x384xf32, #tpu.memory_space<vmem>>, %arg11: memref<1x384xf32, #tpu.memory_space<vmem>>, %arg12: memref<1000x128xf32, #tpu.memory_space<vmem>>) attributes {dimension_semantics = [#tpu.dimension_semantics<arbitrary>], iteration_bounds = array<i64: 10>, scalar_prefetch = 0 : i64, scratch_operands = 0 : i64, tpu.core_type = #tpu.core_type<tc>, window_params = [{transform_indices = @transform_0, window_bounds = array<i64: 1000, 128>}, {transform_indices = @transform_1, window_bounds = array<i64: 2, 1000, 128>}, {pipeline_mode = #tpu.pipeline_mode<synchronous>, transform_indices = @transform_2, window_bounds = array<i64: 128, 128>}, {pipeline_mode = #tpu.pipeline_mode<synchronous>, transform_indices = @transform_3, window_bounds = array<i64: 1, 128>}, {pipeline_mode = #tpu.pipeline_mode<synchronous>, transform_indices = @transform_4, window_bounds = array<i64: 128, 128>}, {pipeline_mode = #tpu.pipeline_mode<synchronous>, transform_indices = @transform_5, window_bounds = array<i64: 1, 128>}, {pipeline_mode = #tpu.pipeline_mode<synchronous>, transform_indices = @transform_6, window_bounds = array<i64: 1, 128>}, {pipeline_mode = #tpu.pipeline_mode<synchronous>, transform_indices = @transform_7, window_bounds = array<i64: 1, 128>}, {pipeline_mode = #tpu.pipeline_mode<synchronous>, transform_indices = @transform_8, window_bounds = array<i64: 128, 384>}, {pipeline_mode = #tpu.pipeline_mode<synchronous>, transform_indices = @transform_9, window_bounds = array<i64: 1, 384>}, {pipeline_mode = #tpu.pipeline_mode<synchronous>, transform_indices = @transform_10, window_bounds = array<i64: 1, 384>}, {transform_indices = @transform_11, window_bounds = array<i64: 1000, 128>}]} {
    %get3A = arith.constant 0 : index
    %get3A_0 = arith.constant 0 : index
    %get3A_1 = vector.load %arg1[%get3A, %get3A_0] : memref<1000x128xf32, #tpu.memory_space<vmem>>, vector<1000x128xf32>
    %get3A_2 = arith.constant 0 : index
    %get3A_3 = arith.constant 0 : index
    %get3A_4 = arith.constant 0 : index
    %get3A_5 = vector.load %arg2[%get3A_2, %get3A_3, %get3A_4] : memref<2x1000x128xf32, #tpu.memory_space<vmem>>, vector<1x1000x128xf32>
    %get3A_6 = vector.shape_cast %get3A_5 : vector<1x1000x128xf32> to vector<1000x128xf32>
    %add3A = arith.addf %get3A_1, %get3A_6 : vector<1000x128xf32>
    %get3A_7 = arith.constant 1 : index
    %get3A_8 = arith.constant 0 : index
    %get3A_9 = arith.constant 0 : index
    %get3A_10 = vector.load %arg2[%get3A_7, %get3A_8, %get3A_9] : memref<2x1000x128xf32, #tpu.memory_space<vmem>>, vector<1x1000x128xf32>
    %get3A_11 = vector.shape_cast %get3A_10 : vector<1x1000x128xf32> to vector<1000x128xf32>
    %add3A_12 = arith.addf %add3A, %get3A_11 : vector<1000x128xf32>
    %get3A_13 = arith.constant 0 : index
    %get3A_14 = arith.constant 0 : index
    %get3A_15 = vector.load %arg3[%get3A_13, %get3A_14] : memref<128x128xf32, #tpu.memory_space<vmem>>, vector<128x128xf32>
    %convert_element_type3A = arith.truncf %add3A_12 : vector<1000x128xf32> to vector<1000x128xbf16>
    %convert_element_type3A_16 = arith.truncf %get3A_15 : vector<128x128xf32> to vector<128x128xbf16>
    %dot_general3A = arith.constant dense<0.000000e+00> : vector<1000x128xf32>
    %dot_general3A_17 = tpu.matmul %convert_element_type3A, %convert_element_type3A_16, %dot_general3A {dimension_numbers = #tpu.dot_dimension_numbers<[1], [0], [0], [1], [0, 0, 1, 1], [], []>, transpose_lhs_hint = false} : vector<1000x128xbf16>, vector<128x128xbf16>, vector<1000x128xf32> -> vector<1000x128xf32>
    %get3A_18 = arith.constant 0 : index
    %get3A_19 = arith.constant 0 : index
    %get3A_20 = vector.load %arg4[%get3A_18, %get3A_19] : memref<1x128xf32, #tpu.memory_space<vmem>>, vector<1x128xf32>
    %add3A_21 = vector.broadcast %get3A_20 : vector<1x128xf32> to vector<1000x128xf32>
    %add3A_22 = arith.addf %dot_general3A_17, %add3A_21 : vector<1000x128xf32>
    %max3A = arith.constant 0.000000e+00 : f32
    %max3A_23 = vector.broadcast %max3A : f32 to vector<1000x128xf32>
    %max3A_24 = arith.maximumf %add3A_22, %max3A_23 : vector<1000x128xf32>
    %get3A_25 = arith.constant 0 : index
    %get3A_26 = arith.constant 0 : index
    %get3A_27 = vector.load %arg5[%get3A_25, %get3A_26] : memref<128x128xf32, #tpu.memory_space<vmem>>, vector<128x128xf32>
    %convert_element_type3A_28 = arith.truncf %max3A_24 : vector<1000x128xf32> to vector<1000x128xbf16>
    %convert_element_type3A_29 = arith.truncf %get3A_27 : vector<128x128xf32> to vector<128x128xbf16>
    %dot_general3A_30 = arith.constant dense<0.000000e+00> : vector<1000x128xf32>
    %dot_general3A_31 = tpu.matmul %convert_element_type3A_28, %convert_element_type3A_29, %dot_general3A_30 {dimension_numbers = #tpu.dot_dimension_numbers<[1], [0], [0], [1], [0, 0, 1, 1], [], []>, transpose_lhs_hint = false} : vector<1000x128xbf16>, vector<128x128xbf16>, vector<1000x128xf32> -> vector<1000x128xf32>
    %get3A_32 = arith.constant 0 : index
    %get3A_33 = arith.constant 0 : index
    %get3A_34 = vector.load %arg6[%get3A_32, %get3A_33] : memref<1x128xf32, #tpu.memory_space<vmem>>, vector<1x128xf32>
    %add3A_35 = vector.broadcast %get3A_34 : vector<1x128xf32> to vector<1000x128xf32>
    %add3A_36 = arith.addf %dot_general3A_31, %add3A_35 : vector<1000x128xf32>
    %get3A_37 = arith.constant 0 : index
    %get3A_38 = arith.constant 0 : index
    %get3A_39 = vector.load %arg7[%get3A_37, %get3A_38] : memref<1x128xf32, #tpu.memory_space<vmem>>, vector<1x128xf32>
    %mul3A = vector.broadcast %get3A_39 : vector<1x128xf32> to vector<1000x128xf32>
    %mul3A_40 = arith.mulf %add3A_36, %mul3A : vector<1000x128xf32>
    %get3A_41 = arith.constant 0 : index
    %get3A_42 = arith.constant 0 : index
    %get3A_43 = vector.load %arg8[%get3A_41, %get3A_42] : memref<1x128xf32, #tpu.memory_space<vmem>>, vector<1x128xf32>
    %add3A_44 = vector.broadcast %get3A_43 : vector<1x128xf32> to vector<1000x128xf32>
    %add3A_45 = arith.addf %mul3A_40, %add3A_44 : vector<1000x128xf32>
    %get3A_46 = arith.constant 0 : index
    %get3A_47 = arith.constant 0 : index
    %get3A_48 = vector.load %arg9[%get3A_46, %get3A_47] : memref<128x384xf32, #tpu.memory_space<vmem>>, vector<128x384xf32>
    %convert_element_type3A_49 = arith.truncf %add3A_45 : vector<1000x128xf32> to vector<1000x128xbf16>
    %convert_element_type3A_50 = arith.truncf %get3A_48 : vector<128x384xf32> to vector<128x384xbf16>
    %dot_general3A_51 = arith.constant dense<0.000000e+00> : vector<1000x384xf32>
    %dot_general3A_52 = tpu.matmul %convert_element_type3A_49, %convert_element_type3A_50, %dot_general3A_51 {dimension_numbers = #tpu.dot_dimension_numbers<[1], [0], [0], [1], [0, 0, 1, 1], [], []>, transpose_lhs_hint = false} : vector<1000x128xbf16>, vector<128x384xbf16>, vector<1000x384xf32> -> vector<1000x384xf32>
    %get3A_53 = arith.constant 0 : index
    %get3A_54 = arith.constant 0 : index
    %get3A_55 = vector.load %arg10[%get3A_53, %get3A_54] : memref<1x384xf32, #tpu.memory_space<vmem>>, vector<1x384xf32>
    %add3A_56 = vector.broadcast %get3A_55 : vector<1x384xf32> to vector<1000x384xf32>
    %add3A_57 = arith.addf %dot_general3A_52, %add3A_56 : vector<1000x384xf32>
    %get3A_58 = arith.constant 0 : index
    %get3A_59 = arith.constant 0 : index
    %get3A_60 = vector.load %arg11[%get3A_58, %get3A_59] : memref<1x384xf32, #tpu.memory_space<vmem>>, vector<1x384xf32>
    %slice3A = vector.extract_strided_slice %add3A_57 {offsets = [0, 0], sizes = [1000, 128], strides = [1, 1]} : vector<1000x384xf32> to vector<1000x128xf32>
    %slice3A_61 = vector.extract_strided_slice %get3A_60 {offsets = [0, 0], sizes = [1, 128], strides = [1, 1]} : vector<1x384xf32> to vector<1x128xf32>
    %add3A_62 = vector.broadcast %slice3A_61 : vector<1x128xf32> to vector<1000x128xf32>
    %add3A_63 = arith.addf %slice3A, %add3A_62 : vector<1000x128xf32>
    %logistic3A = arith.negf %add3A_63 : vector<1000x128xf32>
    %logistic3A_64 = math.exp %logistic3A : vector<1000x128xf32>
    %logistic3A_65 = arith.constant 1.000000e+00 : f32
    %logistic3A_66 = vector.broadcast %logistic3A_65 : f32 to vector<1000x128xf32>
    %logistic3A_67 = arith.addf %logistic3A_66, %logistic3A_64 : vector<1000x128xf32>
    %logistic3A_68 = arith.divf %logistic3A_66, %logistic3A_67 : vector<1000x128xf32>
    %slice3A_69 = vector.extract_strided_slice %add3A_57 {offsets = [0, 128], sizes = [1000, 128], strides = [1, 1]} : vector<1000x384xf32> to vector<1000x128xf32>
    %slice3A_70 = vector.extract_strided_slice %get3A_60 {offsets = [0, 128], sizes = [1, 128], strides = [1, 1]} : vector<1x384xf32> to vector<1x128xf32>
    %add3A_71 = vector.broadcast %slice3A_70 : vector<1x128xf32> to vector<1000x128xf32>
    %add3A_72 = arith.addf %slice3A_69, %add3A_71 : vector<1000x128xf32>
    %logistic3A_73 = arith.negf %add3A_72 : vector<1000x128xf32>
    %logistic3A_74 = math.exp %logistic3A_73 : vector<1000x128xf32>
    %logistic3A_75 = arith.constant 1.000000e+00 : f32
    %logistic3A_76 = vector.broadcast %logistic3A_75 : f32 to vector<1000x128xf32>
    %logistic3A_77 = arith.addf %logistic3A_76, %logistic3A_74 : vector<1000x128xf32>
    %logistic3A_78 = arith.divf %logistic3A_76, %logistic3A_77 : vector<1000x128xf32>
    %slice3A_79 = vector.extract_strided_slice %add3A_57 {offsets = [0, 256], sizes = [1000, 128], strides = [1, 1]} : vector<1000x384xf32> to vector<1000x128xf32>
    %slice3A_80 = vector.extract_strided_slice %get3A_60 {offsets = [0, 256], sizes = [1, 128], strides = [1, 1]} : vector<1x384xf32> to vector<1x128xf32>
    %mul3A_81 = vector.broadcast %slice3A_80 : vector<1x128xf32> to vector<1000x128xf32>
    %mul3A_82 = arith.mulf %logistic3A_68, %mul3A_81 : vector<1000x128xf32>
    %add3A_83 = arith.addf %slice3A_79, %mul3A_82 : vector<1000x128xf32>
    %tanh3A = math.tanh %add3A_83 : vector<1000x128xf32>
    %sub3A = arith.constant 1.000000e+00 : f32
    %sub3A_84 = vector.broadcast %sub3A : f32 to vector<1000x128xf32>
    %sub3A_85 = arith.subf %sub3A_84, %logistic3A_78 : vector<1000x128xf32>
    %mul3A_86 = arith.mulf %sub3A_85, %tanh3A : vector<1000x128xf32>
    %swap3A = arith.constant 0 : index
    %swap3A_87 = arith.constant 0 : index
    %swap3A_88 = vector.load %arg12[%swap3A, %swap3A_87] : memref<1000x128xf32, #tpu.memory_space<vmem>>, vector<1000x128xf32>
    tpu.vector_store %arg12[%swap3A, %swap3A_87], %mul3A_86 {strides = array<i32>} : memref<1000x128xf32, #tpu.memory_space<vmem>>, vector<1000x128xf32>,
    return
  }
  func.func @transform_0(%arg0: i32) -> (i32, i32) {
    %c0_i32 = arith.constant 0 : i32
    %c0_i32_0 = arith.constant 0 : i32
    return %arg0, %c0_i32 : i32, i32
  }
  func.func @transform_1(%arg0: i32) -> (i32, i32, i32) {
    %c0_i32 = arith.constant 0 : i32
    %c0_i32_0 = arith.constant 0 : i32
    %c0_i32_1 = arith.constant 0 : i32
    return %c0_i32, %arg0, %c0_i32_0 : i32, i32, i32
  }
  func.func @transform_2(%arg0: i32) -> (i32, i32) {
    %c0_i32 = arith.constant 0 : i32
    %c0_i32_0 = arith.constant 0 : i32
    %c0_i32_1 = arith.constant 0 : i32
    return %c0_i32, %c0_i32_0 : i32, i32
  }
  func.func @transform_3(%arg0: i32) -> (i32, i32) {
    %c0_i32 = arith.constant 0 : i32
    %c0_i32_0 = arith.constant 0 : i32
    %c0_i32_1 = arith.constant 0 : i32
    return %c0_i32, %c0_i32_0 : i32, i32
  }
  func.func @transform_4(%arg0: i32) -> (i32, i32) {
    %c0_i32 = arith.constant 0 : i32
    %c0_i32_0 = arith.constant 0 : i32
    %c0_i32_1 = arith.constant 0 : i32
    return %c0_i32, %c0_i32_0 : i32, i32
  }
  func.func @transform_5(%arg0: i32) -> (i32, i32) {
    %c0_i32 = arith.constant 0 : i32
    %c0_i32_0 = arith.constant 0 : i32
    %c0_i32_1 = arith.constant 0 : i32
    return %c0_i32, %c0_i32_0 : i32, i32
  }
  func.func @transform_6(%arg0: i32) -> (i32, i32) {
    %c0_i32 = arith.constant 0 : i32
    %c0_i32_0 = arith.constant 0 : i32
    %c0_i32_1 = arith.constant 0 : i32
    return %c0_i32, %c0_i32_0 : i32, i32
  }
  func.func @transform_7(%arg0: i32) -> (i32, i32) {
    %c0_i32 = arith.constant 0 : i32
    %c0_i32_0 = arith.constant 0 : i32
    %c0_i32_1 = arith.constant 0 : i32
    return %c0_i32, %c0_i32_0 : i32, i32
  }
  func.func @transform_8(%arg0: i32) -> (i32, i32) {
    %c0_i32 = arith.constant 0 : i32
    %c0_i32_0 = arith.constant 0 : i32
    %c0_i32_1 = arith.constant 0 : i32
    return %c0_i32, %c0_i32_0 : i32, i32
  }
  func.func @transform_9(%arg0: i32) -> (i32, i32) {
    %c0_i32 = arith.constant 0 : i32
    %c0_i32_0 = arith.constant 0 : i32
    %c0_i32_1 = arith.constant 0 : i32
    return %c0_i32, %c0_i32_0 : i32, i32
  }
  func.func @transform_10(%arg0: i32) -> (i32, i32) {
    %c0_i32 = arith.constant 0 : i32
    %c0_i32_0 = arith.constant 0 : i32
    %c0_i32_1 = arith.constant 0 : i32
    return %c0_i32, %c0_i32_0 : i32, i32
  }
  func.func @transform_11(%arg0: i32) -> (i32, i32) {
    %c0_i32 = arith.constant 0 : i32
    %c0_i32_0 = arith.constant 0 : i32
    return %arg0, %c0_i32 : i32, i32
  }
}

module attributes {stable_mosaic.version = 14 : i64} {
  func.func @_layer1_body(%arg0: i32, %arg1: memref<1000x128xf32, #tpu.memory_space<vmem>>, %arg2: memref<2x1000x128xf32, #tpu.memory_space<vmem>>, %arg3: memref<128x128xf32, #tpu.memory_space<vmem>>, %arg4: memref<1x128xf32, #tpu.memory_space<vmem>>, %arg5: memref<128x128xf32, #tpu.memory_space<vmem>>, %arg6: memref<1x128xf32, #tpu.memory_space<vmem>>, %arg7: memref<1x128xf32, #tpu.memory_space<vmem>>, %arg8: memref<1x128xf32, #tpu.memory_space<vmem>>, %arg9: memref<128x384xf32, #tpu.memory_space<vmem>>, %arg10: memref<128x384xf32, #tpu.memory_space<vmem>>, %arg11: memref<1x384xf32, #tpu.memory_space<vmem>>, %arg12: memref<1x384xf32, #tpu.memory_space<vmem>>, %arg13: memref<128x128xf32, #tpu.memory_space<vmem>>, %arg14: memref<1x128xf32, #tpu.memory_space<vmem>>, %arg15: memref<128x128xf32, #tpu.memory_space<vmem>>, %arg16: memref<1x128xf32, #tpu.memory_space<vmem>>, %arg17: memref<1000x128xf32, #tpu.memory_space<vmem>>) attributes {dimension_semantics = [#tpu.dimension_semantics<arbitrary>], iteration_bounds = array<i64: 10>, scalar_prefetch = 0 : i64, scratch_operands = 0 : i64, tpu.core_type = #tpu.core_type<tc>, window_params = [{transform_indices = @transform_0, window_bounds = array<i64: 1000, 128>}, {transform_indices = @transform_1, window_bounds = array<i64: 2, 1000, 128>}, {pipeline_mode = #tpu.pipeline_mode<synchronous>, transform_indices = @transform_2, window_bounds = array<i64: 128, 128>}, {pipeline_mode = #tpu.pipeline_mode<synchronous>, transform_indices = @transform_3, window_bounds = array<i64: 1, 128>}, {pipeline_mode = #tpu.pipeline_mode<synchronous>, transform_indices = @transform_4, window_bounds = array<i64: 128, 128>}, {pipeline_mode = #tpu.pipeline_mode<synchronous>, transform_indices = @transform_5, window_bounds = array<i64: 1, 128>}, {pipeline_mode = #tpu.pipeline_mode<synchronous>, transform_indices = @transform_6, window_bounds = array<i64: 1, 128>}, {pipeline_mode = #tpu.pipeline_mode<synchronous>, transform_indices = @transform_7, window_bounds = array<i64: 1, 128>}, {pipeline_mode = #tpu.pipeline_mode<synchronous>, transform_indices = @transform_8, window_bounds = array<i64: 128, 384>}, {pipeline_mode = #tpu.pipeline_mode<synchronous>, transform_indices = @transform_9, window_bounds = array<i64: 128, 384>}, {pipeline_mode = #tpu.pipeline_mode<synchronous>, transform_indices = @transform_10, window_bounds = array<i64: 1, 384>}, {pipeline_mode = #tpu.pipeline_mode<synchronous>, transform_indices = @transform_11, window_bounds = array<i64: 1, 384>}, {pipeline_mode = #tpu.pipeline_mode<synchronous>, transform_indices = @transform_12, window_bounds = array<i64: 128, 128>}, {pipeline_mode = #tpu.pipeline_mode<synchronous>, transform_indices = @transform_13, window_bounds = array<i64: 1, 128>}, {pipeline_mode = #tpu.pipeline_mode<synchronous>, transform_indices = @transform_14, window_bounds = array<i64: 128, 128>}, {pipeline_mode = #tpu.pipeline_mode<synchronous>, transform_indices = @transform_15, window_bounds = array<i64: 1, 128>}, {transform_indices = @transform_16, window_bounds = array<i64: 1000, 128>}]} {
    %get3A = arith.constant 0 : index
    %get3A_0 = arith.constant 0 : index
    %get3A_1 = vector.load %arg1[%get3A, %get3A_0] : memref<1000x128xf32, #tpu.memory_space<vmem>>, vector<1000x128xf32>
    %get3A_2 = arith.constant 0 : index
    %get3A_3 = arith.constant 0 : index
    %get3A_4 = arith.constant 0 : index
    %get3A_5 = vector.load %arg2[%get3A_2, %get3A_3, %get3A_4] : memref<2x1000x128xf32, #tpu.memory_space<vmem>>, vector<1x1000x128xf32>
    %get3A_6 = vector.shape_cast %get3A_5 : vector<1x1000x128xf32> to vector<1000x128xf32>
    %add3A = arith.addf %get3A_1, %get3A_6 : vector<1000x128xf32>
    %get3A_7 = arith.constant 1 : index
    %get3A_8 = arith.constant 0 : index
    %get3A_9 = arith.constant 0 : index
    %get3A_10 = vector.load %arg2[%get3A_7, %get3A_8, %get3A_9] : memref<2x1000x128xf32, #tpu.memory_space<vmem>>, vector<1x1000x128xf32>
    %get3A_11 = vector.shape_cast %get3A_10 : vector<1x1000x128xf32> to vector<1000x128xf32>
    %add3A_12 = arith.addf %add3A, %get3A_11 : vector<1000x128xf32>
    %get3A_13 = arith.constant 0 : index
    %get3A_14 = arith.constant 0 : index
    %get3A_15 = vector.load %arg3[%get3A_13, %get3A_14] : memref<128x128xf32, #tpu.memory_space<vmem>>, vector<128x128xf32>
    %convert_element_type3A = arith.truncf %add3A_12 : vector<1000x128xf32> to vector<1000x128xbf16>
    %convert_element_type3A_16 = arith.truncf %get3A_15 : vector<128x128xf32> to vector<128x128xbf16>
    %dot_general3A = arith.constant dense<0.000000e+00> : vector<1000x128xf32>
    %dot_general3A_17 = tpu.matmul %convert_element_type3A, %convert_element_type3A_16, %dot_general3A {dimension_numbers = #tpu.dot_dimension_numbers<[1], [0], [0], [1], [0, 0, 1, 1], [], []>, transpose_lhs_hint = false} : vector<1000x128xbf16>, vector<128x128xbf16>, vector<1000x128xf32> -> vector<1000x128xf32>
    %get3A_18 = arith.constant 0 : index
    %get3A_19 = arith.constant 0 : index
    %get3A_20 = vector.load %arg4[%get3A_18, %get3A_19] : memref<1x128xf32, #tpu.memory_space<vmem>>, vector<1x128xf32>
    %add3A_21 = vector.broadcast %get3A_20 : vector<1x128xf32> to vector<1000x128xf32>
    %add3A_22 = arith.addf %dot_general3A_17, %add3A_21 : vector<1000x128xf32>
    %max3A = arith.constant 0.000000e+00 : f32
    %max3A_23 = vector.broadcast %max3A : f32 to vector<1000x128xf32>
    %max3A_24 = arith.maximumf %add3A_22, %max3A_23 : vector<1000x128xf32>
    %get3A_25 = arith.constant 0 : index
    %get3A_26 = arith.constant 0 : index
    %get3A_27 = vector.load %arg5[%get3A_25, %get3A_26] : memref<128x128xf32, #tpu.memory_space<vmem>>, vector<128x128xf32>
    %convert_element_type3A_28 = arith.truncf %max3A_24 : vector<1000x128xf32> to vector<1000x128xbf16>
    %convert_element_type3A_29 = arith.truncf %get3A_27 : vector<128x128xf32> to vector<128x128xbf16>
    %dot_general3A_30 = arith.constant dense<0.000000e+00> : vector<1000x128xf32>
    %dot_general3A_31 = tpu.matmul %convert_element_type3A_28, %convert_element_type3A_29, %dot_general3A_30 {dimension_numbers = #tpu.dot_dimension_numbers<[1], [0], [0], [1], [0, 0, 1, 1], [], []>, transpose_lhs_hint = false} : vector<1000x128xbf16>, vector<128x128xbf16>, vector<1000x128xf32> -> vector<1000x128xf32>
    %get3A_32 = arith.constant 0 : index
    %get3A_33 = arith.constant 0 : index
    %get3A_34 = vector.load %arg6[%get3A_32, %get3A_33] : memref<1x128xf32, #tpu.memory_space<vmem>>, vector<1x128xf32>
    %add3A_35 = vector.broadcast %get3A_34 : vector<1x128xf32> to vector<1000x128xf32>
    %add3A_36 = arith.addf %dot_general3A_31, %add3A_35 : vector<1000x128xf32>
    %get3A_37 = arith.constant 0 : index
    %get3A_38 = arith.constant 0 : index
    %get3A_39 = vector.load %arg7[%get3A_37, %get3A_38] : memref<1x128xf32, #tpu.memory_space<vmem>>, vector<1x128xf32>
    %mul3A = vector.broadcast %get3A_39 : vector<1x128xf32> to vector<1000x128xf32>
    %mul3A_40 = arith.mulf %add3A_36, %mul3A : vector<1000x128xf32>
    %get3A_41 = arith.constant 0 : index
    %get3A_42 = arith.constant 0 : index
    %get3A_43 = vector.load %arg8[%get3A_41, %get3A_42] : memref<1x128xf32, #tpu.memory_space<vmem>>, vector<1x128xf32>
    %add3A_44 = vector.broadcast %get3A_43 : vector<1x128xf32> to vector<1000x128xf32>
    %add3A_45 = arith.addf %mul3A_40, %add3A_44 : vector<1000x128xf32>
    %get3A_46 = arith.constant 0 : index
    %get3A_47 = arith.constant 0 : index
    %get3A_48 = vector.load %arg9[%get3A_46, %get3A_47] : memref<128x384xf32, #tpu.memory_space<vmem>>, vector<128x384xf32>
    %convert_element_type3A_49 = arith.truncf %add3A_45 : vector<1000x128xf32> to vector<1000x128xbf16>
    %convert_element_type3A_50 = arith.truncf %get3A_48 : vector<128x384xf32> to vector<128x384xbf16>
    %dot_general3A_51 = arith.constant dense<0.000000e+00> : vector<1000x384xf32>
    %dot_general3A_52 = tpu.matmul %convert_element_type3A_49, %convert_element_type3A_50, %dot_general3A_51 {dimension_numbers = #tpu.dot_dimension_numbers<[1], [0], [0], [1], [0, 0, 1, 1], [], []>, transpose_lhs_hint = false} : vector<1000x128xbf16>, vector<128x384xbf16>, vector<1000x384xf32> -> vector<1000x384xf32>
    %get3A_53 = arith.constant 0 : index
    %get3A_54 = arith.constant 0 : index
    %get3A_55 = vector.load %arg11[%get3A_53, %get3A_54] : memref<1x384xf32, #tpu.memory_space<vmem>>, vector<1x384xf32>
    %add3A_56 = vector.broadcast %get3A_55 : vector<1x384xf32> to vector<1000x384xf32>
    %add3A_57 = arith.addf %dot_general3A_52, %add3A_56 : vector<1000x384xf32>
    %get3A_58 = arith.constant 0 : index
    %get3A_59 = arith.constant 0 : index
    %get3A_60 = vector.load %arg10[%get3A_58, %get3A_59] : memref<128x384xf32, #tpu.memory_space<vmem>>, vector<128x384xf32>
    %convert_element_type3A_61 = arith.truncf %get3A_1 : vector<1000x128xf32> to vector<1000x128xbf16>
    %convert_element_type3A_62 = arith.truncf %get3A_60 : vector<128x384xf32> to vector<128x384xbf16>
    %dot_general3A_63 = arith.constant dense<0.000000e+00> : vector<1000x384xf32>
    %dot_general3A_64 = tpu.matmul %convert_element_type3A_61, %convert_element_type3A_62, %dot_general3A_63 {dimension_numbers = #tpu.dot_dimension_numbers<[1], [0], [0], [1], [0, 0, 1, 1], [], []>, transpose_lhs_hint = false} : vector<1000x128xbf16>, vector<128x384xbf16>, vector<1000x384xf32> -> vector<1000x384xf32>
    %get3A_65 = arith.constant 0 : index
    %get3A_66 = arith.constant 0 : index
    %get3A_67 = vector.load %arg12[%get3A_65, %get3A_66] : memref<1x384xf32, #tpu.memory_space<vmem>>, vector<1x384xf32>
    %add3A_68 = vector.broadcast %get3A_67 : vector<1x384xf32> to vector<1000x384xf32>
    %add3A_69 = arith.addf %dot_general3A_64, %add3A_68 : vector<1000x384xf32>
    %slice3A = vector.extract_strided_slice %add3A_57 {offsets = [0, 0], sizes = [1000, 128], strides = [1, 1]} : vector<1000x384xf32> to vector<1000x128xf32>
    %slice3A_70 = vector.extract_strided_slice %add3A_69 {offsets = [0, 0], sizes = [1000, 128], strides = [1, 1]} : vector<1000x384xf32> to vector<1000x128xf32>
    %add3A_71 = arith.addf %slice3A, %slice3A_70 : vector<1000x128xf32>
    %logistic3A = arith.negf %add3A_71 : vector<1000x128xf32>
    %logistic3A_72 = math.exp %logistic3A : vector<1000x128xf32>
    %logistic3A_73 = arith.constant 1.000000e+00 : f32
    %logistic3A_74 = vector.broadcast %logistic3A_73 : f32 to vector<1000x128xf32>
    %logistic3A_75 = arith.addf %logistic3A_74, %logistic3A_72 : vector<1000x128xf32>
    %logistic3A_76 = arith.divf %logistic3A_74, %logistic3A_75 : vector<1000x128xf32>
    %slice3A_77 = vector.extract_strided_slice %add3A_57 {offsets = [0, 128], sizes = [1000, 128], strides = [1, 1]} : vector<1000x384xf32> to vector<1000x128xf32>
    %slice3A_78 = vector.extract_strided_slice %add3A_69 {offsets = [0, 128], sizes = [1000, 128], strides = [1, 1]} : vector<1000x384xf32> to vector<1000x128xf32>
    %add3A_79 = arith.addf %slice3A_77, %slice3A_78 : vector<1000x128xf32>
    %logistic3A_80 = arith.negf %add3A_79 : vector<1000x128xf32>
    %logistic3A_81 = math.exp %logistic3A_80 : vector<1000x128xf32>
    %logistic3A_82 = arith.constant 1.000000e+00 : f32
    %logistic3A_83 = vector.broadcast %logistic3A_82 : f32 to vector<1000x128xf32>
    %logistic3A_84 = arith.addf %logistic3A_83, %logistic3A_81 : vector<1000x128xf32>
    %logistic3A_85 = arith.divf %logistic3A_83, %logistic3A_84 : vector<1000x128xf32>
    %slice3A_86 = vector.extract_strided_slice %add3A_57 {offsets = [0, 256], sizes = [1000, 128], strides = [1, 1]} : vector<1000x384xf32> to vector<1000x128xf32>
    %slice3A_87 = vector.extract_strided_slice %add3A_69 {offsets = [0, 256], sizes = [1000, 128], strides = [1, 1]} : vector<1000x384xf32> to vector<1000x128xf32>
    %mul3A_88 = arith.mulf %logistic3A_76, %slice3A_87 : vector<1000x128xf32>
    %add3A_89 = arith.addf %slice3A_86, %mul3A_88 : vector<1000x128xf32>
    %tanh3A = math.tanh %add3A_89 : vector<1000x128xf32>
    %sub3A = arith.constant 1.000000e+00 : f32
    %sub3A_90 = vector.broadcast %sub3A : f32 to vector<1000x128xf32>
    %sub3A_91 = arith.subf %sub3A_90, %logistic3A_85 : vector<1000x128xf32>
    %mul3A_92 = arith.mulf %sub3A_91, %tanh3A : vector<1000x128xf32>
    %mul3A_93 = arith.mulf %logistic3A_85, %get3A_1 : vector<1000x128xf32>
    %add3A_94 = arith.addf %mul3A_92, %mul3A_93 : vector<1000x128xf32>
    %get3A_95 = arith.constant 0 : index
    %get3A_96 = arith.constant 0 : index
    %get3A_97 = vector.load %arg13[%get3A_95, %get3A_96] : memref<128x128xf32, #tpu.memory_space<vmem>>, vector<128x128xf32>
    %convert_element_type3A_98 = arith.truncf %add3A_94 : vector<1000x128xf32> to vector<1000x128xbf16>
    %convert_element_type3A_99 = arith.truncf %get3A_97 : vector<128x128xf32> to vector<128x128xbf16>
    %dot_general3A_100 = arith.constant dense<0.000000e+00> : vector<1000x128xf32>
    %dot_general3A_101 = tpu.matmul %convert_element_type3A_98, %convert_element_type3A_99, %dot_general3A_100 {dimension_numbers = #tpu.dot_dimension_numbers<[1], [0], [0], [1], [0, 0, 1, 1], [], []>, transpose_lhs_hint = false} : vector<1000x128xbf16>, vector<128x128xbf16>, vector<1000x128xf32> -> vector<1000x128xf32>
    %get3A_102 = arith.constant 0 : index
    %get3A_103 = arith.constant 0 : index
    %get3A_104 = vector.load %arg14[%get3A_102, %get3A_103] : memref<1x128xf32, #tpu.memory_space<vmem>>, vector<1x128xf32>
    %add3A_105 = vector.broadcast %get3A_104 : vector<1x128xf32> to vector<1000x128xf32>
    %add3A_106 = arith.addf %dot_general3A_101, %add3A_105 : vector<1000x128xf32>
    %max3A_107 = arith.constant 0.000000e+00 : f32
    %max3A_108 = vector.broadcast %max3A_107 : f32 to vector<1000x128xf32>
    %max3A_109 = arith.maximumf %add3A_106, %max3A_108 : vector<1000x128xf32>
    %get3A_110 = arith.constant 0 : index
    %get3A_111 = arith.constant 0 : index
    %get3A_112 = vector.load %arg15[%get3A_110, %get3A_111] : memref<128x128xf32, #tpu.memory_space<vmem>>, vector<128x128xf32>
    %convert_element_type3A_113 = arith.truncf %max3A_109 : vector<1000x128xf32> to vector<1000x128xbf16>
    %convert_element_type3A_114 = arith.truncf %get3A_112 : vector<128x128xf32> to vector<128x128xbf16>
    %dot_general3A_115 = arith.constant dense<0.000000e+00> : vector<1000x128xf32>
    %dot_general3A_116 = tpu.matmul %convert_element_type3A_113, %convert_element_type3A_114, %dot_general3A_115 {dimension_numbers = #tpu.dot_dimension_numbers<[1], [0], [0], [1], [0, 0, 1, 1], [], []>, transpose_lhs_hint = false} : vector<1000x128xbf16>, vector<128x128xbf16>, vector<1000x128xf32> -> vector<1000x128xf32>
    %get3A_117 = arith.constant 0 : index
    %get3A_118 = arith.constant 0 : index
    %get3A_119 = vector.load %arg16[%get3A_117, %get3A_118] : memref<1x128xf32, #tpu.memory_space<vmem>>, vector<1x128xf32>
    %add3A_120 = vector.broadcast %get3A_119 : vector<1x128xf32> to vector<1000x128xf32>
    %add3A_121 = arith.addf %dot_general3A_116, %add3A_120 : vector<1000x128xf32>
    %swap3A = arith.constant 0 : index
    %swap3A_122 = arith.constant 0 : index
    %swap3A_123 = vector.load %arg17[%swap3A, %swap3A_122] : memref<1000x128xf32, #tpu.memory_space<vmem>>, vector<1000x128xf32>
    tpu.vector_store %arg17[%swap3A, %swap3A_122], %add3A_121 {strides = array<i32>} : memref<1000x128xf32, #tpu.memory_space<vmem>>, vector<1000x128xf32>,
    return
  }
  func.func @transform_0(%arg0: i32) -> (i32, i32) {
    %c0_i32 = arith.constant 0 : i32
    %c0_i32_0 = arith.constant 0 : i32
    return %arg0, %c0_i32 : i32, i32
  }
  func.func @transform_1(%arg0: i32) -> (i32, i32, i32) {
    %c0_i32 = arith.constant 0 : i32
    %c0_i32_0 = arith.constant 0 : i32
    %c0_i32_1 = arith.constant 0 : i32
    return %c0_i32, %arg0, %c0_i32_0 : i32, i32, i32
  }
  func.func @transform_2(%arg0: i32) -> (i32, i32) {
    %c0_i32 = arith.constant 0 : i32
    %c0_i32_0 = arith.constant 0 : i32
    %c0_i32_1 = arith.constant 0 : i32
    return %c0_i32, %c0_i32_0 : i32, i32
  }
  func.func @transform_3(%arg0: i32) -> (i32, i32) {
    %c0_i32 = arith.constant 0 : i32
    %c0_i32_0 = arith.constant 0 : i32
    %c0_i32_1 = arith.constant 0 : i32
    return %c0_i32, %c0_i32_0 : i32, i32
  }
  func.func @transform_4(%arg0: i32) -> (i32, i32) {
    %c0_i32 = arith.constant 0 : i32
    %c0_i32_0 = arith.constant 0 : i32
    %c0_i32_1 = arith.constant 0 : i32
    return %c0_i32, %c0_i32_0 : i32, i32
  }
  func.func @transform_5(%arg0: i32) -> (i32, i32) {
    %c0_i32 = arith.constant 0 : i32
    %c0_i32_0 = arith.constant 0 : i32
    %c0_i32_1 = arith.constant 0 : i32
    return %c0_i32, %c0_i32_0 : i32, i32
  }
  func.func @transform_6(%arg0: i32) -> (i32, i32) {
    %c0_i32 = arith.constant 0 : i32
    %c0_i32_0 = arith.constant 0 : i32
    %c0_i32_1 = arith.constant 0 : i32
    return %c0_i32, %c0_i32_0 : i32, i32
  }
  func.func @transform_7(%arg0: i32) -> (i32, i32) {
    %c0_i32 = arith.constant 0 : i32
    %c0_i32_0 = arith.constant 0 : i32
    %c0_i32_1 = arith.constant 0 : i32
    return %c0_i32, %c0_i32_0 : i32, i32
  }
  func.func @transform_8(%arg0: i32) -> (i32, i32) {
    %c0_i32 = arith.constant 0 : i32
    %c0_i32_0 = arith.constant 0 : i32
    %c0_i32_1 = arith.constant 0 : i32
    return %c0_i32, %c0_i32_0 : i32, i32
  }
  func.func @transform_9(%arg0: i32) -> (i32, i32) {
    %c0_i32 = arith.constant 0 : i32
    %c0_i32_0 = arith.constant 0 : i32
    %c0_i32_1 = arith.constant 0 : i32
    return %c0_i32, %c0_i32_0 : i32, i32
  }
  func.func @transform_10(%arg0: i32) -> (i32, i32) {
    %c0_i32 = arith.constant 0 : i32
    %c0_i32_0 = arith.constant 0 : i32
    %c0_i32_1 = arith.constant 0 : i32
    return %c0_i32, %c0_i32_0 : i32, i32
  }
  func.func @transform_11(%arg0: i32) -> (i32, i32) {
    %c0_i32 = arith.constant 0 : i32
    %c0_i32_0 = arith.constant 0 : i32
    %c0_i32_1 = arith.constant 0 : i32
    return %c0_i32, %c0_i32_0 : i32, i32
  }
  func.func @transform_12(%arg0: i32) -> (i32, i32) {
    %c0_i32 = arith.constant 0 : i32
    %c0_i32_0 = arith.constant 0 : i32
    %c0_i32_1 = arith.constant 0 : i32
    return %c0_i32, %c0_i32_0 : i32, i32
  }
  func.func @transform_13(%arg0: i32) -> (i32, i32) {
    %c0_i32 = arith.constant 0 : i32
    %c0_i32_0 = arith.constant 0 : i32
    %c0_i32_1 = arith.constant 0 : i32
    return %c0_i32, %c0_i32_0 : i32, i32
  }
  func.func @transform_14(%arg0: i32) -> (i32, i32) {
    %c0_i32 = arith.constant 0 : i32
    %c0_i32_0 = arith.constant 0 : i32
    %c0_i32_1 = arith.constant 0 : i32
    return %c0_i32, %c0_i32_0 : i32, i32
  }
  func.func @transform_15(%arg0: i32) -> (i32, i32) {
    %c0_i32 = arith.constant 0 : i32
    %c0_i32_0 = arith.constant 0 : i32
    %c0_i32_1 = arith.constant 0 : i32
    return %c0_i32, %c0_i32_0 : i32, i32
  }
  func.func @transform_16(%arg0: i32) -> (i32, i32) {
    %c0_i32 = arith.constant 0 : i32
    %c0_i32_0 = arith.constant 0 : i32
    return %arg0, %c0_i32 : i32, i32
  }
}

</mosaic_0001>

<sc_bundles>
// kernel: kernel.6.cloned.1.call-start
scs
__scs_entry_jumppad:
0x0: {  	(pc) =	sbr.rel $0x88, $3  }
0x1: {  	(tag) =	ssettag $0x0;
	lr =	simm.s32 $0x1  }
0x2: {  	[smem:$0x3F8B] =	sst lr;
	_ =	strace $0xD0000000  }
0x3: {  	_ = 	snop  }
0x4: {  	_ = 	snop  }
0x5: {  	_ = 	snop  }
0x6: {  	_ = 	snop  }
0x7: {  	_ = 	snop  }
__scs_overlays_trampoline_lowered:
0x8: {  	[smem:$0x3F9A] =	sst s0  }
0x9: {  	[smem:$0x3F9B] =	sst s1  }
0xa: {  	[smem:$0x3F9C] =	sst s2  }
0xb: {  	[smem:$0x3F9D] =	sst s3  }
0xc: {  	[smem:$0x3F9E] =	sst s4  }
0xd: {  	[smem:$0x3F9F] =	sst s5  }
0xe: {  	[smem:$0x3FA0] =	sst s6  }
0xf: {  	[smem:$0x3FA1] =	sst s7  }
0x10: {  	[smem:$0x3FA2] =	sst s8  }
0x11: {  	[smem:$0x3FA3] =	sst s9;
	s0 =	simm.s32 @!p0 $0x0  }
0x12: {  	s1 =	sld [smem:$0x3F89];
	s0 =	simm.s32 @p0 $0x1  }
0x13: {  	[smem:$0x3FA4] =	sst s0;
	s0 =	simm.s32 @!p1 $0x0  }
0x14: {  	s2 =	sld [smem:$0x3F88];
	s0 =	simm.s32 @p1 $0x1  }
0x15: {  	[smem:$0x3FA5] =	sst s0;
	s0 =	simm.s32 @!p2 $0x0  }
0x16: {  	s3 =	sld [smem:$0x3FDB];
	s0 =	simm.s32 @p2 $0x1  }
0x17: {  	s4 =	simm.s32 $0x1BF5;
	[smem:$0x3FA7] =	sst s0  }
0x18: {  	s0 =	sld [smem:$0x3F8A];
	_ =	swait.ge [sflag:s4], $0x0  }
0x19: {  	s7 =	sld [smem:$0x3F8B]  }
0x1a: {  	s8 =	sadd.s32 $0xFFFFE003, lr  }
0x1b: {  	s9 =	sadd.s32 $0xFFFFFEF7, lr;
	s5 =	simm.s32 $0xFFFFFFFF;
	p2 =	slt.u32 s8, $0xFFFFF086  }
0x1c: {  	p1 =	slt.u32 s9, $0xF7A;
	s5 =	simm.s32 @!p2 $0x0  }
0x1d: {  	s5 =	simm.s32 @p1 $0x1;
	p0 =	seq.s32 s7, s2  }
0x1e: {  	s7 =	smul.u32 @!p0 $0xF7A, s2;
	p2 =	seq.s32 @!p0 s5, $0x0  }
0x1f: {  	s9 =	smul.u32 $0xF7A, s1;
	s8 =	simm.s32 @!p0 $0x1BF5;
	p2 =	por !p2, p0  }
0x20: {  	[sflag:s8] =	ssyncset.s32 @!p0 $0xFFFFF086;
	s6 =	sadd.s32 @!p0 s3, s7;
	s7 =	simm.s32 @!p0 $0x108  }
0x21: {  	s3 =	sadd.s32 s3, s9;
	s6 =	sadd.s32 @!p0 $0x88, s6;
	s7 =	simm.s32 @p2 $0x1082  }
0x22: {  	[simem:s7], [sflag:s8] =	dma.local @!p0 [hbm:s6], $0xF7A  }
0x23: {  	s9 =	sor.u32 $0xD0000000, s2;
	s6 =	simm.s32 $0x108;
	_ =	swait.ge @!p0 [sflag:s8], $0x0  }
0x24: {  	s3 =	sadd.s32 $0x88, s3;
	s6 =	simm.s32 @!p1 $0x1082;
	[sflag:s4] =	ssyncset.s32 $0xFFFFF086  }
0x25: {  	[simem:s6], [sflag:s4] =	dma.local [hbm:s3], $0xF7A  }
0x26: {  	[smem:$0x3F8B] =	sst s1;
	(tag) =	ssettag s2;
	_ =	strace s9  }
0x27: {  	s1 =	sld [smem:$0x3F9B]  }
0x28: {  	s2 =	sld [smem:$0x3F9C]  }
0x29: {  	s4 =	sld [smem:$0x3F9E]  }
0x2a: {  	p0 =	seq.s32 s5, $0x0;
	s5 =	sld [smem:$0x3F9F]  }
0x2b: {  	s6 =	sld [smem:$0x3FA0]  }
0x2c: {  	s7 =	sld [smem:$0x3FA1]  }
0x2d: {  	s3 =	simm.s32 $0x108;
	s8 =	sld [smem:$0x3FA2]  }
0x2e: {  	s3 =	simm.s32 @!p0 $0x1082;
	s9 =	sld [smem:$0x3FA3]  }
0x2f: {  	lr =	sadd.s32 s0, s3;
	s0 =	sld [smem:$0x3F9A]  }
0x30: {  	s3 =	sld [smem:$0x3F9D]  }
0x31: {  	[smem:$0x3FA6] =	sst s10  }
0x32: {  	s10 =	sld [smem:$0x3FA4];
	_ =	sdelay $0x3  }
0x33: {  	p0 =	seq.s32 s10, $0x1;
	s10 =	sld [smem:$0x3FA6];
	_ =	sdelay $0x3  }
0x34: {  	[smem:$0x3FA6] =	sst s10  }
0x35: {  	s10 =	sld [smem:$0x3FA5];
	_ =	sdelay $0x3  }
0x36: {  	p1 =	seq.s32 s10, $0x1;
	s10 =	sld [smem:$0x3FA6];
	_ =	sdelay $0x3  }
0x37: {  	[smem:$0x3FA6] =	sst s10  }
0x38: {  	s10 =	sld [smem:$0x3FA7]  }
0x39: {  	_ = 	snop;
	(pc) =	sbr.ind lr, $3  }
0x3a: {  	_ = 	snop  }
0x3b: {  	_ = 	snop  }
0x3c: {  	p2 =	seq.s32 s10, $0x1;
	s10 =	sld [smem:$0x3FA6]  }
0x3d: {  	_ =	shalt  }
0x3e: {  	_ =	shalt  }
0x3f: {  	_ =	shalt  }
0x40: {  	_ =	shalt  }
0x41: {  	_ =	shalt  }
0x42: {  	_ =	shalt  }
0x43: {  	_ =	shalt  }
0x44: {  	_ =	shalt  }
0x45: {  	_ =	shalt  }
0x46: {  	_ =	shalt  }
0x47: {  	_ =	shalt  }
0x48: {  	_ =	shalt  }
0x49: {  	_ =	shalt  }
0x4a: {  	_ =	shalt  }
0x4b: {  	_ =	shalt  }
0x4c: {  	_ =	shalt  }
0x4d: {  	_ =	shalt  }
0x4e: {  	_ =	shalt  }
0x4f: {  	_ =	shalt  }
0x50: {  	_ =	shalt  }
0x51: {  	_ =	shalt  }
0x52: {  	_ =	shalt  }
0x53: {  	_ =	shalt  }
0x54: {  	_ =	shalt  }
0x55: {  	_ =	shalt  }
0x56: {  	_ =	shalt  }
0x57: {  	_ =	shalt  }
0x58: {  	_ =	shalt  }
0x59: {  	_ =	shalt  }
0x5a: {  	_ =	shalt  }
0x5b: {  	_ =	shalt  }
0x5c: {  	_ =	shalt  }
0x5d: {  	_ =	shalt  }
0x5e: {  	_ =	shalt  }
0x5f: {  	_ =	shalt  }
0x60: {  	_ =	shalt  }
0x61: {  	_ =	shalt  }
0x62: {  	_ =	shalt  }
0x63: {  	_ =	shalt  }
0x64: {  	_ =	shalt  }
0x65: {  	_ =	shalt  }
0x66: {  	_ =	shalt  }
0x67: {  	_ =	shalt  }
0x68: {  	_ =	shalt  }
0x69: {  	_ =	shalt  }
0x6a: {  	_ =	shalt  }
0x6b: {  	_ =	shalt  }
0x6c: {  	_ =	shalt  }
0x6d: {  	_ =	shalt  }
0x6e: {  	_ =	shalt  }
0x6f: {  	_ =	shalt  }
0x70: {  	_ =	shalt  }
0x71: {  	_ =	shalt  }
0x72: {  	_ =	shalt  }
0x73: {  	_ =	shalt  }
0x74: {  	_ =	shalt  }
0x75: {  	_ =	shalt  }
0x76: {  	_ =	shalt  }
0x77: {  	_ =	shalt  }
0x78: {  	_ =	shalt  }
0x79: {  	_ =	shalt  }
0x7a: {  	_ =	shalt  }
0x7b: {  	_ =	shalt  }
0x7c: {  	_ =	shalt  }
0x7d: {  	_ =	shalt  }
0x7e: {  	_ =	shalt  }
0x7f: {  	_ =	shalt  }
0x80: {  	_ =	shalt  }
0x81: {  	_ =	shalt  }
0x82: {  	_ =	shalt  }
0x83: {  	_ =	shalt  }
0x84: {  	_ =	shalt  }
0x85: {  	_ =	shalt  }
0x86: {  	_ =	shalt  }
0x87: {  	_ =	shalt  }
.Lfunc_end0:
.L_simem_size_0:
called_computation_lowered:
.L_overlay_start_0:
0x88: {  	s2 =	sld [smem:$0x3FD9]  }
0x89: {  	s3 =	sld [smem:$0x3FFE];
	_ =	sdelay $0x1  }
0x8a: {  	s1 =	srdreg.scid  }
0x8b: {  	s0 =	sand.u32 $0x1, s1  }
0x8c: {  	s17 =	sshll.u32 s0, $0xA;
	s2 =	sadd.s32 s3, s2  }
0x8d: {  	s2 =	sadd.s32 s2, s17  }
0x8e: {  	[smem:$0x3FB2] =	sst s2  }
0x8f: {  	_ = 	snop  }
0x90: {  	s2 =	sld [smem:$0x3FD0];
	(tm) =	ssettm $0x1  }
0x91: {  	s18 =	sld [smem:$0x3FFB];
	_ =	sdelay $0x3  }
0x92: {  	_ =	strace s18  }
0x93: {  	s3 =	sld [smem:$0x3FFC];
	_ =	sdelay $0x3  }
0x94: {  	_ =	strace s3  }
0x95: {  	s3 =	sld [smem:$0x3FFD];
	_ =	sdelay $0x3  }
0x96: {  	_ =	strace s3  }
0x97: {  	_ =	strace $0x8FFFFFFF  }
0x98: {  	s19 =	sld [smem:$0x3FDB];
	_ =	sdelay $0x1  }
0x99: {  	s4 =	simm.s32 $_scs_section_size  }
0x9a: {  	s5 =	simm.s32 $_size__tile_overlayer_lowered;
	s6 =	simm.s32 $_tile_overlayer_lowered  }
0x9b: {  	s22 =	simm.s32 $0x1BFF;
	s21 =	sshll.u32 s6, $0x1;
	s3 =	sadd.s32 s4, s19  }
0x9c: {  	s7 =	simm.s32 $0x0;
	s20 =	sshll.u32 s5, $0x1;
	s5 =	sadd.s32 s21, s3  }
0x9d: {  	[timem:s7], [sflag:s22] =	dma.local [hbm:s5], s20  }
0x9e: {  	_ =	swait.ge [sflag:s22], s20  }
0x9f: {  	s4 =	ssub.s32 $0x0, s20;
	[sflag:s22] =	ssyncset.done $0x0  }
0xa0: {  	[sflag:s22] =	ssyncadd.s32 s4;
	_ =	sdelay $0x1  }
0xa1: {  	s23 =	simm.s32 $0x1B8B  }
0xa2: {  	_ =	swait.ge [sflag:s23], $0x1  }
0xa3: {  	[sflag:s23] =	ssyncset.done $0x0  }
0xa4: {  	s25 =	simm.s32 $0x1B8E;
	s24 =	sld [smem:$0x3FFE];
	[sflag:s23] =	ssyncadd.s32 $0xFFFFFFFF  }
0xa5: {  	s26 =	simm.s32 $execute0_lowered;
	[smem:$0x3FD2] =	sst s25  }
0xa6: {  	s5 =	sshll.u32 s26, $0x1;
	_ =	strace $0x80000046;
	[dreg:$0x1] =	wrdreg $0xFFFFFFFF  }
0xa7: {  	s28 =	simm.s32 $_size_execute0_lowered;
	s3 =	sadd.s32 s3, s5;
	[dreg:$0x0] =	wrdreg $0x0  }
0xa8: {  	s5 =	sshll.u32 s28, $0x1;
	[dreg:$0x2] =	wrdreg s3  }
0xa9: {  	[dreg:$0x3] =	wrdreg s5  }
0xaa: {  	[dreg:$0x4] =	wrdreg $0xC0  }
0xab: {  	_ =	task [dreg:s7], $0x5FFFF  }
0xac: {  	[dreg:$0x1] =	wrdreg $0xFFFFFFFF  }
0xad: {  	[dreg:$0x0] =	wrdreg $0x60  }
0xae: {  	[dreg:$0x2] =	wrdreg s2  }
0xaf: {  	[dreg:$0x3] =	wrdreg s24  }
0xb0: {  	[dreg:$0x4] =	wrdreg $0xC0000  }
0xb1: {  	[dreg:$0x5] =	wrdreg $0x9  }
0xb2: {  	_ =	task.clear_ibuf [dreg:s7], $0x6FFFF;
	_ =	strace $0x90000046  }
0xb3: {  	s29 =	simm.s32 $0x9;
	_ =	strace $0x80000048  }
0xb4: {  	_ =	swait.ge [sflag:s29], $0x1  }
0xb5: {  	[sflag:s29] =	ssyncadd.s32 $0xFFFFFFFF  }
0xb6: {  	_ =	strace $0x90000048  }
0xb7: {  	_ =	sfence  }
0xb8: {  	s30 =	sld [smem:$0x0];
	_ =	sdelay $0x2  }
0xb9: {  	s31 =	sshll.u32 s1, $0xD;
	s1 =	sshrl.u32 s1, $0x2  }
0xba: {  	s3 =	sand.u32 $0x4000, s31;
	s1 =	sadd.s32 s1, s30  }
0xbb: {  	s0 =	sor.u32 s3, s0;
	s1 =	sshll.u32 s1, $0x11  }
0xbc: {  	s0 =	sor.u32 s1, s0  }
0xbd: {  	s0 =	sadd.s32 $0x8F2B, s0  }
0xbe: {  	[sflag:s0] =	ssyncadd.remote.s32 $0x1  }
0xbf: {  	_ =	sfence.sel $0xFFFF  }
0xc0: {  	[dreg:$0x0] =	wrdreg $0xFFFFFFFF;
	(pc) =	sbr.abs _section_cstart, $3  }
0xc1: {  	[dreg:$0x1] =	wrdreg $0xFFFFFFFF  }
0xc2: {  	_ =	task.clear_ibuf [dreg:s7], $0x2FFFF;
	_ =	strace $0x9FFFFFFF  }
0xc3: {  	(tm) =	ssettm $0x7FFFFFFF  }
tec
execute0_lowered:
.L_overlay_start_1:
0x0: {  	(tag) =	ssettag $0x1  }
0x1: {  	s2 =	rddreg [dreg:$0x0]  }
0x2: {  	s0 =	rddreg [dreg:$0x1]  }
0x3: {  	s3 =	rddreg [dreg:$0x2];
	s12 =	stileid.u32  }
0x4: {  	s1 =	srdreg.scid;
	s5 =	simm.s32 $0x0;
	s20 =	simm.s32 $0x3  }
0x5: {  	s4 =	smul.u32 $0x13C00, s12;
	s1 =	sand.u32 $0x1, s1;
	[smem:$0x7FF] =	sst s5  }
0x6: {  	s7 =	sadd.s32 $0x3600, s0;
	s9 =	sadd.s32 $0xD600, s0;
	s8 =	smul.u32 $0x4F000, s12  }
0x7: {  	s10 =	sshll.u32 s12, $0xB;
	s11 =	sshll.u32 s12, $0x9;
	s5 =	simm.s32 $0x20  }
0x8: {  	s24 =	sshll.u32 s12, $0x6;
	s21 =	smul.u32 $0x13C000, s1;
	_ =	strace $0x80000047  }
0x9: {  	s22 =	ssub.s32 $0x2, s1;
	p0 =	seq.s32 s1, $0x0;
	s25 =	sor.u32 $0x8000, s11  }
0xa: {  	s28 =	sadd.s32 s7, s10;
	s29 =	sadd.s32 s9, s10;
	s30 =	sor.u32 $0x8100, s11  }
0xb: {  	s31 =	sor.u32 $0x400, s10;
	s6 =	sshrl.u32 s4, $0x3;
	s23 =	sshrl.u32 s22, $0x1  }
0xc: {  	s8 =	sshrl.u32 s8, $0x2;
	s5 =	simm.s32 @!p0 $0x8;
	[dreg:$0x8] =	wrdreg s28  }
0xd: {  	s26 =	sadd.s32 s7, s25;
	[dreg:$0x9] =	wrdreg s29;
	s11 =	sadd.s32 s7, s30  }
0xe: {  	s7 =	sadd.s32 s7, s31;
	s17 =	sadd.s32 s9, s31;
	p0 =	sne.s32 s1, $0x0  }
0xf: {  	s6 =	sadd.s32 s6, s0;
	s4 =	sadd.s32 s4, s21;
	[dreg:$0x6] =	wrdreg s26  }
0x10: {  	s8 =	sadd.s32 s8, s3;
	s13 =	sadd.s32 $0xFFFFFFFF, s5;
	[dreg:$0xa] =	wrdreg s11  }
0x11: {  	[dreg:$0xc] =	wrdreg s7;
	s21 =	simm.s32 $0x80;
	s26 =	simm.s32 $0x0  }
0x12: {  	s4 =	sshrl.u32 s4, $0x3;
	[dreg:$0x4] =	wrdreg s8;
	s6 =	sadd.s32 $0x17600, s6  }
0x13: {  	s8 =	sor.u32 $0x1C03, s24;
	s24 =	simm.s32 $0x8000;
	s0 =	sadd.s32 s4, s0  }
0x14: {  	s4 =	ssub.s32 s22, s23;
	[dreg:$0x5] =	wrdreg s6;
	s6 =	sadd.s32 s9, s25  }
0x15: {  	s22 =	simm.s32 $0x4000;
	s23 =	simm.s32 $0x1;
	s25 =	simm.s32 $0x2  }
0x16: {  	[dreg:$0x7] =	wrdreg s6;
	s6 =	sadd.s32 s9, s30;
	s18 =	sadd.s32 $0x3EE00, s0  }
0x17: {  	s19 =	smax.u32 s4, $0x1;
	s9 =	simm.s32 $0x2000;
	[dreg:$0xb] =	wrdreg s6  }
.LBB2_1:
0x18: {  	s0 =	rddreg [dreg:$0x4]  }
0x19: {  	s15 =	rddreg [dreg:$0x5];
	s28 =	sshrl.u32 s0, $0x3  }
0x1a: {  	[spmem:s28], [sflag:s8] =	dma.local [hbm:s15], $0x2780  }
0x1b: {  	_ =	swait.ge [sflag:s20], $0x2780  }
0x1c: {  	[sflag:s20] =	ssyncset.done $0x0  }
0x1d: {  	[sflag:s20] =	ssyncadd.s32 $0xFFFFD880  }
0x1e: {  	[bflag:$0x0] =	sbarrier.arrive $0xFFFF  }
0x1f: {  	s31 =	simm.s32 @p0 $0x0;
	s30 =	simm.s32 @p0 $0x3;
	s0 =	rddreg [dreg:$0x6]  }
0x20: {  	[tilespmem:s31], [sflag:$0x3] =	stream.linear.gather @p0 [hbm4b:s0+s31], $0x800, $0x38;
	[tilespmem:$0x1FC00] =	vst v63  }
0x21: {  	_ =	swait.ge @p0 [sflag:s30], $0x800  }
0x22: {  	[sflag:s30] =	ssyncset.done @p0 $0x0  }
0x23: {  	s4 =	simm.s32 @p0 $0x2000;
	s0 =	rddreg [dreg:$0x7];
	[sflag:s30] =	ssyncadd.s32 @p0 $0xFFFFF800  }
0x24: {  	[tilespmem:s4], [sflag:$0x3] =	stream.linear.gather @p0 [hbm4b:s0+s31], $0x800, $0x38;
	[tilespmem:$0x1FC00] =	vst v63  }
0x25: {  	_ =	swait.ge @p0 [sflag:s30], $0x800  }
0x26: {  	[sflag:s30] =	ssyncset.done @p0 $0x0  }
0x27: {  	s1 =	simm.s32 @!p0 $0x0;
	s0 =	rddreg [dreg:$0x8];
	[sflag:s30] =	ssyncadd.s32 @p0 $0xFFFFF800  }
0x28: {  	[tilespmem:s1], [sflag:$0x3] =	stream.linear.gather @!p0 [hbm4b:s0+s1], $0x2000, $0x38;
	[tilespmem:$0x1FC00] =	vst v63  }
0x29: {  	s0 =	simm.s32 @!p0 $0x3  }
0x2a: {  	_ =	swait.ge @!p0 [sflag:s0], $0x2000  }
0x2b: {  	[sflag:s0] =	ssyncset.done @!p0 $0x0  }
0x2c: {  	s6 =	simm.s32 @!p0 $0x2000;
	s7 =	rddreg [dreg:$0x9];
	[sflag:s0] =	ssyncadd.s32 @!p0 $0xFFFFE000  }
0x2d: {  	[tilespmem:s6], [sflag:$0x3] =	stream.linear.gather @!p0 [hbm4b:s7+s1], $0x2000, $0x38;
	[tilespmem:$0x1FC00] =	vst v63  }
0x2e: {  	_ =	swait.ge @!p0 [sflag:s0], $0x2000  }
0x2f: {  	[sflag:s0] =	ssyncset.done @!p0 $0x0  }
0x30: {  	s16 =	simm.s32 $0x0;
	[sflag:s0] =	ssyncadd.s32 @!p0 $0xFFFFE000  }
0x31: {  	[tilespmem:s22], [sflag:$0x1] =	stream.indirect.gather [hbm4b:s2+s21], $0x80, s16, s21, $0xb8;
	[tilespmem:$0x1FC00] =	vst v63  }
0x32: {  	_ =	swait.ge [sflag:s23], $0x4000  }
0x33: {  	[sflag:s23] =	ssyncset.done $0x0  }
0x34: {  	s7 =	simm.s32 $0x80;
	[sflag:s23] =	ssyncadd.s32 $0xFFFFC000  }
0x35: {  	[tilespmem:s24], [sflag:$0x2] =	stream.indirect.gather [hbm4b:s2+s21], $0x80, s7, s21, $0xb8;
	[tilespmem:$0x1FC00] =	vst v63  }
0x36: {  	_ = 	snop  }
0x37: {  	[spmem:s3] =	stream.indirect.scatter.add.f32 [tilespmem:s22], [sflag:$0x3], $0x80, s9, s21, $0xb8;
	[tilespmem:$0x1FC00] =	vst v63  }
0x38: {  	_ =	swait.ge [sflag:s20], $0x4000  }
0x39: {  	[sflag:s20] =	ssyncset.done $0x0  }
0x3a: {  	[sflag:s20] =	ssyncadd.s32 $0xFFFFC000  }
0x3b: {  	_ =	swait.ge [sflag:s25], $0x4000  }
0x3c: {  	s29 =	simm.s32 $0x100;
	p1 =	sle.s32 s13, $0x0;
	[sflag:s25] =	ssyncset.done $0x0  }
0x3d: {  	s10 =	simm.s32 @!p1 $0x80;
	s11 =	simm.s32 @!p1 $0x4000;
	[sflag:s25] =	ssyncadd.s32 $0xFFFFC000  }
0x3e: {  	[tilespmem:s11], [sflag:$0x1] =	stream.indirect.gather @!p1 [hbm4b:s2+s10], $0x80, s29, s10, $0xb8;
	[tilespmem:$0x1FC00] =	vst v63  }
0x3f: {  	p1 =	sne.s32 s5, $0x1  }
.Ltmp0:
0x40: {  	_ = 	snop;
	(pc) =	sbr.rel @!p1 .LBB2_3-.Ltmp0, $4  }
0x41: {  	s10 =	simm.s32 $0x2080  }
0x42: {  	[spmem:s3] =	stream.indirect.scatter.add.f32 [tilespmem:s24], [sflag:$0x3], $0x80, s10, s21, $0xb8;
	[tilespmem:$0x1FC00] =	vst v63  }
0x43: {  	s12 =	simm.s32 $0x2100;
	_ =	swait.ge [sflag:s20], $0x4000  }
0x44: {  	s14 =	simm.s32 $0x100;
	s11 =	simm.s32 $0x1;
	[sflag:s20] =	ssyncset.done $0x0  }
.LBB2_2:
0x45: {  	[sflag:s20] =	ssyncadd.s32 $0xFFFFC000  }
0x46: {  	s14 =	sadd.s32 $0x100, s14;
	s15 =	smov.u32 s11;
	s11 =	sadd.s32 $0x1, s11  }
0x47: {  	p1 =	sne.s32 s5, s11  }
0x48: {  	_ =	swait.ge [sflag:s23], $0x4000  }
0x49: {  	[sflag:s23] =	ssyncset.done $0x0  }
0x4a: {  	s16 =	sadd.s32 $0xFFFFFF80, s14;
	[sflag:s23] =	ssyncadd.s32 $0xFFFFC000  }
0x4b: {  	[tilespmem:s24], [sflag:$0x2] =	stream.indirect.gather [hbm4b:s2+s21], $0x80, s16, s21, $0xb8;
	[tilespmem:$0x1FC00] =	vst v63  }
0x4c: {  	_ = 	snop  }
0x4d: {  	[spmem:s3] =	stream.indirect.scatter.add.f32 [tilespmem:s22], [sflag:$0x3], $0x80, s12, s21, $0xb8;
	[tilespmem:$0x1FC00] =	vst v63  }
0x4e: {  	_ =	swait.ge [sflag:s20], $0x4000  }
0x4f: {  	[sflag:s20] =	ssyncset.done $0x0  }
0x50: {  	[sflag:s20] =	ssyncadd.s32 $0xFFFFC000  }
0x51: {  	_ =	swait.ge [sflag:s25], $0x4000  }
0x52: {  	p2 =	sge.s32 s15, s13;
	[sflag:s25] =	ssyncset.done $0x0  }
0x53: {  	s15 =	simm.s32 @!p2 $0x80;
	s16 =	simm.s32 @!p2 $0x4000;
	[sflag:s25] =	ssyncadd.s32 $0xFFFFC000  }
0x54: {  	[tilespmem:s16], [sflag:$0x1] =	stream.indirect.gather @!p2 [hbm4b:s2+s15], $0x80, s14, s15, $0xb8;
	[tilespmem:$0x1FC00] =	vst v63  }
.Ltmp1:
0x55: {  	_ = 	snop;
	(pc) =	sbr.rel @p1 .LBB2_2-.Ltmp1, $4  }
0x56: {  	s15 =	sadd.s32 $0x80, s12  }
0x57: {  	[spmem:s3] =	stream.indirect.scatter.add.f32 [tilespmem:s24], [sflag:$0x3], $0x80, s15, s21, $0xb8;
	[tilespmem:$0x1FC00] =	vst v63  }
0x58: {  	_ =	swait.ge [sflag:s20], $0x4000  }
0x59: {  	s12 =	sadd.s32 $0x100, s12;
	[sflag:s20] =	ssyncset.done $0x0  }
.LBB2_3:
0x5a: {  	[sflag:s20] =	ssyncadd.s32 $0xFFFFC000;
	s11 =	rddreg [dreg:$0xa]  }
0x5b: {  	[tilespmem:s31], [sflag:$0x3] =	stream.linear.gather @p0 [hbm4b:s11+s31], $0x800, $0x38;
	[tilespmem:$0x1FC00] =	vst v63  }
0x5c: {  	_ =	swait.ge @p0 [sflag:s30], $0x800  }
0x5d: {  	[sflag:s30] =	ssyncset.done @p0 $0x0  }
0x5e: {  	s11 =	rddreg [dreg:$0xb];
	[sflag:s30] =	ssyncadd.s32 @p0 $0xFFFFF800  }
0x5f: {  	[tilespmem:s4], [sflag:$0x3] =	stream.linear.gather @p0 [hbm4b:s11+s31], $0x800, $0x38;
	[tilespmem:$0x1FC00] =	vst v63  }
0x60: {  	_ =	swait.ge @p0 [sflag:s30], $0x800  }
0x61: {  	[sflag:s30] =	ssyncset.done @p0 $0x0  }
0x62: {  	s4 =	rddreg [dreg:$0xc];
	[sflag:s30] =	ssyncadd.s32 @p0 $0xFFFFF800  }
0x63: {  	[tilespmem:s1], [sflag:$0x3] =	stream.linear.gather @!p0 [hbm4b:s4+s1], $0x2000, $0x38;
	[tilespmem:$0x1FC00] =	vst v63  }
0x64: {  	_ =	swait.ge @!p0 [sflag:s0], $0x2000  }
0x65: {  	[sflag:s0] =	ssyncset.done @!p0 $0x0  }
0x66: {  	[sflag:s0] =	ssyncadd.s32 @!p0 $0xFFFFE000  }
0x67: {  	[tilespmem:s6], [sflag:$0x3] =	stream.linear.gather @!p0 [hbm4b:s17+s1], $0x2000, $0x38;
	[tilespmem:$0x1FC00] =	vst v63  }
0x68: {  	_ =	swait.ge @!p0 [sflag:s0], $0x2000  }
0x69: {  	[sflag:s0] =	ssyncset.done @!p0 $0x0  }
0x6a: {  	s31 =	simm.s32 $0x0;
	[sflag:s0] =	ssyncadd.s32 @!p0 $0xFFFFE000  }
0x6b: {  	[tilespmem:s22], [sflag:$0x1] =	stream.indirect.gather [hbm4b:s2+s21], $0x80, s31, s21, $0xb8;
	[tilespmem:$0x1FC00] =	vst v63  }
0x6c: {  	_ =	swait.ge [sflag:s23], $0x4000  }
0x6d: {  	[sflag:s23] =	ssyncset.done $0x0  }
0x6e: {  	[sflag:s23] =	ssyncadd.s32 $0xFFFFC000  }
0x6f: {  	[tilespmem:s24], [sflag:$0x2] =	stream.indirect.gather [hbm4b:s2+s21], $0x80, s7, s21, $0xb8;
	[tilespmem:$0x1FC00] =	vst v63  }
0x70: {  	_ = 	snop  }
0x71: {  	[spmem:s3] =	stream.indirect.scatter.add.f32 [tilespmem:s22], [sflag:$0x3], $0x80, s9, s21, $0xb8;
	[tilespmem:$0x1FC00] =	vst v63  }
0x72: {  	_ =	swait.ge [sflag:s20], $0x4000  }
0x73: {  	[sflag:s20] =	ssyncset.done $0x0  }
0x74: {  	[sflag:s20] =	ssyncadd.s32 $0xFFFFC000  }
0x75: {  	_ =	swait.ge [sflag:s25], $0x4000  }
0x76: {  	p1 =	sle.s32 s13, $0x0;
	[sflag:s25] =	ssyncset.done $0x0  }
0x77: {  	s1 =	simm.s32 @!p1 $0x4000;
	s0 =	simm.s32 @!p1 $0x80;
	[sflag:s25] =	ssyncadd.s32 $0xFFFFC000  }
0x78: {  	[tilespmem:s1], [sflag:$0x1] =	stream.indirect.gather @!p1 [hbm4b:s2+s0], $0x80, s29, s0, $0xb8;
	[tilespmem:$0x1FC00] =	vst v63  }
0x79: {  	p1 =	sne.s32 s5, $0x1  }
.Ltmp2:
0x7a: {  	_ = 	snop;
	(pc) =	sbr.rel @!p1 .LBB2_5-.Ltmp2, $4  }
0x7b: {  	_ = 	snop  }
0x7c: {  	[spmem:s3] =	stream.indirect.scatter.add.f32 [tilespmem:s24], [sflag:$0x3], $0x80, s10, s21, $0xb8;
	[tilespmem:$0x1FC00] =	vst v63  }
0x7d: {  	_ =	swait.ge [sflag:s20], $0x4000  }
0x7e: {  	s0 =	simm.s32 $0x1;
	s1 =	simm.s32 $0x2100;
	[sflag:s20] =	ssyncset.done $0x0  }
.LBB2_4:
0x7f: {  	[sflag:s20] =	ssyncadd.s32 $0xFFFFC000  }
0x80: {  	s29 =	sadd.s32 $0x100, s29;
	s4 =	smov.u32 s0;
	s0 =	sadd.s32 $0x1, s0  }
0x81: {  	p1 =	sne.s32 s5, s0  }
0x82: {  	_ =	swait.ge [sflag:s23], $0x4000  }
0x83: {  	[sflag:s23] =	ssyncset.done $0x0  }
0x84: {  	s6 =	sadd.s32 $0xFFFFFF80, s29;
	[sflag:s23] =	ssyncadd.s32 $0xFFFFC000  }
0x85: {  	[tilespmem:s24], [sflag:$0x2] =	stream.indirect.gather [hbm4b:s2+s21], $0x80, s6, s21, $0xb8;
	[tilespmem:$0x1FC00] =	vst v63  }
0x86: {  	_ = 	snop  }
0x87: {  	[spmem:s3] =	stream.indirect.scatter.add.f32 [tilespmem:s22], [sflag:$0x3], $0x80, s1, s21, $0xb8;
	[tilespmem:$0x1FC00] =	vst v63  }
0x88: {  	_ =	swait.ge [sflag:s20], $0x4000  }
0x89: {  	[sflag:s20] =	ssyncset.done $0x0  }
0x8a: {  	[sflag:s20] =	ssyncadd.s32 $0xFFFFC000  }
0x8b: {  	_ =	swait.ge [sflag:s25], $0x4000  }
0x8c: {  	p2 =	sge.s32 s4, s13;
	[sflag:s25] =	ssyncset.done $0x0  }
0x8d: {  	s4 =	simm.s32 @!p2 $0x80;
	s6 =	simm.s32 @!p2 $0x4000;
	[sflag:s25] =	ssyncadd.s32 $0xFFFFC000  }
0x8e: {  	[tilespmem:s6], [sflag:$0x1] =	stream.indirect.gather @!p2 [hbm4b:s2+s4], $0x80, s29, s4, $0xb8;
	[tilespmem:$0x1FC00] =	vst v63  }
.Ltmp3:
0x8f: {  	_ = 	snop;
	(pc) =	sbr.rel @p1 .LBB2_4-.Ltmp3, $4  }
0x90: {  	s4 =	sadd.s32 $0x80, s1  }
0x91: {  	[spmem:s3] =	stream.indirect.scatter.add.f32 [tilespmem:s24], [sflag:$0x3], $0x80, s4, s21, $0xb8;
	[tilespmem:$0x1FC00] =	vst v63  }
0x92: {  	_ =	swait.ge [sflag:s20], $0x4000  }
0x93: {  	s1 =	sadd.s32 $0x100, s1;
	[sflag:s20] =	ssyncset.done $0x0  }
.LBB2_5:
0x94: {  	s26 =	sadd.s32 $0x1, s26  }
0x95: {  	[sflag:s20] =	ssyncadd.s32 $0xFFFFC000;
	p1 =	sne.s32 s26, s19  }
.Ltmp4:
0x96: {  	[bflag:$0x0] =	sbarrier.arrive $0xFFFF;
	(pc) =	sbr.rel @p1 .LBB2_1-.Ltmp4, $4  }
0x97: {  	[hbm:s18], [sflag:s8] =	dma.local [spmem:s28], $0x2780  }
0x98: {  	_ =	swait.ge [sflag:s20], $0x2780  }
0x99: {  	[sflag:s20] =	ssyncset.done $0x0  }
0x9a: {  	[sflag:s20] =	ssyncadd.s32 $0xFFFFD880  }
0x9b: {  	_ =	sfence.sel $0x180000  }
0x9c: {  	[bflag:$0x0] =	sbarrier.arrive $0xFFFF  }
0x9d: {  	_ =	strace $0x90000047  }
0x9e: {  	s0 =	stileid.u32;
	[bflag:$0x2] =	sbarrier.arrive $0xFFFF  }
0x9f: {  	p0 =	sne.s32 s0, $0x0;
	s0 =	rddreg [dreg:$0x3]  }
0xa0: {  	s0 =	sadd.s32 @!p0 $0x100000, s0  }
0xa1: {  	[sflag:s0] =	ssyncadd.tile.s32 @!p0 $0x1;
	_ =	shalt  }
.Lfunc_end2:
_tile_overlayer_lowered:
.L_overlay_start_2:
0xa2: {  	(tag) =	ssettag $0x2  }
0xa3: {  	s0 =	rddreg [dreg:$0x0];
	s2 =	stileid.u32  }
0xa4: {  	s1 =	rddreg [dreg:$0x1];
	p0 =	sne.s32 s2, $0x0  }
0xa5: {  	s3 =	rddreg [dreg:$0x2];
	[bflag:$0x3] =	sbarrier.arrive $0xFFFF;
	s2 =	simm.s32 @!p0 $0x1C03  }
0xa6: {  	[timem:s3], [sflag:s2] =	dma.local @!p0 [hbm:s0], s1  }
0xa7: {  	s0 =	simm.s32 @!p0 $0x3  }
0xa8: {  	_ =	swait.ge @!p0 [sflag:s0], s1  }
0xa9: {  	s1 =	ssub.s32 @!p0 $0x0, s1;
	[sflag:s0] =	ssyncset.done @!p0 $0x0  }
0xaa: {  	[sflag:s0] =	ssyncadd.s32 @!p0 s1  }
0xab: {  	[bflag:$0x3] =	sbarrier.arrive $0xFFFF  }
0xac: {  	_ =	shalt  }

// kernel: kernel.9.cloned.1.call-start
scs
__scs_entry_jumppad:
0x0: {  	(pc) =	sbr.rel $0x88, $3  }
0x1: {  	(tag) =	ssettag $0x0;
	lr =	simm.s32 $0x1  }
0x2: {  	[smem:$0x3F8B] =	sst lr;
	_ =	strace $0xD0000000  }
0x3: {  	_ = 	snop  }
0x4: {  	_ = 	snop  }
0x5: {  	_ = 	snop  }
0x6: {  	_ = 	snop  }
0x7: {  	_ = 	snop  }
__scs_overlays_trampoline_lowered:
0x8: {  	[smem:$0x3F9A] =	sst s0  }
0x9: {  	[smem:$0x3F9B] =	sst s1  }
0xa: {  	[smem:$0x3F9C] =	sst s2  }
0xb: {  	[smem:$0x3F9D] =	sst s3  }
0xc: {  	[smem:$0x3F9E] =	sst s4  }
0xd: {  	[smem:$0x3F9F] =	sst s5  }
0xe: {  	[smem:$0x3FA0] =	sst s6  }
0xf: {  	[smem:$0x3FA1] =	sst s7  }
0x10: {  	[smem:$0x3FA2] =	sst s8  }
0x11: {  	[smem:$0x3FA3] =	sst s9;
	s0 =	simm.s32 @!p0 $0x0  }
0x12: {  	s1 =	sld [smem:$0x3F89];
	s0 =	simm.s32 @p0 $0x1  }
0x13: {  	[smem:$0x3FA4] =	sst s0;
	s0 =	simm.s32 @!p1 $0x0  }
0x14: {  	s2 =	sld [smem:$0x3F88];
	s0 =	simm.s32 @p1 $0x1  }
0x15: {  	[smem:$0x3FA5] =	sst s0;
	s0 =	simm.s32 @!p2 $0x0  }
0x16: {  	s3 =	sld [smem:$0x3FDB];
	s0 =	simm.s32 @p2 $0x1  }
0x17: {  	s4 =	simm.s32 $0x1BF5;
	[smem:$0x3FA7] =	sst s0  }
0x18: {  	s0 =	sld [smem:$0x3F8A];
	_ =	swait.ge [sflag:s4], $0x0  }
0x19: {  	s7 =	sld [smem:$0x3F8B]  }
0x1a: {  	s8 =	sadd.s32 $0xFFFFE003, lr  }
0x1b: {  	s9 =	sadd.s32 $0xFFFFFEF7, lr;
	s5 =	simm.s32 $0xFFFFFFFF;
	p2 =	slt.u32 s8, $0xFFFFF086  }
0x1c: {  	p1 =	slt.u32 s9, $0xF7A;
	s5 =	simm.s32 @!p2 $0x0  }
0x1d: {  	s5 =	simm.s32 @p1 $0x1;
	p0 =	seq.s32 s7, s2  }
0x1e: {  	s7 =	smul.u32 @!p0 $0xF7A, s2;
	p2 =	seq.s32 @!p0 s5, $0x0  }
0x1f: {  	s9 =	smul.u32 $0xF7A, s1;
	s8 =	simm.s32 @!p0 $0x1BF5;
	p2 =	por !p2, p0  }
0x20: {  	[sflag:s8] =	ssyncset.s32 @!p0 $0xFFFFF086;
	s6 =	sadd.s32 @!p0 s3, s7;
	s7 =	simm.s32 @!p0 $0x108  }
0x21: {  	s3 =	sadd.s32 s3, s9;
	s6 =	sadd.s32 @!p0 $0x88, s6;
	s7 =	simm.s32 @p2 $0x1082  }
0x22: {  	[simem:s7], [sflag:s8] =	dma.local @!p0 [hbm:s6], $0xF7A  }
0x23: {  	s9 =	sor.u32 $0xD0000000, s2;
	s6 =	simm.s32 $0x108;
	_ =	swait.ge @!p0 [sflag:s8], $0x0  }
0x24: {  	s3 =	sadd.s32 $0x88, s3;
	s6 =	simm.s32 @!p1 $0x1082;
	[sflag:s4] =	ssyncset.s32 $0xFFFFF086  }
0x25: {  	[simem:s6], [sflag:s4] =	dma.local [hbm:s3], $0xF7A  }
0x26: {  	[smem:$0x3F8B] =	sst s1;
	(tag) =	ssettag s2;
	_ =	strace s9  }
0x27: {  	s1 =	sld [smem:$0x3F9B]  }
0x28: {  	s2 =	sld [smem:$0x3F9C]  }
0x29: {  	s4 =	sld [smem:$0x3F9E]  }
0x2a: {  	p0 =	seq.s32 s5, $0x0;
	s5 =	sld [smem:$0x3F9F]  }
0x2b: {  	s6 =	sld [smem:$0x3FA0]  }
0x2c: {  	s7 =	sld [smem:$0x3FA1]  }
0x2d: {  	s3 =	simm.s32 $0x108;
	s8 =	sld [smem:$0x3FA2]  }
0x2e: {  	s3 =	simm.s32 @!p0 $0x1082;
	s9 =	sld [smem:$0x3FA3]  }
0x2f: {  	lr =	sadd.s32 s0, s3;
	s0 =	sld [smem:$0x3F9A]  }
0x30: {  	s3 =	sld [smem:$0x3F9D]  }
0x31: {  	[smem:$0x3FA6] =	sst s10  }
0x32: {  	s10 =	sld [smem:$0x3FA4];
	_ =	sdelay $0x3  }
0x33: {  	p0 =	seq.s32 s10, $0x1;
	s10 =	sld [smem:$0x3FA6];
	_ =	sdelay $0x3  }
0x34: {  	[smem:$0x3FA6] =	sst s10  }
0x35: {  	s10 =	sld [smem:$0x3FA5];
	_ =	sdelay $0x3  }
0x36: {  	p1 =	seq.s32 s10, $0x1;
	s10 =	sld [smem:$0x3FA6];
	_ =	sdelay $0x3  }
0x37: {  	[smem:$0x3FA6] =	sst s10  }
0x38: {  	s10 =	sld [smem:$0x3FA7]  }
0x39: {  	_ = 	snop;
	(pc) =	sbr.ind lr, $3  }
0x3a: {  	_ = 	snop  }
0x3b: {  	_ = 	snop  }
0x3c: {  	p2 =	seq.s32 s10, $0x1;
	s10 =	sld [smem:$0x3FA6]  }
0x3d: {  	_ =	shalt  }
0x3e: {  	_ =	shalt  }
0x3f: {  	_ =	shalt  }
0x40: {  	_ =	shalt  }
0x41: {  	_ =	shalt  }
0x42: {  	_ =	shalt  }
0x43: {  	_ =	shalt  }
0x44: {  	_ =	shalt  }
0x45: {  	_ =	shalt  }
0x46: {  	_ =	shalt  }
0x47: {  	_ =	shalt  }
0x48: {  	_ =	shalt  }
0x49: {  	_ =	shalt  }
0x4a: {  	_ =	shalt  }
0x4b: {  	_ =	shalt  }
0x4c: {  	_ =	shalt  }
0x4d: {  	_ =	shalt  }
0x4e: {  	_ =	shalt  }
0x4f: {  	_ =	shalt  }
0x50: {  	_ =	shalt  }
0x51: {  	_ =	shalt  }
0x52: {  	_ =	shalt  }
0x53: {  	_ =	shalt  }
0x54: {  	_ =	shalt  }
0x55: {  	_ =	shalt  }
0x56: {  	_ =	shalt  }
0x57: {  	_ =	shalt  }
0x58: {  	_ =	shalt  }
0x59: {  	_ =	shalt  }
0x5a: {  	_ =	shalt  }
0x5b: {  	_ =	shalt  }
0x5c: {  	_ =	shalt  }
0x5d: {  	_ =	shalt  }
0x5e: {  	_ =	shalt  }
0x5f: {  	_ =	shalt  }
0x60: {  	_ =	shalt  }
0x61: {  	_ =	shalt  }
0x62: {  	_ =	shalt  }
0x63: {  	_ =	shalt  }
0x64: {  	_ =	shalt  }
0x65: {  	_ =	shalt  }
0x66: {  	_ =	shalt  }
0x67: {  	_ =	shalt  }
0x68: {  	_ =	shalt  }
0x69: {  	_ =	shalt  }
0x6a: {  	_ =	shalt  }
0x6b: {  	_ =	shalt  }
0x6c: {  	_ =	shalt  }
0x6d: {  	_ =	shalt  }
0x6e: {  	_ =	shalt  }
0x6f: {  	_ =	shalt  }
0x70: {  	_ =	shalt  }
0x71: {  	_ =	shalt  }
0x72: {  	_ =	shalt  }
0x73: {  	_ =	shalt  }
0x74: {  	_ =	shalt  }
0x75: {  	_ =	shalt  }
0x76: {  	_ =	shalt  }
0x77: {  	_ =	shalt  }
0x78: {  	_ =	shalt  }
0x79: {  	_ =	shalt  }
0x7a: {  	_ =	shalt  }
0x7b: {  	_ =	shalt  }
0x7c: {  	_ =	shalt  }
0x7d: {  	_ =	shalt  }
0x7e: {  	_ =	shalt  }
0x7f: {  	_ =	shalt  }
0x80: {  	_ =	shalt  }
0x81: {  	_ =	shalt  }
0x82: {  	_ =	shalt  }
0x83: {  	_ =	shalt  }
0x84: {  	_ =	shalt  }
0x85: {  	_ =	shalt  }
0x86: {  	_ =	shalt  }
0x87: {  	_ =	shalt  }
.Lfunc_end0:
.L_simem_size_0:
called_computation.1_lowered:
.L_overlay_start_0:
0x88: {  	s2 =	sld [smem:$0x3FD9]  }
0x89: {  	s3 =	sld [smem:$0x3FFE];
	_ =	sdelay $0x1  }
0x8a: {  	s1 =	srdreg.scid  }
0x8b: {  	s0 =	sand.u32 $0x1, s1  }
0x8c: {  	s17 =	sshll.u32 s0, $0xA;
	s2 =	sadd.s32 s3, s2  }
0x8d: {  	s2 =	sadd.s32 s2, s17  }
0x8e: {  	[smem:$0x3FB2] =	sst s2  }
0x8f: {  	_ = 	snop  }
0x90: {  	s2 =	sld [smem:$0x3FD0];
	(tm) =	ssettm $0x1  }
0x91: {  	s18 =	sld [smem:$0x3FFB];
	_ =	sdelay $0x3  }
0x92: {  	_ =	strace s18  }
0x93: {  	s3 =	sld [smem:$0x3FFC];
	_ =	sdelay $0x3  }
0x94: {  	_ =	strace s3  }
0x95: {  	s3 =	sld [smem:$0x3FFD];
	_ =	sdelay $0x3  }
0x96: {  	_ =	strace s3  }
0x97: {  	_ =	strace $0x8FFFFFFF  }
0x98: {  	s19 =	sld [smem:$0x3FDB];
	_ =	sdelay $0x1  }
0x99: {  	s4 =	simm.s32 $_scs_section_size  }
0x9a: {  	s5 =	simm.s32 $_size__tile_overlayer_lowered;
	s6 =	simm.s32 $_tile_overlayer_lowered  }
0x9b: {  	s22 =	simm.s32 $0x1BFF;
	s21 =	sshll.u32 s6, $0x1;
	s3 =	sadd.s32 s4, s19  }
0x9c: {  	s7 =	simm.s32 $0x0;
	s20 =	sshll.u32 s5, $0x1;
	s5 =	sadd.s32 s21, s3  }
0x9d: {  	[timem:s7], [sflag:s22] =	dma.local [hbm:s5], s20  }
0x9e: {  	_ =	swait.ge [sflag:s22], s20  }
0x9f: {  	s4 =	ssub.s32 $0x0, s20;
	[sflag:s22] =	ssyncset.done $0x0  }
0xa0: {  	[sflag:s22] =	ssyncadd.s32 s4;
	_ =	sdelay $0x1  }
0xa1: {  	s23 =	simm.s32 $0x1B8B  }
0xa2: {  	_ =	swait.ge [sflag:s23], $0x1  }
0xa3: {  	[sflag:s23] =	ssyncset.done $0x0  }
0xa4: {  	s25 =	simm.s32 $0x1B8E;
	s24 =	sld [smem:$0x3FFE];
	[sflag:s23] =	ssyncadd.s32 $0xFFFFFFFF  }
0xa5: {  	s26 =	simm.s32 $execute0_lowered;
	[smem:$0x3FD2] =	sst s25  }
0xa6: {  	s5 =	sshll.u32 s26, $0x1;
	_ =	strace $0x80000049;
	[dreg:$0x1] =	wrdreg $0xFFFFFFFF  }
0xa7: {  	s28 =	simm.s32 $_size_execute0_lowered;
	s3 =	sadd.s32 s3, s5;
	[dreg:$0x0] =	wrdreg $0x0  }
0xa8: {  	s5 =	sshll.u32 s28, $0x1;
	[dreg:$0x2] =	wrdreg s3  }
0xa9: {  	[dreg:$0x3] =	wrdreg s5  }
0xaa: {  	[dreg:$0x4] =	wrdreg $0xC0  }
0xab: {  	_ =	task [dreg:s7], $0x5FFFF  }
0xac: {  	[dreg:$0x1] =	wrdreg $0xFFFFFFFF  }
0xad: {  	[dreg:$0x0] =	wrdreg $0x60  }
0xae: {  	[dreg:$0x2] =	wrdreg s2  }
0xaf: {  	[dreg:$0x3] =	wrdreg s24  }
0xb0: {  	[dreg:$0x4] =	wrdreg $0xC0000  }
0xb1: {  	[dreg:$0x5] =	wrdreg $0x9  }
0xb2: {  	_ =	task.clear_ibuf [dreg:s7], $0x6FFFF;
	_ =	strace $0x90000049  }
0xb3: {  	s29 =	simm.s32 $0x9;
	_ =	strace $0x8000004B  }
0xb4: {  	_ =	swait.ge [sflag:s29], $0x1  }
0xb5: {  	[sflag:s29] =	ssyncadd.s32 $0xFFFFFFFF  }
0xb6: {  	_ =	strace $0x9000004B  }
0xb7: {  	_ =	sfence  }
0xb8: {  	s30 =	sld [smem:$0x0];
	_ =	sdelay $0x2  }
0xb9: {  	s31 =	sshll.u32 s1, $0xD;
	s1 =	sshrl.u32 s1, $0x2  }
0xba: {  	s3 =	sand.u32 $0x4000, s31;
	s1 =	sadd.s32 s1, s30  }
0xbb: {  	s0 =	sor.u32 s3, s0;
	s1 =	sshll.u32 s1, $0x11  }
0xbc: {  	s0 =	sor.u32 s1, s0  }
0xbd: {  	s0 =	sadd.s32 $0x8F2B, s0  }
0xbe: {  	[sflag:s0] =	ssyncadd.remote.s32 $0x1  }
0xbf: {  	_ =	sfence.sel $0xFFFF  }
0xc0: {  	[dreg:$0x0] =	wrdreg $0xFFFFFFFF;
	(pc) =	sbr.abs _section_cstart, $3  }
0xc1: {  	[dreg:$0x1] =	wrdreg $0xFFFFFFFF  }
0xc2: {  	_ =	task.clear_ibuf [dreg:s7], $0x2FFFF;
	_ =	strace $0x9FFFFFFF  }
0xc3: {  	(tm) =	ssettm $0x7FFFFFFF  }
tec
execute0_lowered:
.L_overlay_start_1:
0x0: {  	(tag) =	ssettag $0x1  }
0x1: {  	s2 =	rddreg [dreg:$0x0]  }
0x2: {  	s0 =	rddreg [dreg:$0x1]  }
0x3: {  	s3 =	rddreg [dreg:$0x2];
	s12 =	stileid.u32  }
0x4: {  	s1 =	srdreg.scid;
	s5 =	simm.s32 $0x0;
	s20 =	simm.s32 $0x3  }
0x5: {  	s4 =	smul.u32 $0x13C00, s12;
	s1 =	sand.u32 $0x1, s1;
	[smem:$0x7FF] =	sst s5  }
0x6: {  	s7 =	sadd.s32 $0x3600, s0;
	s9 =	sadd.s32 $0xD600, s0;
	s8 =	smul.u32 $0x4F000, s12  }
0x7: {  	s10 =	sshll.u32 s12, $0xB;
	s11 =	sshll.u32 s12, $0x9;
	s5 =	simm.s32 $0x20  }
0x8: {  	s24 =	sshll.u32 s12, $0x6;
	s21 =	smul.u32 $0x13C000, s1;
	_ =	strace $0x8000004A  }
0x9: {  	s22 =	ssub.s32 $0x2, s1;
	p0 =	seq.s32 s1, $0x0;
	s25 =	sor.u32 $0x8000, s11  }
0xa: {  	s28 =	sadd.s32 s7, s10;
	s29 =	sadd.s32 s9, s10;
	s30 =	sor.u32 $0x8100, s11  }
0xb: {  	s31 =	sor.u32 $0x400, s10;
	s6 =	sshrl.u32 s4, $0x3;
	s23 =	sshrl.u32 s22, $0x1  }
0xc: {  	s8 =	sshrl.u32 s8, $0x2;
	s5 =	simm.s32 @!p0 $0x8;
	[dreg:$0x8] =	wrdreg s28  }
0xd: {  	s26 =	sadd.s32 s7, s25;
	[dreg:$0x9] =	wrdreg s29;
	s11 =	sadd.s32 s7, s30  }
0xe: {  	s7 =	sadd.s32 s7, s31;
	s17 =	sadd.s32 s9, s31;
	p0 =	sne.s32 s1, $0x0  }
0xf: {  	s6 =	sadd.s32 s6, s0;
	s4 =	sadd.s32 s4, s21;
	[dreg:$0x6] =	wrdreg s26  }
0x10: {  	s8 =	sadd.s32 s8, s3;
	s13 =	sadd.s32 $0xFFFFFFFF, s5;
	[dreg:$0xa] =	wrdreg s11  }
0x11: {  	[dreg:$0xc] =	wrdreg s7;
	s21 =	simm.s32 $0x80;
	s26 =	simm.s32 $0x0  }
0x12: {  	s4 =	sshrl.u32 s4, $0x3;
	[dreg:$0x4] =	wrdreg s8;
	s6 =	sadd.s32 $0x17600, s6  }
0x13: {  	s8 =	sor.u32 $0x1C03, s24;
	s24 =	simm.s32 $0x8000;
	s0 =	sadd.s32 s4, s0  }
0x14: {  	s4 =	ssub.s32 s22, s23;
	[dreg:$0x5] =	wrdreg s6;
	s6 =	sadd.s32 s9, s25  }
0x15: {  	s22 =	simm.s32 $0x4000;
	s23 =	simm.s32 $0x1;
	s25 =	simm.s32 $0x2  }
0x16: {  	[dreg:$0x7] =	wrdreg s6;
	s6 =	sadd.s32 s9, s30;
	s18 =	sadd.s32 $0x3EE00, s0  }
0x17: {  	s19 =	smax.u32 s4, $0x1;
	s9 =	simm.s32 $0x2000;
	[dreg:$0xb] =	wrdreg s6  }
.LBB2_1:
0x18: {  	s0 =	rddreg [dreg:$0x4]  }
0x19: {  	s15 =	rddreg [dreg:$0x5];
	s28 =	sshrl.u32 s0, $0x3  }
0x1a: {  	[spmem:s28], [sflag:s8] =	dma.local [hbm:s15], $0x2780  }
0x1b: {  	_ =	swait.ge [sflag:s20], $0x2780  }
0x1c: {  	[sflag:s20] =	ssyncset.done $0x0  }
0x1d: {  	[sflag:s20] =	ssyncadd.s32 $0xFFFFD880  }
0x1e: {  	[bflag:$0x0] =	sbarrier.arrive $0xFFFF  }
0x1f: {  	s31 =	simm.s32 @p0 $0x0;
	s30 =	simm.s32 @p0 $0x3;
	s0 =	rddreg [dreg:$0x6]  }
0x20: {  	[tilespmem:s31], [sflag:$0x3] =	stream.linear.gather @p0 [hbm4b:s0+s31], $0x800, $0x38;
	[tilespmem:$0x1FC00] =	vst v63  }
0x21: {  	_ =	swait.ge @p0 [sflag:s30], $0x800  }
0x22: {  	[sflag:s30] =	ssyncset.done @p0 $0x0  }
0x23: {  	s4 =	simm.s32 @p0 $0x2000;
	s0 =	rddreg [dreg:$0x7];
	[sflag:s30] =	ssyncadd.s32 @p0 $0xFFFFF800  }
0x24: {  	[tilespmem:s4], [sflag:$0x3] =	stream.linear.gather @p0 [hbm4b:s0+s31], $0x800, $0x38;
	[tilespmem:$0x1FC00] =	vst v63  }
0x25: {  	_ =	swait.ge @p0 [sflag:s30], $0x800  }
0x26: {  	[sflag:s30] =	ssyncset.done @p0 $0x0  }
0x27: {  	s1 =	simm.s32 @!p0 $0x0;
	s0 =	rddreg [dreg:$0x8];
	[sflag:s30] =	ssyncadd.s32 @p0 $0xFFFFF800  }
0x28: {  	[tilespmem:s1], [sflag:$0x3] =	stream.linear.gather @!p0 [hbm4b:s0+s1], $0x2000, $0x38;
	[tilespmem:$0x1FC00] =	vst v63  }
0x29: {  	s0 =	simm.s32 @!p0 $0x3  }
0x2a: {  	_ =	swait.ge @!p0 [sflag:s0], $0x2000  }
0x2b: {  	[sflag:s0] =	ssyncset.done @!p0 $0x0  }
0x2c: {  	s6 =	simm.s32 @!p0 $0x2000;
	s7 =	rddreg [dreg:$0x9];
	[sflag:s0] =	ssyncadd.s32 @!p0 $0xFFFFE000  }
0x2d: {  	[tilespmem:s6], [sflag:$0x3] =	stream.linear.gather @!p0 [hbm4b:s7+s1], $0x2000, $0x38;
	[tilespmem:$0x1FC00] =	vst v63  }
0x2e: {  	_ =	swait.ge @!p0 [sflag:s0], $0x2000  }
0x2f: {  	[sflag:s0] =	ssyncset.done @!p0 $0x0  }
0x30: {  	s16 =	simm.s32 $0x0;
	[sflag:s0] =	ssyncadd.s32 @!p0 $0xFFFFE000  }
0x31: {  	[tilespmem:s22], [sflag:$0x1] =	stream.indirect.gather [hbm4b:s2+s21], $0x80, s16, s21, $0xb8;
	[tilespmem:$0x1FC00] =	vst v63  }
0x32: {  	_ =	swait.ge [sflag:s23], $0x4000  }
0x33: {  	[sflag:s23] =	ssyncset.done $0x0  }
0x34: {  	s7 =	simm.s32 $0x80;
	[sflag:s23] =	ssyncadd.s32 $0xFFFFC000  }
0x35: {  	[tilespmem:s24], [sflag:$0x2] =	stream.indirect.gather [hbm4b:s2+s21], $0x80, s7, s21, $0xb8;
	[tilespmem:$0x1FC00] =	vst v63  }
0x36: {  	_ = 	snop  }
0x37: {  	[spmem:s3] =	stream.indirect.scatter.add.f32 [tilespmem:s22], [sflag:$0x3], $0x80, s9, s21, $0xb8;
	[tilespmem:$0x1FC00] =	vst v63  }
0x38: {  	_ =	swait.ge [sflag:s20], $0x4000  }
0x39: {  	[sflag:s20] =	ssyncset.done $0x0  }
0x3a: {  	[sflag:s20] =	ssyncadd.s32 $0xFFFFC000  }
0x3b: {  	_ =	swait.ge [sflag:s25], $0x4000  }
0x3c: {  	s29 =	simm.s32 $0x100;
	p1 =	sle.s32 s13, $0x0;
	[sflag:s25] =	ssyncset.done $0x0  }
0x3d: {  	s10 =	simm.s32 @!p1 $0x80;
	s11 =	simm.s32 @!p1 $0x4000;
	[sflag:s25] =	ssyncadd.s32 $0xFFFFC000  }
0x3e: {  	[tilespmem:s11], [sflag:$0x1] =	stream.indirect.gather @!p1 [hbm4b:s2+s10], $0x80, s29, s10, $0xb8;
	[tilespmem:$0x1FC00] =	vst v63  }
0x3f: {  	p1 =	sne.s32 s5, $0x1  }
.Ltmp0:
0x40: {  	_ = 	snop;
	(pc) =	sbr.rel @!p1 .LBB2_3-.Ltmp0, $4  }
0x41: {  	s10 =	simm.s32 $0x2080  }
0x42: {  	[spmem:s3] =	stream.indirect.scatter.add.f32 [tilespmem:s24], [sflag:$0x3], $0x80, s10, s21, $0xb8;
	[tilespmem:$0x1FC00] =	vst v63  }
0x43: {  	s12 =	simm.s32 $0x2100;
	_ =	swait.ge [sflag:s20], $0x4000  }
0x44: {  	s14 =	simm.s32 $0x100;
	s11 =	simm.s32 $0x1;
	[sflag:s20] =	ssyncset.done $0x0  }
.LBB2_2:
0x45: {  	[sflag:s20] =	ssyncadd.s32 $0xFFFFC000  }
0x46: {  	s14 =	sadd.s32 $0x100, s14;
	s15 =	smov.u32 s11;
	s11 =	sadd.s32 $0x1, s11  }
0x47: {  	p1 =	sne.s32 s5, s11  }
0x48: {  	_ =	swait.ge [sflag:s23], $0x4000  }
0x49: {  	[sflag:s23] =	ssyncset.done $0x0  }
0x4a: {  	s16 =	sadd.s32 $0xFFFFFF80, s14;
	[sflag:s23] =	ssyncadd.s32 $0xFFFFC000  }
0x4b: {  	[tilespmem:s24], [sflag:$0x2] =	stream.indirect.gather [hbm4b:s2+s21], $0x80, s16, s21, $0xb8;
	[tilespmem:$0x1FC00] =	vst v63  }
0x4c: {  	_ = 	snop  }
0x4d: {  	[spmem:s3] =	stream.indirect.scatter.add.f32 [tilespmem:s22], [sflag:$0x3], $0x80, s12, s21, $0xb8;
	[tilespmem:$0x1FC00] =	vst v63  }
0x4e: {  	_ =	swait.ge [sflag:s20], $0x4000  }
0x4f: {  	[sflag:s20] =	ssyncset.done $0x0  }
0x50: {  	[sflag:s20] =	ssyncadd.s32 $0xFFFFC000  }
0x51: {  	_ =	swait.ge [sflag:s25], $0x4000  }
0x52: {  	p2 =	sge.s32 s15, s13;
	[sflag:s25] =	ssyncset.done $0x0  }
0x53: {  	s15 =	simm.s32 @!p2 $0x80;
	s16 =	simm.s32 @!p2 $0x4000;
	[sflag:s25] =	ssyncadd.s32 $0xFFFFC000  }
0x54: {  	[tilespmem:s16], [sflag:$0x1] =	stream.indirect.gather @!p2 [hbm4b:s2+s15], $0x80, s14, s15, $0xb8;
	[tilespmem:$0x1FC00] =	vst v63  }
.Ltmp1:
0x55: {  	_ = 	snop;
	(pc) =	sbr.rel @p1 .LBB2_2-.Ltmp1, $4  }
0x56: {  	s15 =	sadd.s32 $0x80, s12  }
0x57: {  	[spmem:s3] =	stream.indirect.scatter.add.f32 [tilespmem:s24], [sflag:$0x3], $0x80, s15, s21, $0xb8;
	[tilespmem:$0x1FC00] =	vst v63  }
0x58: {  	_ =	swait.ge [sflag:s20], $0x4000  }
0x59: {  	s12 =	sadd.s32 $0x100, s12;
	[sflag:s20] =	ssyncset.done $0x0  }
.LBB2_3:
0x5a: {  	[sflag:s20] =	ssyncadd.s32 $0xFFFFC000;
	s11 =	rddreg [dreg:$0xa]  }
0x5b: {  	[tilespmem:s31], [sflag:$0x3] =	stream.linear.gather @p0 [hbm4b:s11+s31], $0x800, $0x38;
	[tilespmem:$0x1FC00] =	vst v63  }
0x5c: {  	_ =	swait.ge @p0 [sflag:s30], $0x800  }
0x5d: {  	[sflag:s30] =	ssyncset.done @p0 $0x0  }
0x5e: {  	s11 =	rddreg [dreg:$0xb];
	[sflag:s30] =	ssyncadd.s32 @p0 $0xFFFFF800  }
0x5f: {  	[tilespmem:s4], [sflag:$0x3] =	stream.linear.gather @p0 [hbm4b:s11+s31], $0x800, $0x38;
	[tilespmem:$0x1FC00] =	vst v63  }
0x60: {  	_ =	swait.ge @p0 [sflag:s30], $0x800  }
0x61: {  	[sflag:s30] =	ssyncset.done @p0 $0x0  }
0x62: {  	s4 =	rddreg [dreg:$0xc];
	[sflag:s30] =	ssyncadd.s32 @p0 $0xFFFFF800  }
0x63: {  	[tilespmem:s1], [sflag:$0x3] =	stream.linear.gather @!p0 [hbm4b:s4+s1], $0x2000, $0x38;
	[tilespmem:$0x1FC00] =	vst v63  }
0x64: {  	_ =	swait.ge @!p0 [sflag:s0], $0x2000  }
0x65: {  	[sflag:s0] =	ssyncset.done @!p0 $0x0  }
0x66: {  	[sflag:s0] =	ssyncadd.s32 @!p0 $0xFFFFE000  }
0x67: {  	[tilespmem:s6], [sflag:$0x3] =	stream.linear.gather @!p0 [hbm4b:s17+s1], $0x2000, $0x38;
	[tilespmem:$0x1FC00] =	vst v63  }
0x68: {  	_ =	swait.ge @!p0 [sflag:s0], $0x2000  }
0x69: {  	[sflag:s0] =	ssyncset.done @!p0 $0x0  }
0x6a: {  	s31 =	simm.s32 $0x0;
	[sflag:s0] =	ssyncadd.s32 @!p0 $0xFFFFE000  }
0x6b: {  	[tilespmem:s22], [sflag:$0x1] =	stream.indirect.gather [hbm4b:s2+s21], $0x80, s31, s21, $0xb8;
	[tilespmem:$0x1FC00] =	vst v63  }
0x6c: {  	_ =	swait.ge [sflag:s23], $0x4000  }
0x6d: {  	[sflag:s23] =	ssyncset.done $0x0  }
0x6e: {  	[sflag:s23] =	ssyncadd.s32 $0xFFFFC000  }
0x6f: {  	[tilespmem:s24], [sflag:$0x2] =	stream.indirect.gather [hbm4b:s2+s21], $0x80, s7, s21, $0xb8;
	[tilespmem:$0x1FC00] =	vst v63  }
0x70: {  	_ = 	snop  }
0x71: {  	[spmem:s3] =	stream.indirect.scatter.add.f32 [tilespmem:s22], [sflag:$0x3], $0x80, s9, s21, $0xb8;
	[tilespmem:$0x1FC00] =	vst v63  }
0x72: {  	_ =	swait.ge [sflag:s20], $0x4000  }
0x73: {  	[sflag:s20] =	ssyncset.done $0x0  }
0x74: {  	[sflag:s20] =	ssyncadd.s32 $0xFFFFC000  }
0x75: {  	_ =	swait.ge [sflag:s25], $0x4000  }
0x76: {  	p1 =	sle.s32 s13, $0x0;
	[sflag:s25] =	ssyncset.done $0x0  }
0x77: {  	s1 =	simm.s32 @!p1 $0x4000;
	s0 =	simm.s32 @!p1 $0x80;
	[sflag:s25] =	ssyncadd.s32 $0xFFFFC000  }
0x78: {  	[tilespmem:s1], [sflag:$0x1] =	stream.indirect.gather @!p1 [hbm4b:s2+s0], $0x80, s29, s0, $0xb8;
	[tilespmem:$0x1FC00] =	vst v63  }
0x79: {  	p1 =	sne.s32 s5, $0x1  }
.Ltmp2:
0x7a: {  	_ = 	snop;
	(pc) =	sbr.rel @!p1 .LBB2_5-.Ltmp2, $4  }
0x7b: {  	_ = 	snop  }
0x7c: {  	[spmem:s3] =	stream.indirect.scatter.add.f32 [tilespmem:s24], [sflag:$0x3], $0x80, s10, s21, $0xb8;
	[tilespmem:$0x1FC00] =	vst v63  }
0x7d: {  	_ =	swait.ge [sflag:s20], $0x4000  }
0x7e: {  	s0 =	simm.s32 $0x1;
	s1 =	simm.s32 $0x2100;
	[sflag:s20] =	ssyncset.done $0x0  }
.LBB2_4:
0x7f: {  	[sflag:s20] =	ssyncadd.s32 $0xFFFFC000  }
0x80: {  	s29 =	sadd.s32 $0x100, s29;
	s4 =	smov.u32 s0;
	s0 =	sadd.s32 $0x1, s0  }
0x81: {  	p1 =	sne.s32 s5, s0  }
0x82: {  	_ =	swait.ge [sflag:s23], $0x4000  }
0x83: {  	[sflag:s23] =	ssyncset.done $0x0  }
0x84: {  	s6 =	sadd.s32 $0xFFFFFF80, s29;
	[sflag:s23] =	ssyncadd.s32 $0xFFFFC000  }
0x85: {  	[tilespmem:s24], [sflag:$0x2] =	stream.indirect.gather [hbm4b:s2+s21], $0x80, s6, s21, $0xb8;
	[tilespmem:$0x1FC00] =	vst v63  }
0x86: {  	_ = 	snop  }
0x87: {  	[spmem:s3] =	stream.indirect.scatter.add.f32 [tilespmem:s22], [sflag:$0x3], $0x80, s1, s21, $0xb8;
	[tilespmem:$0x1FC00] =	vst v63  }
0x88: {  	_ =	swait.ge [sflag:s20], $0x4000  }
0x89: {  	[sflag:s20] =	ssyncset.done $0x0  }
0x8a: {  	[sflag:s20] =	ssyncadd.s32 $0xFFFFC000  }
0x8b: {  	_ =	swait.ge [sflag:s25], $0x4000  }
0x8c: {  	p2 =	sge.s32 s4, s13;
	[sflag:s25] =	ssyncset.done $0x0  }
0x8d: {  	s4 =	simm.s32 @!p2 $0x80;
	s6 =	simm.s32 @!p2 $0x4000;
	[sflag:s25] =	ssyncadd.s32 $0xFFFFC000  }
0x8e: {  	[tilespmem:s6], [sflag:$0x1] =	stream.indirect.gather @!p2 [hbm4b:s2+s4], $0x80, s29, s4, $0xb8;
	[tilespmem:$0x1FC00] =	vst v63  }
.Ltmp3:
0x8f: {  	_ = 	snop;
	(pc) =	sbr.rel @p1 .LBB2_4-.Ltmp3, $4  }
0x90: {  	s4 =	sadd.s32 $0x80, s1  }
0x91: {  	[spmem:s3] =	stream.indirect.scatter.add.f32 [tilespmem:s24], [sflag:$0x3], $0x80, s4, s21, $0xb8;
	[tilespmem:$0x1FC00] =	vst v63  }
0x92: {  	_ =	swait.ge [sflag:s20], $0x4000  }
0x93: {  	s1 =	sadd.s32 $0x100, s1;
	[sflag:s20] =	ssyncset.done $0x0  }
.LBB2_5:
0x94: {  	s26 =	sadd.s32 $0x1, s26  }
0x95: {  	[sflag:s20] =	ssyncadd.s32 $0xFFFFC000;
	p1 =	sne.s32 s26, s19  }
.Ltmp4:
0x96: {  	[bflag:$0x0] =	sbarrier.arrive $0xFFFF;
	(pc) =	sbr.rel @p1 .LBB2_1-.Ltmp4, $4  }
0x97: {  	[hbm:s18], [sflag:s8] =	dma.local [spmem:s28], $0x2780  }
0x98: {  	_ =	swait.ge [sflag:s20], $0x2780  }
0x99: {  	[sflag:s20] =	ssyncset.done $0x0  }
0x9a: {  	[sflag:s20] =	ssyncadd.s32 $0xFFFFD880  }
0x9b: {  	_ =	sfence.sel $0x180000  }
0x9c: {  	[bflag:$0x0] =	sbarrier.arrive $0xFFFF  }
0x9d: {  	_ =	strace $0x9000004A  }
0x9e: {  	s0 =	stileid.u32;
	[bflag:$0x2] =	sbarrier.arrive $0xFFFF  }
0x9f: {  	p0 =	sne.s32 s0, $0x0;
	s0 =	rddreg [dreg:$0x3]  }
0xa0: {  	s0 =	sadd.s32 @!p0 $0x100000, s0  }
0xa1: {  	[sflag:s0] =	ssyncadd.tile.s32 @!p0 $0x1;
	_ =	shalt  }
.Lfunc_end2:
_tile_overlayer_lowered:
.L_overlay_start_2:
0xa2: {  	(tag) =	ssettag $0x2  }
0xa3: {  	s0 =	rddreg [dreg:$0x0];
	s2 =	stileid.u32  }
0xa4: {  	s1 =	rddreg [dreg:$0x1];
	p0 =	sne.s32 s2, $0x0  }
0xa5: {  	s3 =	rddreg [dreg:$0x2];
	[bflag:$0x3] =	sbarrier.arrive $0xFFFF;
	s2 =	simm.s32 @!p0 $0x1C03  }
0xa6: {  	[timem:s3], [sflag:s2] =	dma.local @!p0 [hbm:s0], s1  }
0xa7: {  	s0 =	simm.s32 @!p0 $0x3  }
0xa8: {  	_ =	swait.ge @!p0 [sflag:s0], s1  }
0xa9: {  	s1 =	ssub.s32 @!p0 $0x0, s1;
	[sflag:s0] =	ssyncset.done @!p0 $0x0  }
0xaa: {  	[sflag:s0] =	ssyncadd.s32 @!p0 s1  }
0xab: {  	[bflag:$0x3] =	sbarrier.arrive $0xFFFF  }
0xac: {  	_ =	shalt  }

</sc_bundles>
